<compile_context>
chip_gen: v7x
topology: tpu7x:2x2x1
jax: 0.10.2.dev20260603
libtpu: 0.0.44.dev20260713+nightly
codegen_flags: <defaults>
</compile_context>

<pallas_src>
import jax
import jax.numpy as jnp
from jax import lax
from jax.experimental import pallas as pl
from jax.experimental.pallas import tpu as pltpu
from jax.experimental.pallas import tpu_sc as plsc

_B = 16384
_K = 20
_D = 64
_NC = 2
_NS = 16
_NW = _NC * _NS
_BPW = _B // _NW
_T = 32
_NT = _BPW // _T
_TK = _T * _K
_NCHUNK = _TK // 128
_OC = 32


def _sc_logits_kernel(src_hbm, pos_hbm, negs_hbm, emb_hbm, ctx_hbm, out_hbm,
                      sidx, pidx, nidx,
                      erows0, erows1, prows0, prows1, nrows0, nrows1,
                      outv, scr, sem0, sem1):
    wid = lax.axis_index("s") * _NC + lax.axis_index("c")
    base = wid * _BPW
    col0 = lax.iota(jnp.int32, 16) * 16
    bufs = ((erows0, prows0, nrows0, sem0),
            (erows1, prows1, nrows1, sem1))

    pltpu.sync_copy(src_hbm.at[pl.ds(base, _BPW)], sidx)
    pltpu.sync_copy(pos_hbm.at[pl.ds(base, _BPW)], pidx)
    pltpu.sync_copy(negs_hbm.at[pl.ds(base * _K, _BPW * _K)], nidx)

    def gather_descs(t, b):
        erows, prows, nrows, sem = bufs[b]
        descs = [(emb_hbm.at[sidx.at[pl.ds(t * _T, _T)]], erows, sem),
                 (ctx_hbm.at[pidx.at[pl.ds(t * _T, _T)]], prows, sem)]
        for c in range(_NCHUNK):
            descs.append(
                (ctx_hbm.at[nidx.at[pl.ds(t * _TK + c * 128, 128)]],
                 nrows.at[pl.ds(c * 128, 128)], sem))
        return descs

    def issue(t, b):
        for d in gather_descs(t, b):
            pltpu.async_copy(*d)

    def drain(t, b):
        for d in gather_descs(t, b):
            pltpu.make_async_copy(*d).wait()

    def compute(t, b):
        erows, prows, nrows, _ = bufs[b]
        tb = base + t * _T

        def sample_body(i, carry2):
            e = [erows[i, pl.ds(c * 16, 16)] for c in range(4)]

            def dot_to(j, load_r):
                p01 = e[0] * load_r(0) + e[1] * load_r(1)
                p23 = e[2] * load_r(2) + e[3] * load_r(3)
                scr[pl.ds(j * 16, 16)] = p01 + p23

            def col_sum():
                acc = plsc.load_gather(scr, [col0])
                for c in range(1, 16):
                    acc = acc + plsc.load_gather(scr, [col0 + c])
                return acc

            dot_to(0, lambda c: prows[i, pl.ds(c * 16, 16)])
            for k in range(15):
                dot_to(1 + k,
                       lambda c, k=k: nrows[i * _K + k, pl.ds(c * 16, 16)])
            outv[i, pl.ds(0, 16)] = col_sum()
            for k in range(15, _K):
                dot_to(k - 15,
                       lambda c, k=k: nrows[i * _K + k, pl.ds(c * 16, 16)])
            outv[i, pl.ds(16, 16)] = col_sum()
            return carry2

        lax.fori_loop(0, _T, sample_body, 0)
        pltpu.sync_copy(outv, out_hbm.at[pl.ds(tb, _T), :])

    issue(0, 0)

    def pair_body(g, carry):
        t0 = 2 * g
        issue(t0 + 1, 1)
        drain(t0, 0)
        compute(t0, 0)

        @pl.when(t0 + 2 < _NT)
        def _():
            issue(t0 + 2, 0)

        drain(t0 + 1, 1)
        compute(t0 + 1, 1)
        return carry

    lax.fori_loop(0, _NT // 2, pair_body, 0)


_sc_call = pl.kernel(
    _sc_logits_kernel,
    out_type=jax.ShapeDtypeStruct((_B, _OC), jnp.float32),
    mesh=plsc.VectorSubcoreMesh(core_axis_name="c", subcore_axis_name="s"),
    compiler_params=pltpu.CompilerParams(needs_layout_passes=False,
                                         use_tc_tiling_on_sc=False),
    scratch_types=[
        pltpu.VMEM((_BPW,), jnp.int32),
        pltpu.VMEM((_BPW,), jnp.int32),
        pltpu.VMEM((_BPW * _K,), jnp.int32),
        pltpu.VMEM((_T, _D), jnp.float32),
        pltpu.VMEM((_T, _D), jnp.float32),
        pltpu.VMEM((_T, _D), jnp.float32),
        pltpu.VMEM((_T, _D), jnp.float32),
        pltpu.VMEM((_TK, _D), jnp.float32),
        pltpu.VMEM((_TK, _D), jnp.float32),
        pltpu.VMEM((_T, _OC), jnp.float32),
        pltpu.VMEM((256,), jnp.float32),
        pltpu.SemaphoreType.DMA,
        pltpu.SemaphoreType.DMA,
    ],
)


def _tc_loss_kernel(x_ref, o_ref):
    x = x_ref[...]
    col = lax.broadcasted_iota(jnp.int32, x.shape, 1) % _OC
    z = jnp.where(col == 0, x, -x)
    ls = jnp.minimum(z, 0.0) - jnp.log1p(jnp.exp(-jnp.abs(z)))
    ls = jnp.where(col < _K + 1, ls, 0.0)
    o_ref[0, 0] = -jnp.sum(ls) / _B


@jax.jit
def kernel(src, pos, negs, embedder_W, context_W):
    logits = _sc_call(src.reshape(_B), pos.reshape(_B),
                      negs.reshape(_B * _K),
                      embedder_W, context_W)
    x = logits.reshape(_B * _OC // 128, 128)
    loss = pl.pallas_call(
        _tc_loss_kernel,
        out_shape=jax.ShapeDtypeStruct((1, 1), jnp.float32),
        out_specs=pl.BlockSpec(memory_space=pltpu.SMEM),
    )(x)
    return loss[0, 0]

# --- scband reference (transcript-rebuilt; emitter-appended) ---
"""Pipeline reference for scband-unsupervised-model-90177133346941 (READ-ONLY COPY).

The authoritative reference and input builder live on the scoring server;
editing this copy changes nothing except your own understanding.
"""

import jax, jax.numpy as jnp
import numpy as np

B = 16384
K_NEG = 20
NODE_NUMS = 1000000
EMBED_DIM = 64

def setup_inputs(seed: int = 0) -> dict:
    key = jax.random.key(seed)
    k1, k2, k3, k4, k5 = jax.random.split(key, 5)
    src = jax.random.randint(k1, (B, 1), 0, NODE_NUMS, dtype=jnp.int64 if jax.config.jax_enable_x64 else jnp.int32).astype(jnp.int32)
    pos = jax.random.randint(k2, (B, 1), 0, NODE_NUMS, dtype=jnp.int32)
    negs = jax.random.randint(k3, (B, K_NEG), 0, NODE_NUMS, dtype=jnp.int32)
    # Learned parameters: embedder and context_embedder tables, (node_nums+1, embedding_dim)
    embedder_W = jax.random.normal(k4, (NODE_NUMS + 1, EMBED_DIM), dtype=jnp.float32)
    context_W = jax.random.normal(k5, (NODE_NUMS + 1, EMBED_DIM), dtype=jnp.float32)
    return {"src": src, "pos": pos, "negs": negs, "embedder_W": embedder_W, "context_W": context_W}

def reference(src, pos, negs, embedder_W, context_W):
    # embedding lookups (gather)
    embedding = jnp.take(embedder_W, src, axis=0)          # [B, 1, d]
    pos_embedding = jnp.take(context_W, pos, axis=0)       # [B, 1, d]
    negs_embedding = jnp.take(context_W, negs, axis=0)     # [B, K, d]
    logits = jnp.sum(embedding * pos_embedding, axis=2)    # [B, 1]
    negs_logits = jnp.sum(embedding * negs_embedding, axis=2)  # [B, K]
    pos_loss = jax.nn.log_sigmoid(logits).sum(axis=-1)     # [B]
    negs_loss = jax.nn.log_sigmoid(-negs_logits).sum(axis=-1)  # [B]
    loss = -(pos_loss + negs_loss).mean()
    return loss

if __name__ == "__main__":
    import jax
    _d = setup_inputs()
    print(jax.jit(kernel)(*tuple(_d.values())))

</pallas_src>

<mosaic_0001>
#map = affine_map<(d0, d1) -> (0)>
#map1 = affine_map<(d0, d1) -> (0, 0)>
module attributes {stable_mosaic.version = 14 : i64} {
  func.func @_sc_logits_kernel(%arg0: i32, %arg1: i32, %arg2: memref<16384xi32, #tpu.memory_space<hbm>>, %arg3: memref<16384xi32, #tpu.memory_space<hbm>>, %arg4: memref<327680xi32, #tpu.memory_space<hbm>>, %arg5: memref<1000001x64xf32, #tpu.memory_space<hbm>>, %arg6: memref<1000001x64xf32, #tpu.memory_space<hbm>>, %arg7: memref<16384x32xf32, #tpu.memory_space<hbm>>, %arg8: memref<512xi32, #tpu.memory_space<vmem>>, %arg9: memref<512xi32, #tpu.memory_space<vmem>>, %arg10: memref<10240xi32, #tpu.memory_space<vmem>>, %arg11: memref<32x64xf32, #tpu.memory_space<vmem>>, %arg12: memref<32x64xf32, #tpu.memory_space<vmem>>, %arg13: memref<32x64xf32, #tpu.memory_space<vmem>>, %arg14: memref<32x64xf32, #tpu.memory_space<vmem>>, %arg15: memref<640x64xf32, #tpu.memory_space<vmem>>, %arg16: memref<640x64xf32, #tpu.memory_space<vmem>>, %arg17: memref<32x32xf32, #tpu.memory_space<vmem>>, %arg18: memref<256xf32, #tpu.memory_space<vmem>>, %arg19: memref<!tpu.dma_semaphore, #tpu.memory_space<semaphore_mem>>, %arg20: memref<!tpu.dma_semaphore, #tpu.memory_space<semaphore_mem>>) attributes {dimension_semantics = [#tpu.dimension_semantics<core_parallel>, #tpu.dimension_semantics<subcore_parallel>], iteration_bounds = array<i64: 2, 16>, scalar_prefetch = 0 : i64, scratch_operands = 13 : i64, tpu.core_type = #tpu.core_type<sc_vector_subcore>, window_params = [{transform_indices = #map}, {transform_indices = #map}, {transform_indices = #map}, {transform_indices = #map1}, {transform_indices = #map1}, {transform_indices = #map1}]} {
    %mul3A = arith.constant 2 : i32
    %mul3A_0 = arith.muli %arg1, %mul3A : i32
    %add3A = arith.addi %mul3A_0, %arg0 : i32
    %mul3A_1 = arith.constant 512 : i32
    %mul3A_2 = arith.muli %add3A, %mul3A_1 : i32
    %iota3A = tpu.iota {dimensions = array<i32: 0>} : vector<16xi32>
    %mul3A_3 = arith.constant 16 : i32
    %mul3A_4 = vector.broadcast %mul3A_3 : i32 to vector<16xi32>
    %mul3A_5 = arith.muli %iota3A, %mul3A_4 : vector<16xi32>
    "tpu.region"() ({
      %run_scoped3A = tpu.sem_alloc : memref<!tpu.dma_semaphore, #tpu.memory_space<semaphore_mem>>
      %dma_start3A_62 = tpu.memref_slice %arg2[%mul3A_2] : memref<16384xi32, #tpu.memory_space<hbm>> -> memref<512xi32, #tpu.memory_space<hbm>>
      %dma_start3A_63 = tpu.memref_slice %arg2[%mul3A_2] : memref<16384xi32, #tpu.memory_space<hbm>> -> memref<512xi32, #tpu.memory_space<hbm>>
      tpu.enqueue_dma source(%dma_start3A_63 : memref<512xi32, #tpu.memory_space<hbm>>) target(%arg8 : memref<512xi32, #tpu.memory_space<vmem>>) target_semaphore(%run_scoped3A : memref<!tpu.dma_semaphore, #tpu.memory_space<semaphore_mem>>)
      %dma_wait3A = tpu.memref_slice %arg2[%mul3A_2] : memref<16384xi32, #tpu.memory_space<hbm>> -> memref<512xi32, #tpu.memory_space<hbm>>
      %dma_wait3A_64 = tpu.memref_slice %arg2[%mul3A_2] : memref<16384xi32, #tpu.memory_space<hbm>> -> memref<512xi32, #tpu.memory_space<hbm>>
      tpu.wait_dma2 semaphore(%run_scoped3A : memref<!tpu.dma_semaphore, #tpu.memory_space<semaphore_mem>>) src(%dma_wait3A_64 : memref<512xi32, #tpu.memory_space<hbm>>) dst(%arg8 : memref<512xi32, #tpu.memory_space<vmem>>)
      tpu.yield
    }) : () -> ()
    "tpu.region"() ({
      %run_scoped3A = tpu.sem_alloc : memref<!tpu.dma_semaphore, #tpu.memory_space<semaphore_mem>>
      %dma_start3A_62 = tpu.memref_slice %arg3[%mul3A_2] : memref<16384xi32, #tpu.memory_space<hbm>> -> memref<512xi32, #tpu.memory_space<hbm>>
      %dma_start3A_63 = tpu.memref_slice %arg3[%mul3A_2] : memref<16384xi32, #tpu.memory_space<hbm>> -> memref<512xi32, #tpu.memory_space<hbm>>
      tpu.enqueue_dma source(%dma_start3A_63 : memref<512xi32, #tpu.memory_space<hbm>>) target(%arg9 : memref<512xi32, #tpu.memory_space<vmem>>) target_semaphore(%run_scoped3A : memref<!tpu.dma_semaphore, #tpu.memory_space<semaphore_mem>>)
      %dma_wait3A = tpu.memref_slice %arg3[%mul3A_2] : memref<16384xi32, #tpu.memory_space<hbm>> -> memref<512xi32, #tpu.memory_space<hbm>>
      %dma_wait3A_64 = tpu.memref_slice %arg3[%mul3A_2] : memref<16384xi32, #tpu.memory_space<hbm>> -> memref<512xi32, #tpu.memory_space<hbm>>
      tpu.wait_dma2 semaphore(%run_scoped3A : memref<!tpu.dma_semaphore, #tpu.memory_space<semaphore_mem>>) src(%dma_wait3A_64 : memref<512xi32, #tpu.memory_space<hbm>>) dst(%arg9 : memref<512xi32, #tpu.memory_space<vmem>>)
      tpu.yield
    }) : () -> ()
    %mul3A_6 = arith.constant 20 : i32
    %mul3A_7 = arith.muli %mul3A_2, %mul3A_6 : i32
    "tpu.region"() ({
      %run_scoped3A = tpu.sem_alloc : memref<!tpu.dma_semaphore, #tpu.memory_space<semaphore_mem>>
      %dma_start3A_62 = tpu.memref_slice %arg4[%mul3A_7] : memref<327680xi32, #tpu.memory_space<hbm>> -> memref<10240xi32, #tpu.memory_space<hbm>>
      %dma_start3A_63 = tpu.memref_slice %arg4[%mul3A_7] : memref<327680xi32, #tpu.memory_space<hbm>> -> memref<10240xi32, #tpu.memory_space<hbm>>
      tpu.enqueue_dma source(%dma_start3A_63 : memref<10240xi32, #tpu.memory_space<hbm>>) target(%arg10 : memref<10240xi32, #tpu.memory_space<vmem>>) target_semaphore(%run_scoped3A : memref<!tpu.dma_semaphore, #tpu.memory_space<semaphore_mem>>)
      %dma_wait3A = tpu.memref_slice %arg4[%mul3A_7] : memref<327680xi32, #tpu.memory_space<hbm>> -> memref<10240xi32, #tpu.memory_space<hbm>>
      %dma_wait3A_64 = tpu.memref_slice %arg4[%mul3A_7] : memref<327680xi32, #tpu.memory_space<hbm>> -> memref<10240xi32, #tpu.memory_space<hbm>>
      tpu.wait_dma2 semaphore(%run_scoped3A : memref<!tpu.dma_semaphore, #tpu.memory_space<semaphore_mem>>) src(%dma_wait3A_64 : memref<10240xi32, #tpu.memory_space<hbm>>) dst(%arg10 : memref<10240xi32, #tpu.memory_space<vmem>>)
      tpu.yield
    }) : () -> ()
    %dma_start3A = arith.constant 0 : i32
    %dma_start3A_8 = tpu.memref_slice %arg8[%dma_start3A] : memref<512xi32, #tpu.memory_space<vmem>> -> memref<32xi32, #tpu.memory_space<vmem>>
    %dma_start3A_9 = arith.constant 0 : i32
    %dma_start3A_10 = arith.constant 0 : i32
    %dma_start3A_11 = tpu.memref_slice %arg5[%dma_start3A_9, %dma_start3A_10] : memref<1000001x64xf32, #tpu.memory_space<hbm>> -> memref<1000001x64xf32, #tpu.memory_space<hbm>>
    tpu.enqueue_indirect_dma source(%dma_start3A_11 : memref<1000001x64xf32, #tpu.memory_space<hbm>>) target(%arg11 : memref<32x64xf32, #tpu.memory_space<vmem>>) offsets(%dma_start3A_8 : memref<32xi32, #tpu.memory_space<vmem>>) semaphore(%arg19 : memref<!tpu.dma_semaphore, #tpu.memory_space<semaphore_mem>>)
    %dma_start3A_12 = arith.constant 0 : i32
    %dma_start3A_13 = tpu.memref_slice %arg9[%dma_start3A_12] : memref<512xi32, #tpu.memory_space<vmem>> -> memref<32xi32, #tpu.memory_space<vmem>>
    %dma_start3A_14 = arith.constant 0 : i32
    %dma_start3A_15 = arith.constant 0 : i32
    %dma_start3A_16 = tpu.memref_slice %arg6[%dma_start3A_14, %dma_start3A_15] : memref<1000001x64xf32, #tpu.memory_space<hbm>> -> memref<1000001x64xf32, #tpu.memory_space<hbm>>
    tpu.enqueue_indirect_dma source(%dma_start3A_16 : memref<1000001x64xf32, #tpu.memory_space<hbm>>) target(%arg13 : memref<32x64xf32, #tpu.memory_space<vmem>>) offsets(%dma_start3A_13 : memref<32xi32, #tpu.memory_space<vmem>>) semaphore(%arg19 : memref<!tpu.dma_semaphore, #tpu.memory_space<semaphore_mem>>)
    %dma_start3A_17 = arith.constant 0 : i32
    %dma_start3A_18 = arith.constant 0 : i32
    %dma_start3A_19 = tpu.memref_slice %arg15[%dma_start3A_17, %dma_start3A_18] : memref<640x64xf32, #tpu.memory_space<vmem>> -> memref<128x64xf32, #tpu.memory_space<vmem>>
    %dma_start3A_20 = arith.constant 0 : i32
    %dma_start3A_21 = tpu.memref_slice %arg10[%dma_start3A_20] : memref<10240xi32, #tpu.memory_space<vmem>> -> memref<128xi32, #tpu.memory_space<vmem>>
    %dma_start3A_22 = arith.constant 0 : i32
    %dma_start3A_23 = arith.constant 0 : i32
    %dma_start3A_24 = tpu.memref_slice %arg6[%dma_start3A_22, %dma_start3A_23] : memref<1000001x64xf32, #tpu.memory_space<hbm>> -> memref<1000001x64xf32, #tpu.memory_space<hbm>>
    tpu.enqueue_indirect_dma source(%dma_start3A_24 : memref<1000001x64xf32, #tpu.memory_space<hbm>>) target(%dma_start3A_19 : memref<128x64xf32, #tpu.memory_space<vmem>>) offsets(%dma_start3A_21 : memref<128xi32, #tpu.memory_space<vmem>>) semaphore(%arg19 : memref<!tpu.dma_semaphore, #tpu.memory_space<semaphore_mem>>)
    %dma_start3A_25 = arith.constant 128 : i32
    %dma_start3A_26 = arith.constant 0 : i32
    %dma_start3A_27 = tpu.memref_slice %arg15[%dma_start3A_25, %dma_start3A_26] : memref<640x64xf32, #tpu.memory_space<vmem>> -> memref<128x64xf32, #tpu.memory_space<vmem>>
    %dma_start3A_28 = arith.constant 128 : i32
    %dma_start3A_29 = tpu.memref_slice %arg10[%dma_start3A_28] : memref<10240xi32, #tpu.memory_space<vmem>> -> memref<128xi32, #tpu.memory_space<vmem>>
    %dma_start3A_30 = arith.constant 0 : i32
    %dma_start3A_31 = arith.constant 0 : i32
    %dma_start3A_32 = tpu.memref_slice %arg6[%dma_start3A_30, %dma_start3A_31] : memref<1000001x64xf32, #tpu.memory_space<hbm>> -> memref<1000001x64xf32, #tpu.memory_space<hbm>>
    tpu.enqueue_indirect_dma source(%dma_start3A_32 : memref<1000001x64xf32, #tpu.memory_space<hbm>>) target(%dma_start3A_27 : memref<128x64xf32, #tpu.memory_space<vmem>>) offsets(%dma_start3A_29 : memref<128xi32, #tpu.memory_space<vmem>>) semaphore(%arg19 : memref<!tpu.dma_semaphore, #tpu.memory_space<semaphore_mem>>)
    %dma_start3A_33 = arith.constant 256 : i32
    %dma_start3A_34 = arith.constant 0 : i32
    %dma_start3A_35 = tpu.memref_slice %arg15[%dma_start3A_33, %dma_start3A_34] : memref<640x64xf32, #tpu.memory_space<vmem>> -> memref<128x64xf32, #tpu.memory_space<vmem>>
    %dma_start3A_36 = arith.constant 256 : i32
    %dma_start3A_37 = tpu.memref_slice %arg10[%dma_start3A_36] : memref<10240xi32, #tpu.memory_space<vmem>> -> memref<128xi32, #tpu.memory_space<vmem>>
    %dma_start3A_38 = arith.constant 0 : i32
    %dma_start3A_39 = arith.constant 0 : i32
    %dma_start3A_40 = tpu.memref_slice %arg6[%dma_start3A_38, %dma_start3A_39] : memref<1000001x64xf32, #tpu.memory_space<hbm>> -> memref<1000001x64xf32, #tpu.memory_space<hbm>>
    tpu.enqueue_indirect_dma source(%dma_start3A_40 : memref<1000001x64xf32, #tpu.memory_space<hbm>>) target(%dma_start3A_35 : memref<128x64xf32, #tpu.memory_space<vmem>>) offsets(%dma_start3A_37 : memref<128xi32, #tpu.memory_space<vmem>>) semaphore(%arg19 : memref<!tpu.dma_semaphore, #tpu.memory_space<semaphore_mem>>)
    %dma_start3A_41 = arith.constant 384 : i32
    %dma_start3A_42 = arith.constant 0 : i32
    %dma_start3A_43 = tpu.memref_slice %arg15[%dma_start3A_41, %dma_start3A_42] : memref<640x64xf32, #tpu.memory_space<vmem>> -> memref<128x64xf32, #tpu.memory_space<vmem>>
    %dma_start3A_44 = arith.constant 384 : i32
    %dma_start3A_45 = tpu.memref_slice %arg10[%dma_start3A_44] : memref<10240xi32, #tpu.memory_space<vmem>> -> memref<128xi32, #tpu.memory_space<vmem>>
    %dma_start3A_46 = arith.constant 0 : i32
    %dma_start3A_47 = arith.constant 0 : i32
    %dma_start3A_48 = tpu.memref_slice %arg6[%dma_start3A_46, %dma_start3A_47] : memref<1000001x64xf32, #tpu.memory_space<hbm>> -> memref<1000001x64xf32, #tpu.memory_space<hbm>>
    tpu.enqueue_indirect_dma source(%dma_start3A_48 : memref<1000001x64xf32, #tpu.memory_space<hbm>>) target(%dma_start3A_43 : memref<128x64xf32, #tpu.memory_space<vmem>>) offsets(%dma_start3A_45 : memref<128xi32, #tpu.memory_space<vmem>>) semaphore(%arg19 : memref<!tpu.dma_semaphore, #tpu.memory_space<semaphore_mem>>)
    %dma_start3A_49 = arith.constant 512 : i32
    %dma_start3A_50 = arith.constant 0 : i32
    %dma_start3A_51 = tpu.memref_slice %arg15[%dma_start3A_49, %dma_start3A_50] : memref<640x64xf32, #tpu.memory_space<vmem>> -> memref<128x64xf32, #tpu.memory_space<vmem>>
    %dma_start3A_52 = arith.constant 512 : i32
    %dma_start3A_53 = tpu.memref_slice %arg10[%dma_start3A_52] : memref<10240xi32, #tpu.memory_space<vmem>> -> memref<128xi32, #tpu.memory_space<vmem>>
    %dma_start3A_54 = arith.constant 0 : i32
    %dma_start3A_55 = arith.constant 0 : i32
    %dma_start3A_56 = tpu.memref_slice %arg6[%dma_start3A_54, %dma_start3A_55] : memref<1000001x64xf32, #tpu.memory_space<hbm>> -> memref<1000001x64xf32, #tpu.memory_space<hbm>>
    tpu.enqueue_indirect_dma source(%dma_start3A_56 : memref<1000001x64xf32, #tpu.memory_space<hbm>>) target(%dma_start3A_51 : memref<128x64xf32, #tpu.memory_space<vmem>>) offsets(%dma_start3A_53 : memref<128xi32, #tpu.memory_space<vmem>>) semaphore(%arg19 : memref<!tpu.dma_semaphore, #tpu.memory_space<semaphore_mem>>)
    %scan3A = arith.constant 0 : i32
    %scan3A_57 = arith.constant 0 : i32
    %scan3A_58 = arith.constant 8 : i32
    %scan3A_59 = arith.addi %scan3A_57, %scan3A_58 : i32
    %scan3A_60 = arith.constant 1 : i32
    scf.for %scan3A_62 = %scan3A_57 to %scan3A_59 step %scan3A_60  : i32 {
      %mul3A_63 = arith.constant 2 : i32
      %mul3A_64 = arith.muli %mul3A_63, %scan3A_62 : i32
      %add3A_65 = arith.constant 1 : i32
      %add3A_66 = arith.addi %mul3A_64, %add3A_65 : i32
      %mul3A_67 = arith.constant 32 : i32
      %mul3A_68 = arith.muli %add3A_66, %mul3A_67 : i32
      %mul3A_69 = arith.constant 32 : i32
      %mul3A_70 = arith.muli %add3A_66, %mul3A_69 : i32
      %mul3A_71 = arith.constant 640 : i32
      %mul3A_72 = arith.muli %add3A_66, %mul3A_71 : i32
      %add3A_73 = arith.constant 0 : i32
      %add3A_74 = arith.addi %mul3A_72, %add3A_73 : i32
      %mul3A_75 = arith.constant 640 : i32
      %mul3A_76 = arith.muli %add3A_66, %mul3A_75 : i32
      %add3A_77 = arith.constant 128 : i32
      %add3A_78 = arith.addi %mul3A_76, %add3A_77 : i32
      %mul3A_79 = arith.constant 640 : i32
      %mul3A_80 = arith.muli %add3A_66, %mul3A_79 : i32
      %add3A_81 = arith.constant 256 : i32
      %add3A_82 = arith.addi %mul3A_80, %add3A_81 : i32
      %mul3A_83 = arith.constant 640 : i32
      %mul3A_84 = arith.muli %add3A_66, %mul3A_83 : i32
      %add3A_85 = arith.constant 384 : i32
      %add3A_86 = arith.addi %mul3A_84, %add3A_85 : i32
      %mul3A_87 = arith.constant 640 : i32
      %mul3A_88 = arith.muli %add3A_66, %mul3A_87 : i32
      %add3A_89 = arith.constant 512 : i32
      %add3A_90 = arith.addi %mul3A_88, %add3A_89 : i32
      %dma_start3A_91 = tpu.memref_slice %arg8[%mul3A_68] : memref<512xi32, #tpu.memory_space<vmem>> -> memref<32xi32, #tpu.memory_space<vmem>>
      %dma_start3A_92 = arith.constant 0 : i32
      %dma_start3A_93 = arith.constant 0 : i32
      %dma_start3A_94 = tpu.memref_slice %arg5[%dma_start3A_92, %dma_start3A_93] : memref<1000001x64xf32, #tpu.memory_space<hbm>> -> memref<1000001x64xf32, #tpu.memory_space<hbm>>
      tpu.enqueue_indirect_dma source(%dma_start3A_94 : memref<1000001x64xf32, #tpu.memory_space<hbm>>) target(%arg12 : memref<32x64xf32, #tpu.memory_space<vmem>>) offsets(%dma_start3A_91 : memref<32xi32, #tpu.memory_space<vmem>>) semaphore(%arg20 : memref<!tpu.dma_semaphore, #tpu.memory_space<semaphore_mem>>)
      %dma_start3A_95 = tpu.memref_slice %arg9[%mul3A_70] : memref<512xi32, #tpu.memory_space<vmem>> -> memref<32xi32, #tpu.memory_space<vmem>>
      %dma_start3A_96 = arith.constant 0 : i32
      %dma_start3A_97 = arith.constant 0 : i32
      %dma_start3A_98 = tpu.memref_slice %arg6[%dma_start3A_96, %dma_start3A_97] : memref<1000001x64xf32, #tpu.memory_space<hbm>> -> memref<1000001x64xf32, #tpu.memory_space<hbm>>
      tpu.enqueue_indirect_dma source(%dma_start3A_98 : memref<1000001x64xf32, #tpu.memory_space<hbm>>) target(%arg14 : memref<32x64xf32, #tpu.memory_space<vmem>>) offsets(%dma_start3A_95 : memref<32xi32, #tpu.memory_space<vmem>>) semaphore(%arg20 : memref<!tpu.dma_semaphore, #tpu.memory_space<semaphore_mem>>)
      %dma_start3A_99 = arith.constant 0 : i32
      %dma_start3A_100 = arith.constant 0 : i32
      %dma_start3A_101 = tpu.memref_slice %arg16[%dma_start3A_99, %dma_start3A_100] : memref<640x64xf32, #tpu.memory_space<vmem>> -> memref<128x64xf32, #tpu.memory_space<vmem>>
      %dma_start3A_102 = tpu.memref_slice %arg10[%add3A_74] : memref<10240xi32, #tpu.memory_space<vmem>> -> memref<128xi32, #tpu.memory_space<vmem>>
      %dma_start3A_103 = arith.constant 0 : i32
      %dma_start3A_104 = arith.constant 0 : i32
      %dma_start3A_105 = tpu.memref_slice %arg6[%dma_start3A_103, %dma_start3A_104] : memref<1000001x64xf32, #tpu.memory_space<hbm>> -> memref<1000001x64xf32, #tpu.memory_space<hbm>>
      tpu.enqueue_indirect_dma source(%dma_start3A_105 : memref<1000001x64xf32, #tpu.memory_space<hbm>>) target(%dma_start3A_101 : memref<128x64xf32, #tpu.memory_space<vmem>>) offsets(%dma_start3A_102 : memref<128xi32, #tpu.memory_space<vmem>>) semaphore(%arg20 : memref<!tpu.dma_semaphore, #tpu.memory_space<semaphore_mem>>)
      %dma_start3A_106 = arith.constant 128 : i32
      %dma_start3A_107 = arith.constant 0 : i32
      %dma_start3A_108 = tpu.memref_slice %arg16[%dma_start3A_106, %dma_start3A_107] : memref<640x64xf32, #tpu.memory_space<vmem>> -> memref<128x64xf32, #tpu.memory_space<vmem>>
      %dma_start3A_109 = tpu.memref_slice %arg10[%add3A_78] : memref<10240xi32, #tpu.memory_space<vmem>> -> memref<128xi32, #tpu.memory_space<vmem>>
      %dma_start3A_110 = arith.constant 0 : i32
      %dma_start3A_111 = arith.constant 0 : i32
      %dma_start3A_112 = tpu.memref_slice %arg6[%dma_start3A_110, %dma_start3A_111] : memref<1000001x64xf32, #tpu.memory_space<hbm>> -> memref<1000001x64xf32, #tpu.memory_space<hbm>>
      tpu.enqueue_indirect_dma source(%dma_start3A_112 : memref<1000001x64xf32, #tpu.memory_space<hbm>>) target(%dma_start3A_108 : memref<128x64xf32, #tpu.memory_space<vmem>>) offsets(%dma_start3A_109 : memref<128xi32, #tpu.memory_space<vmem>>) semaphore(%arg20 : memref<!tpu.dma_semaphore, #tpu.memory_space<semaphore_mem>>)
      %dma_start3A_113 = arith.constant 256 : i32
      %dma_start3A_114 = arith.constant 0 : i32
      %dma_start3A_115 = tpu.memref_slice %arg16[%dma_start3A_113, %dma_start3A_114] : memref<640x64xf32, #tpu.memory_space<vmem>> -> memref<128x64xf32, #tpu.memory_space<vmem>>
      %dma_start3A_116 = tpu.memref_slice %arg10[%add3A_82] : memref<10240xi32, #tpu.memory_space<vmem>> -> memref<128xi32, #tpu.memory_space<vmem>>
      %dma_start3A_117 = arith.constant 0 : i32
      %dma_start3A_118 = arith.constant 0 : i32
      %dma_start3A_119 = tpu.memref_slice %arg6[%dma_start3A_117, %dma_start3A_118] : memref<1000001x64xf32, #tpu.memory_space<hbm>> -> memref<1000001x64xf32, #tpu.memory_space<hbm>>
      tpu.enqueue_indirect_dma source(%dma_start3A_119 : memref<1000001x64xf32, #tpu.memory_space<hbm>>) target(%dma_start3A_115 : memref<128x64xf32, #tpu.memory_space<vmem>>) offsets(%dma_start3A_116 : memref<128xi32, #tpu.memory_space<vmem>>) semaphore(%arg20 : memref<!tpu.dma_semaphore, #tpu.memory_space<semaphore_mem>>)
      %dma_start3A_120 = arith.constant 384 : i32
      %dma_start3A_121 = arith.constant 0 : i32
      %dma_start3A_122 = tpu.memref_slice %arg16[%dma_start3A_120, %dma_start3A_121] : memref<640x64xf32, #tpu.memory_space<vmem>> -> memref<128x64xf32, #tpu.memory_space<vmem>>
      %dma_start3A_123 = tpu.memref_slice %arg10[%add3A_86] : memref<10240xi32, #tpu.memory_space<vmem>> -> memref<128xi32, #tpu.memory_space<vmem>>
      %dma_start3A_124 = arith.constant 0 : i32
      %dma_start3A_125 = arith.constant 0 : i32
      %dma_start3A_126 = tpu.memref_slice %arg6[%dma_start3A_124, %dma_start3A_125] : memref<1000001x64xf32, #tpu.memory_space<hbm>> -> memref<1000001x64xf32, #tpu.memory_space<hbm>>
      tpu.enqueue_indirect_dma source(%dma_start3A_126 : memref<1000001x64xf32, #tpu.memory_space<hbm>>) target(%dma_start3A_122 : memref<128x64xf32, #tpu.memory_space<vmem>>) offsets(%dma_start3A_123 : memref<128xi32, #tpu.memory_space<vmem>>) semaphore(%arg20 : memref<!tpu.dma_semaphore, #tpu.memory_space<semaphore_mem>>)
      %dma_start3A_127 = arith.constant 512 : i32
      %dma_start3A_128 = arith.constant 0 : i32
      %dma_start3A_129 = tpu.memref_slice %arg16[%dma_start3A_127, %dma_start3A_128] : memref<640x64xf32, #tpu.memory_space<vmem>> -> memref<128x64xf32, #tpu.memory_space<vmem>>
      %dma_start3A_130 = tpu.memref_slice %arg10[%add3A_90] : memref<10240xi32, #tpu.memory_space<vmem>> -> memref<128xi32, #tpu.memory_space<vmem>>
      %dma_start3A_131 = arith.constant 0 : i32
      %dma_start3A_132 = arith.constant 0 : i32
      %dma_start3A_133 = tpu.memref_slice %arg6[%dma_start3A_131, %dma_start3A_132] : memref<1000001x64xf32, #tpu.memory_space<hbm>> -> memref<1000001x64xf32, #tpu.memory_space<hbm>>
      tpu.enqueue_indirect_dma source(%dma_start3A_133 : memref<1000001x64xf32, #tpu.memory_space<hbm>>) target(%dma_start3A_129 : memref<128x64xf32, #tpu.memory_space<vmem>>) offsets(%dma_start3A_130 : memref<128xi32, #tpu.memory_space<vmem>>) semaphore(%arg20 : memref<!tpu.dma_semaphore, #tpu.memory_space<semaphore_mem>>)
      %mul3A_134 = arith.constant 32 : i32
      %mul3A_135 = arith.muli %mul3A_64, %mul3A_134 : i32
      %mul3A_136 = arith.constant 32 : i32
      %mul3A_137 = arith.muli %mul3A_64, %mul3A_136 : i32
      %mul3A_138 = arith.constant 640 : i32
      %mul3A_139 = arith.muli %mul3A_64, %mul3A_138 : i32
      %add3A_140 = arith.constant 0 : i32
      %add3A_141 = arith.addi %mul3A_139, %add3A_140 : i32
      %mul3A_142 = arith.constant 640 : i32
      %mul3A_143 = arith.muli %mul3A_64, %mul3A_142 : i32
      %add3A_144 = arith.constant 128 : i32
      %add3A_145 = arith.addi %mul3A_143, %add3A_144 : i32
      %mul3A_146 = arith.constant 640 : i32
      %mul3A_147 = arith.muli %mul3A_64, %mul3A_146 : i32
      %add3A_148 = arith.constant 256 : i32
      %add3A_149 = arith.addi %mul3A_147, %add3A_148 : i32
      %mul3A_150 = arith.constant 640 : i32
      %mul3A_151 = arith.muli %mul3A_64, %mul3A_150 : i32
      %add3A_152 = arith.constant 384 : i32
      %add3A_153 = arith.addi %mul3A_151, %add3A_152 : i32
      %mul3A_154 = arith.constant 640 : i32
      %mul3A_155 = arith.muli %mul3A_64, %mul3A_154 : i32
      %add3A_156 = arith.constant 512 : i32
      %add3A_157 = arith.addi %mul3A_155, %add3A_156 : i32
      %dma_wait3A = tpu.memref_slice %arg8[%mul3A_135] : memref<512xi32, #tpu.memory_space<vmem>> -> memref<32xi32, #tpu.memory_space<vmem>>
      %dma_wait3A_158 = arith.constant 0 : i32
      %dma_wait3A_159 = arith.constant 0 : i32
      %dma_wait3A_160 = tpu.memref_slice %arg5[%dma_wait3A_158, %dma_wait3A_159] : memref<1000001x64xf32, #tpu.memory_space<hbm>> -> memref<1000001x64xf32, #tpu.memory_space<hbm>>
      tpu.wait_indirect_dma semaphore(%arg19 : memref<!tpu.dma_semaphore, #tpu.memory_space<semaphore_mem>>) src(%dma_wait3A_160 : memref<1000001x64xf32, #tpu.memory_space<hbm>>) dst(%arg11 : memref<32x64xf32, #tpu.memory_space<vmem>>)
      %dma_wait3A_161 = tpu.memref_slice %arg9[%mul3A_137] : memref<512xi32, #tpu.memory_space<vmem>> -> memref<32xi32, #tpu.memory_space<vmem>>
      %dma_wait3A_162 = arith.constant 0 : i32
      %dma_wait3A_163 = arith.constant 0 : i32
      %dma_wait3A_164 = tpu.memref_slice %arg6[%dma_wait3A_162, %dma_wait3A_163] : memref<1000001x64xf32, #tpu.memory_space<hbm>> -> memref<1000001x64xf32, #tpu.memory_space<hbm>>
      tpu.wait_indirect_dma semaphore(%arg19 : memref<!tpu.dma_semaphore, #tpu.memory_space<semaphore_mem>>) src(%dma_wait3A_164 : memref<1000001x64xf32, #tpu.memory_space<hbm>>) dst(%arg13 : memref<32x64xf32, #tpu.memory_space<vmem>>)
      %dma_wait3A_165 = arith.constant 0 : i32
      %dma_wait3A_166 = arith.constant 0 : i32
      %dma_wait3A_167 = tpu.memref_slice %arg15[%dma_wait3A_165, %dma_wait3A_166] : memref<640x64xf32, #tpu.memory_space<vmem>> -> memref<128x64xf32, #tpu.memory_space<vmem>>
      %dma_wait3A_168 = tpu.memref_slice %arg10[%add3A_141] : memref<10240xi32, #tpu.memory_space<vmem>> -> memref<128xi32, #tpu.memory_space<vmem>>
      %dma_wait3A_169 = arith.constant 0 : i32
      %dma_wait3A_170 = arith.constant 0 : i32
      %dma_wait3A_171 = tpu.memref_slice %arg6[%dma_wait3A_169, %dma_wait3A_170] : memref<1000001x64xf32, #tpu.memory_space<hbm>> -> memref<1000001x64xf32, #tpu.memory_space<hbm>>
      tpu.wait_indirect_dma semaphore(%arg19 : memref<!tpu.dma_semaphore, #tpu.memory_space<semaphore_mem>>) src(%dma_wait3A_171 : memref<1000001x64xf32, #tpu.memory_space<hbm>>) dst(%dma_wait3A_167 : memref<128x64xf32, #tpu.memory_space<vmem>>)
      %dma_wait3A_172 = arith.constant 128 : i32
      %dma_wait3A_173 = arith.constant 0 : i32
      %dma_wait3A_174 = tpu.memref_slice %arg15[%dma_wait3A_172, %dma_wait3A_173] : memref<640x64xf32, #tpu.memory_space<vmem>> -> memref<128x64xf32, #tpu.memory_space<vmem>>
      %dma_wait3A_175 = tpu.memref_slice %arg10[%add3A_145] : memref<10240xi32, #tpu.memory_space<vmem>> -> memref<128xi32, #tpu.memory_space<vmem>>
      %dma_wait3A_176 = arith.constant 0 : i32
      %dma_wait3A_177 = arith.constant 0 : i32
      %dma_wait3A_178 = tpu.memref_slice %arg6[%dma_wait3A_176, %dma_wait3A_177] : memref<1000001x64xf32, #tpu.memory_space<hbm>> -> memref<1000001x64xf32, #tpu.memory_space<hbm>>
      tpu.wait_indirect_dma semaphore(%arg19 : memref<!tpu.dma_semaphore, #tpu.memory_space<semaphore_mem>>) src(%dma_wait3A_178 : memref<1000001x64xf32, #tpu.memory_space<hbm>>) dst(%dma_wait3A_174 : memref<128x64xf32, #tpu.memory_space<vmem>>)
      %dma_wait3A_179 = arith.constant 256 : i32
      %dma_wait3A_180 = arith.constant 0 : i32
      %dma_wait3A_181 = tpu.memref_slice %arg15[%dma_wait3A_179, %dma_wait3A_180] : memref<640x64xf32, #tpu.memory_space<vmem>> -> memref<128x64xf32, #tpu.memory_space<vmem>>
      %dma_wait3A_182 = tpu.memref_slice %arg10[%add3A_149] : memref<10240xi32, #tpu.memory_space<vmem>> -> memref<128xi32, #tpu.memory_space<vmem>>
      %dma_wait3A_183 = arith.constant 0 : i32
      %dma_wait3A_184 = arith.constant 0 : i32
      %dma_wait3A_185 = tpu.memref_slice %arg6[%dma_wait3A_183, %dma_wait3A_184] : memref<1000001x64xf32, #tpu.memory_space<hbm>> -> memref<1000001x64xf32, #tpu.memory_space<hbm>>
      tpu.wait_indirect_dma semaphore(%arg19 : memref<!tpu.dma_semaphore, #tpu.memory_space<semaphore_mem>>) src(%dma_wait3A_185 : memref<1000001x64xf32, #tpu.memory_space<hbm>>) dst(%dma_wait3A_181 : memref<128x64xf32, #tpu.memory_space<vmem>>)
      %dma_wait3A_186 = arith.constant 384 : i32
      %dma_wait3A_187 = arith.constant 0 : i32
      %dma_wait3A_188 = tpu.memref_slice %arg15[%dma_wait3A_186, %dma_wait3A_187] : memref<640x64xf32, #tpu.memory_space<vmem>> -> memref<128x64xf32, #tpu.memory_space<vmem>>
      %dma_wait3A_189 = tpu.memref_slice %arg10[%add3A_153] : memref<10240xi32, #tpu.memory_space<vmem>> -> memref<128xi32, #tpu.memory_space<vmem>>
      %dma_wait3A_190 = arith.constant 0 : i32
      %dma_wait3A_191 = arith.constant 0 : i32
      %dma_wait3A_192 = tpu.memref_slice %arg6[%dma_wait3A_190, %dma_wait3A_191] : memref<1000001x64xf32, #tpu.memory_space<hbm>> -> memref<1000001x64xf32, #tpu.memory_space<hbm>>
      tpu.wait_indirect_dma semaphore(%arg19 : memref<!tpu.dma_semaphore, #tpu.memory_space<semaphore_mem>>) src(%dma_wait3A_192 : memref<1000001x64xf32, #tpu.memory_space<hbm>>) dst(%dma_wait3A_188 : memref<128x64xf32, #tpu.memory_space<vmem>>)
      %dma_wait3A_193 = arith.constant 512 : i32
      %dma_wait3A_194 = arith.constant 0 : i32
      %dma_wait3A_195 = tpu.memref_slice %arg15[%dma_wait3A_193, %dma_wait3A_194] : memref<640x64xf32, #tpu.memory_space<vmem>> -> memref<128x64xf32, #tpu.memory_space<vmem>>
      %dma_wait3A_196 = tpu.memref_slice %arg10[%add3A_157] : memref<10240xi32, #tpu.memory_space<vmem>> -> memref<128xi32, #tpu.memory_space<vmem>>
      %dma_wait3A_197 = arith.constant 0 : i32
      %dma_wait3A_198 = arith.constant 0 : i32
      %dma_wait3A_199 = tpu.memref_slice %arg6[%dma_wait3A_197, %dma_wait3A_198] : memref<1000001x64xf32, #tpu.memory_space<hbm>> -> memref<1000001x64xf32, #tpu.memory_space<hbm>>
      tpu.wait_indirect_dma semaphore(%arg19 : memref<!tpu.dma_semaphore, #tpu.memory_space<semaphore_mem>>) src(%dma_wait3A_199 : memref<1000001x64xf32, #tpu.memory_space<hbm>>) dst(%dma_wait3A_195 : memref<128x64xf32, #tpu.memory_space<vmem>>)
      %mul3A_200 = arith.constant 32 : i32
      %mul3A_201 = arith.muli %mul3A_64, %mul3A_200 : i32
      %add3A_202 = arith.addi %mul3A_2, %mul3A_201 : i32
      %scan3A_203 = arith.constant 0 : i32
      %scan3A_204 = arith.constant 0 : i32
      %scan3A_205 = arith.constant 32 : i32
      %scan3A_206 = arith.addi %scan3A_204, %scan3A_205 : i32
      %scan3A_207 = arith.constant 1 : i32
      scf.for %scan3A_293 = %scan3A_204 to %scan3A_206 step %scan3A_207  : i32 {
        %get3A = arith.index_cast %scan3A_293 : i32 to index
        %get3A_294 = arith.constant 0 : index
        %get3A_295 = tpu.vector_load %arg11[%get3A, %get3A_294] {strides = array<i32>} : memref<32x64xf32, #tpu.memory_space<vmem>>, vector<16xf32>,
        %get3A_296 = arith.index_cast %scan3A_293 : i32 to index
        %get3A_297 = arith.constant 16 : index
        %get3A_298 = tpu.vector_load %arg11[%get3A_296, %get3A_297] {strides = array<i32>} : memref<32x64xf32, #tpu.memory_space<vmem>>, vector<16xf32>,
        %get3A_299 = arith.index_cast %scan3A_293 : i32 to index
        %get3A_300 = arith.constant 32 : index
        %get3A_301 = tpu.vector_load %arg11[%get3A_299, %get3A_300] {strides = array<i32>} : memref<32x64xf32, #tpu.memory_space<vmem>>, vector<16xf32>,
        %get3A_302 = arith.index_cast %scan3A_293 : i32 to index
        %get3A_303 = arith.constant 48 : index
        %get3A_304 = tpu.vector_load %arg11[%get3A_302, %get3A_303] {strides = array<i32>} : memref<32x64xf32, #tpu.memory_space<vmem>>, vector<16xf32>,
        %get3A_305 = arith.index_cast %scan3A_293 : i32 to index
        %get3A_306 = arith.constant 0 : index
        %get3A_307 = tpu.vector_load %arg13[%get3A_305, %get3A_306] {strides = array<i32>} : memref<32x64xf32, #tpu.memory_space<vmem>>, vector<16xf32>,
        %mul3A_308 = arith.mulf %get3A_295, %get3A_307 : vector<16xf32>
        %get3A_309 = arith.index_cast %scan3A_293 : i32 to index
        %get3A_310 = arith.constant 16 : index
        %get3A_311 = tpu.vector_load %arg13[%get3A_309, %get3A_310] {strides = array<i32>} : memref<32x64xf32, #tpu.memory_space<vmem>>, vector<16xf32>,
        %mul3A_312 = arith.mulf %get3A_298, %get3A_311 : vector<16xf32>
        %add3A_313 = arith.addf %mul3A_308, %mul3A_312 : vector<16xf32>
        %get3A_314 = arith.index_cast %scan3A_293 : i32 to index
        %get3A_315 = arith.constant 32 : index
        %get3A_316 = tpu.vector_load %arg13[%get3A_314, %get3A_315] {strides = array<i32>} : memref<32x64xf32, #tpu.memory_space<vmem>>, vector<16xf32>,
        %mul3A_317 = arith.mulf %get3A_301, %get3A_316 : vector<16xf32>
        %get3A_318 = arith.index_cast %scan3A_293 : i32 to index
        %get3A_319 = arith.constant 48 : index
        %get3A_320 = tpu.vector_load %arg13[%get3A_318, %get3A_319] {strides = array<i32>} : memref<32x64xf32, #tpu.memory_space<vmem>>, vector<16xf32>,
        %mul3A_321 = arith.mulf %get3A_304, %get3A_320 : vector<16xf32>
        %add3A_322 = arith.addf %mul3A_317, %mul3A_321 : vector<16xf32>
        %add3A_323 = arith.addf %add3A_313, %add3A_322 : vector<16xf32>
        %swap3A = arith.constant 0 : index
        %swap3A_324 = tpu.vector_load %arg18[%swap3A] {strides = array<i32>} : memref<256xf32, #tpu.memory_space<vmem>>, vector<16xf32>,
        tpu.vector_store %arg18[%swap3A], %add3A_323 {strides = array<i32>} : memref<256xf32, #tpu.memory_space<vmem>>, vector<16xf32>,
        %mul3A_325 = arith.constant 20 : i32
        %mul3A_326 = arith.muli %scan3A_293, %mul3A_325 : i32
        %add3A_327 = arith.constant 0 : i32
        %add3A_328 = arith.addi %mul3A_326, %add3A_327 : i32
        %get3A_329 = arith.index_cast %add3A_328 : i32 to index
        %get3A_330 = arith.constant 0 : index
        %get3A_331 = tpu.vector_load %arg15[%get3A_329, %get3A_330] {strides = array<i32>} : memref<640x64xf32, #tpu.memory_space<vmem>>, vector<16xf32>,
        %mul3A_332 = arith.mulf %get3A_295, %get3A_331 : vector<16xf32>
        %mul3A_333 = arith.constant 20 : i32
        %mul3A_334 = arith.muli %scan3A_293, %mul3A_333 : i32
        %add3A_335 = arith.constant 0 : i32
        %add3A_336 = arith.addi %mul3A_334, %add3A_335 : i32
        %get3A_337 = arith.index_cast %add3A_336 : i32 to index
        %get3A_338 = arith.constant 16 : index
        %get3A_339 = tpu.vector_load %arg15[%get3A_337, %get3A_338] {strides = array<i32>} : memref<640x64xf32, #tpu.memory_space<vmem>>, vector<16xf32>,
        %mul3A_340 = arith.mulf %get3A_298, %get3A_339 : vector<16xf32>
        %add3A_341 = arith.addf %mul3A_332, %mul3A_340 : vector<16xf32>
        %mul3A_342 = arith.constant 20 : i32
        %mul3A_343 = arith.muli %scan3A_293, %mul3A_342 : i32
        %add3A_344 = arith.constant 0 : i32
        %add3A_345 = arith.addi %mul3A_343, %add3A_344 : i32
        %get3A_346 = arith.index_cast %add3A_345 : i32 to index
        %get3A_347 = arith.constant 32 : index
        %get3A_348 = tpu.vector_load %arg15[%get3A_346, %get3A_347] {strides = array<i32>} : memref<640x64xf32, #tpu.memory_space<vmem>>, vector<16xf32>,
        %mul3A_349 = arith.mulf %get3A_301, %get3A_348 : vector<16xf32>
        %mul3A_350 = arith.constant 20 : i32
        %mul3A_351 = arith.muli %scan3A_293, %mul3A_350 : i32
        %add3A_352 = arith.constant 0 : i32
        %add3A_353 = arith.addi %mul3A_351, %add3A_352 : i32
        %get3A_354 = arith.index_cast %add3A_353 : i32 to index
        %get3A_355 = arith.constant 48 : index
        %get3A_356 = tpu.vector_load %arg15[%get3A_354, %get3A_355] {strides = array<i32>} : memref<640x64xf32, #tpu.memory_space<vmem>>, vector<16xf32>,
        %mul3A_357 = arith.mulf %get3A_304, %get3A_356 : vector<16xf32>
        %add3A_358 = arith.addf %mul3A_349, %mul3A_357 : vector<16xf32>
        %add3A_359 = arith.addf %add3A_341, %add3A_358 : vector<16xf32>
        %swap3A_360 = arith.constant 16 : index
        %swap3A_361 = tpu.vector_load %arg18[%swap3A_360] {strides = array<i32>} : memref<256xf32, #tpu.memory_space<vmem>>, vector<16xf32>,
        tpu.vector_store %arg18[%swap3A_360], %add3A_359 {strides = array<i32>} : memref<256xf32, #tpu.memory_space<vmem>>, vector<16xf32>,
        %mul3A_362 = arith.constant 20 : i32
        %mul3A_363 = arith.muli %scan3A_293, %mul3A_362 : i32
        %add3A_364 = arith.constant 1 : i32
        %add3A_365 = arith.addi %mul3A_363, %add3A_364 : i32
        %get3A_366 = arith.index_cast %add3A_365 : i32 to index
        %get3A_367 = arith.constant 0 : index
        %get3A_368 = tpu.vector_load %arg15[%get3A_366, %get3A_367] {strides = array<i32>} : memref<640x64xf32, #tpu.memory_space<vmem>>, vector<16xf32>,
        %mul3A_369 = arith.mulf %get3A_295, %get3A_368 : vector<16xf32>
        %mul3A_370 = arith.constant 20 : i32
        %mul3A_371 = arith.muli %scan3A_293, %mul3A_370 : i32
        %add3A_372 = arith.constant 1 : i32
        %add3A_373 = arith.addi %mul3A_371, %add3A_372 : i32
        %get3A_374 = arith.index_cast %add3A_373 : i32 to index
        %get3A_375 = arith.constant 16 : index
        %get3A_376 = tpu.vector_load %arg15[%get3A_374, %get3A_375] {strides = array<i32>} : memref<640x64xf32, #tpu.memory_space<vmem>>, vector<16xf32>,
        %mul3A_377 = arith.mulf %get3A_298, %get3A_376 : vector<16xf32>
        %add3A_378 = arith.addf %mul3A_369, %mul3A_377 : vector<16xf32>
        %mul3A_379 = arith.constant 20 : i32
        %mul3A_380 = arith.muli %scan3A_293, %mul3A_379 : i32
        %add3A_381 = arith.constant 1 : i32
        %add3A_382 = arith.addi %mul3A_380, %add3A_381 : i32
        %get3A_383 = arith.index_cast %add3A_382 : i32 to index
        %get3A_384 = arith.constant 32 : index
        %get3A_385 = tpu.vector_load %arg15[%get3A_383, %get3A_384] {strides = array<i32>} : memref<640x64xf32, #tpu.memory_space<vmem>>, vector<16xf32>,
        %mul3A_386 = arith.mulf %get3A_301, %get3A_385 : vector<16xf32>
        %mul3A_387 = arith.constant 20 : i32
        %mul3A_388 = arith.muli %scan3A_293, %mul3A_387 : i32
        %add3A_389 = arith.constant 1 : i32
        %add3A_390 = arith.addi %mul3A_388, %add3A_389 : i32
        %get3A_391 = arith.index_cast %add3A_390 : i32 to index
        %get3A_392 = arith.constant 48 : index
        %get3A_393 = tpu.vector_load %arg15[%get3A_391, %get3A_392] {strides = array<i32>} : memref<640x64xf32, #tpu.memory_space<vmem>>, vector<16xf32>,
        %mul3A_394 = arith.mulf %get3A_304, %get3A_393 : vector<16xf32>
        %add3A_395 = arith.addf %mul3A_386, %mul3A_394 : vector<16xf32>
        %add3A_396 = arith.addf %add3A_378, %add3A_395 : vector<16xf32>
        %swap3A_397 = arith.constant 32 : index
        %swap3A_398 = tpu.vector_load %arg18[%swap3A_397] {strides = array<i32>} : memref<256xf32, #tpu.memory_space<vmem>>, vector<16xf32>,
        tpu.vector_store %arg18[%swap3A_397], %add3A_396 {strides = array<i32>} : memref<256xf32, #tpu.memory_space<vmem>>, vector<16xf32>,
        %mul3A_399 = arith.constant 20 : i32
        %mul3A_400 = arith.muli %scan3A_293, %mul3A_399 : i32
        %add3A_401 = arith.constant 2 : i32
        %add3A_402 = arith.addi %mul3A_400, %add3A_401 : i32
        %get3A_403 = arith.index_cast %add3A_402 : i32 to index
        %get3A_404 = arith.constant 0 : index
        %get3A_405 = tpu.vector_load %arg15[%get3A_403, %get3A_404] {strides = array<i32>} : memref<640x64xf32, #tpu.memory_space<vmem>>, vector<16xf32>,
        %mul3A_406 = arith.mulf %get3A_295, %get3A_405 : vector<16xf32>
        %mul3A_407 = arith.constant 20 : i32
        %mul3A_408 = arith.muli %scan3A_293, %mul3A_407 : i32
        %add3A_409 = arith.constant 2 : i32
        %add3A_410 = arith.addi %mul3A_408, %add3A_409 : i32
        %get3A_411 = arith.index_cast %add3A_410 : i32 to index
        %get3A_412 = arith.constant 16 : index
        %get3A_413 = tpu.vector_load %arg15[%get3A_411, %get3A_412] {strides = array<i32>} : memref<640x64xf32, #tpu.memory_space<vmem>>, vector<16xf32>,
        %mul3A_414 = arith.mulf %get3A_298, %get3A_413 : vector<16xf32>
        %add3A_415 = arith.addf %mul3A_406, %mul3A_414 : vector<16xf32>
        %mul3A_416 = arith.constant 20 : i32
        %mul3A_417 = arith.muli %scan3A_293, %mul3A_416 : i32
        %add3A_418 = arith.constant 2 : i32
        %add3A_419 = arith.addi %mul3A_417, %add3A_418 : i32
        %get3A_420 = arith.index_cast %add3A_419 : i32 to index
        %get3A_421 = arith.constant 32 : index
        %get3A_422 = tpu.vector_load %arg15[%get3A_420, %get3A_421] {strides = array<i32>} : memref<640x64xf32, #tpu.memory_space<vmem>>, vector<16xf32>,
        %mul3A_423 = arith.mulf %get3A_301, %get3A_422 : vector<16xf32>
        %mul3A_424 = arith.constant 20 : i32
        %mul3A_425 = arith.muli %scan3A_293, %mul3A_424 : i32
        %add3A_426 = arith.constant 2 : i32
        %add3A_427 = arith.addi %mul3A_425, %add3A_426 : i32
        %get3A_428 = arith.index_cast %add3A_427 : i32 to index
        %get3A_429 = arith.constant 48 : index
        %get3A_430 = tpu.vector_load %arg15[%get3A_428, %get3A_429] {strides = array<i32>} : memref<640x64xf32, #tpu.memory_space<vmem>>, vector<16xf32>,
        %mul3A_431 = arith.mulf %get3A_304, %get3A_430 : vector<16xf32>
        %add3A_432 = arith.addf %mul3A_423, %mul3A_431 : vector<16xf32>
        %add3A_433 = arith.addf %add3A_415, %add3A_432 : vector<16xf32>
        %swap3A_434 = arith.constant 48 : index
        %swap3A_435 = tpu.vector_load %arg18[%swap3A_434] {strides = array<i32>} : memref<256xf32, #tpu.memory_space<vmem>>, vector<16xf32>,
        tpu.vector_store %arg18[%swap3A_434], %add3A_433 {strides = array<i32>} : memref<256xf32, #tpu.memory_space<vmem>>, vector<16xf32>,
        %mul3A_436 = arith.constant 20 : i32
        %mul3A_437 = arith.muli %scan3A_293, %mul3A_436 : i32
        %add3A_438 = arith.constant 3 : i32
        %add3A_439 = arith.addi %mul3A_437, %add3A_438 : i32
        %get3A_440 = arith.index_cast %add3A_439 : i32 to index
        %get3A_441 = arith.constant 0 : index
        %get3A_442 = tpu.vector_load %arg15[%get3A_440, %get3A_441] {strides = array<i32>} : memref<640x64xf32, #tpu.memory_space<vmem>>, vector<16xf32>,
        %mul3A_443 = arith.mulf %get3A_295, %get3A_442 : vector<16xf32>
        %mul3A_444 = arith.constant 20 : i32
        %mul3A_445 = arith.muli %scan3A_293, %mul3A_444 : i32
        %add3A_446 = arith.constant 3 : i32
        %add3A_447 = arith.addi %mul3A_445, %add3A_446 : i32
        %get3A_448 = arith.index_cast %add3A_447 : i32 to index
        %get3A_449 = arith.constant 16 : index
        %get3A_450 = tpu.vector_load %arg15[%get3A_448, %get3A_449] {strides = array<i32>} : memref<640x64xf32, #tpu.memory_space<vmem>>, vector<16xf32>,
        %mul3A_451 = arith.mulf %get3A_298, %get3A_450 : vector<16xf32>
        %add3A_452 = arith.addf %mul3A_443, %mul3A_451 : vector<16xf32>
        %mul3A_453 = arith.constant 20 : i32
        %mul3A_454 = arith.muli %scan3A_293, %mul3A_453 : i32
        %add3A_455 = arith.constant 3 : i32
        %add3A_456 = arith.addi %mul3A_454, %add3A_455 : i32
        %get3A_457 = arith.index_cast %add3A_456 : i32 to index
        %get3A_458 = arith.constant 32 : index
        %get3A_459 = tpu.vector_load %arg15[%get3A_457, %get3A_458] {strides = array<i32>} : memref<640x64xf32, #tpu.memory_space<vmem>>, vector<16xf32>,
        %mul3A_460 = arith.mulf %get3A_301, %get3A_459 : vector<16xf32>
        %mul3A_461 = arith.constant 20 : i32
        %mul3A_462 = arith.muli %scan3A_293, %mul3A_461 : i32
        %add3A_463 = arith.constant 3 : i32
        %add3A_464 = arith.addi %mul3A_462, %add3A_463 : i32
        %get3A_465 = arith.index_cast %add3A_464 : i32 to index
        %get3A_466 = arith.constant 48 : index
        %get3A_467 = tpu.vector_load %arg15[%get3A_465, %get3A_466] {strides = array<i32>} : memref<640x64xf32, #tpu.memory_space<vmem>>, vector<16xf32>,
        %mul3A_468 = arith.mulf %get3A_304, %get3A_467 : vector<16xf32>
        %add3A_469 = arith.addf %mul3A_460, %mul3A_468 : vector<16xf32>
        %add3A_470 = arith.addf %add3A_452, %add3A_469 : vector<16xf32>
        %swap3A_471 = arith.constant 64 : index
        %swap3A_472 = tpu.vector_load %arg18[%swap3A_471] {strides = array<i32>} : memref<256xf32, #tpu.memory_space<vmem>>, vector<16xf32>,
        tpu.vector_store %arg18[%swap3A_471], %add3A_470 {strides = array<i32>} : memref<256xf32, #tpu.memory_space<vmem>>, vector<16xf32>,
        %mul3A_473 = arith.constant 20 : i32
        %mul3A_474 = arith.muli %scan3A_293, %mul3A_473 : i32
        %add3A_475 = arith.constant 4 : i32
        %add3A_476 = arith.addi %mul3A_474, %add3A_475 : i32
        %get3A_477 = arith.index_cast %add3A_476 : i32 to index
        %get3A_478 = arith.constant 0 : index
        %get3A_479 = tpu.vector_load %arg15[%get3A_477, %get3A_478] {strides = array<i32>} : memref<640x64xf32, #tpu.memory_space<vmem>>, vector<16xf32>,
        %mul3A_480 = arith.mulf %get3A_295, %get3A_479 : vector<16xf32>
        %mul3A_481 = arith.constant 20 : i32
        %mul3A_482 = arith.muli %scan3A_293, %mul3A_481 : i32
        %add3A_483 = arith.constant 4 : i32
        %add3A_484 = arith.addi %mul3A_482, %add3A_483 : i32
        %get3A_485 = arith.index_cast %add3A_484 : i32 to index
        %get3A_486 = arith.constant 16 : index
        %get3A_487 = tpu.vector_load %arg15[%get3A_485, %get3A_486] {strides = array<i32>} : memref<640x64xf32, #tpu.memory_space<vmem>>, vector<16xf32>,
        %mul3A_488 = arith.mulf %get3A_298, %get3A_487 : vector<16xf32>
        %add3A_489 = arith.addf %mul3A_480, %mul3A_488 : vector<16xf32>
        %mul3A_490 = arith.constant 20 : i32
        %mul3A_491 = arith.muli %scan3A_293, %mul3A_490 : i32
        %add3A_492 = arith.constant 4 : i32
        %add3A_493 = arith.addi %mul3A_491, %add3A_492 : i32
        %get3A_494 = arith.index_cast %add3A_493 : i32 to index
        %get3A_495 = arith.constant 32 : index
        %get3A_496 = tpu.vector_load %arg15[%get3A_494, %get3A_495] {strides = array<i32>} : memref<640x64xf32, #tpu.memory_space<vmem>>, vector<16xf32>,
        %mul3A_497 = arith.mulf %get3A_301, %get3A_496 : vector<16xf32>
        %mul3A_498 = arith.constant 20 : i32
        %mul3A_499 = arith.muli %scan3A_293, %mul3A_498 : i32
        %add3A_500 = arith.constant 4 : i32
        %add3A_501 = arith.addi %mul3A_499, %add3A_500 : i32
        %get3A_502 = arith.index_cast %add3A_501 : i32 to index
        %get3A_503 = arith.constant 48 : index
        %get3A_504 = tpu.vector_load %arg15[%get3A_502, %get3A_503] {strides = array<i32>} : memref<640x64xf32, #tpu.memory_space<vmem>>, vector<16xf32>,
        %mul3A_505 = arith.mulf %get3A_304, %get3A_504 : vector<16xf32>
        %add3A_506 = arith.addf %mul3A_497, %mul3A_505 : vector<16xf32>
        %add3A_507 = arith.addf %add3A_489, %add3A_506 : vector<16xf32>
        %swap3A_508 = arith.constant 80 : index
        %swap3A_509 = tpu.vector_load %arg18[%swap3A_508] {strides = array<i32>} : memref<256xf32, #tpu.memory_space<vmem>>, vector<16xf32>,
        tpu.vector_store %arg18[%swap3A_508], %add3A_507 {strides = array<i32>} : memref<256xf32, #tpu.memory_space<vmem>>, vector<16xf32>,
        %mul3A_510 = arith.constant 20 : i32
        %mul3A_511 = arith.muli %scan3A_293, %mul3A_510 : i32
        %add3A_512 = arith.constant 5 : i32
        %add3A_513 = arith.addi %mul3A_511, %add3A_512 : i32
        %get3A_514 = arith.index_cast %add3A_513 : i32 to index
        %get3A_515 = arith.constant 0 : index
        %get3A_516 = tpu.vector_load %arg15[%get3A_514, %get3A_515] {strides = array<i32>} : memref<640x64xf32, #tpu.memory_space<vmem>>, vector<16xf32>,
        %mul3A_517 = arith.mulf %get3A_295, %get3A_516 : vector<16xf32>
        %mul3A_518 = arith.constant 20 : i32
        %mul3A_519 = arith.muli %scan3A_293, %mul3A_518 : i32
        %add3A_520 = arith.constant 5 : i32
        %add3A_521 = arith.addi %mul3A_519, %add3A_520 : i32
        %get3A_522 = arith.index_cast %add3A_521 : i32 to index
        %get3A_523 = arith.constant 16 : index
        %get3A_524 = tpu.vector_load %arg15[%get3A_522, %get3A_523] {strides = array<i32>} : memref<640x64xf32, #tpu.memory_space<vmem>>, vector<16xf32>,
        %mul3A_525 = arith.mulf %get3A_298, %get3A_524 : vector<16xf32>
        %add3A_526 = arith.addf %mul3A_517, %mul3A_525 : vector<16xf32>
        %mul3A_527 = arith.constant 20 : i32
        %mul3A_528 = arith.muli %scan3A_293, %mul3A_527 : i32
        %add3A_529 = arith.constant 5 : i32
        %add3A_530 = arith.addi %mul3A_528, %add3A_529 : i32
        %get3A_531 = arith.index_cast %add3A_530 : i32 to index
        %get3A_532 = arith.constant 32 : index
        %get3A_533 = tpu.vector_load %arg15[%get3A_531, %get3A_532] {strides = array<i32>} : memref<640x64xf32, #tpu.memory_space<vmem>>, vector<16xf32>,
        %mul3A_534 = arith.mulf %get3A_301, %get3A_533 : vector<16xf32>
        %mul3A_535 = arith.constant 20 : i32
        %mul3A_536 = arith.muli %scan3A_293, %mul3A_535 : i32
        %add3A_537 = arith.constant 5 : i32
        %add3A_538 = arith.addi %mul3A_536, %add3A_537 : i32
        %get3A_539 = arith.index_cast %add3A_538 : i32 to index
        %get3A_540 = arith.constant 48 : index
        %get3A_541 = tpu.vector_load %arg15[%get3A_539, %get3A_540] {strides = array<i32>} : memref<640x64xf32, #tpu.memory_space<vmem>>, vector<16xf32>,
        %mul3A_542 = arith.mulf %get3A_304, %get3A_541 : vector<16xf32>
        %add3A_543 = arith.addf %mul3A_534, %mul3A_542 : vector<16xf32>
        %add3A_544 = arith.addf %add3A_526, %add3A_543 : vector<16xf32>
        %swap3A_545 = arith.constant 96 : index
        %swap3A_546 = tpu.vector_load %arg18[%swap3A_545] {strides = array<i32>} : memref<256xf32, #tpu.memory_space<vmem>>, vector<16xf32>,
        tpu.vector_store %arg18[%swap3A_545], %add3A_544 {strides = array<i32>} : memref<256xf32, #tpu.memory_space<vmem>>, vector<16xf32>,
        %mul3A_547 = arith.constant 20 : i32
        %mul3A_548 = arith.muli %scan3A_293, %mul3A_547 : i32
        %add3A_549 = arith.constant 6 : i32
        %add3A_550 = arith.addi %mul3A_548, %add3A_549 : i32
        %get3A_551 = arith.index_cast %add3A_550 : i32 to index
        %get3A_552 = arith.constant 0 : index
        %get3A_553 = tpu.vector_load %arg15[%get3A_551, %get3A_552] {strides = array<i32>} : memref<640x64xf32, #tpu.memory_space<vmem>>, vector<16xf32>,
        %mul3A_554 = arith.mulf %get3A_295, %get3A_553 : vector<16xf32>
        %mul3A_555 = arith.constant 20 : i32
        %mul3A_556 = arith.muli %scan3A_293, %mul3A_555 : i32
        %add3A_557 = arith.constant 6 : i32
        %add3A_558 = arith.addi %mul3A_556, %add3A_557 : i32
        %get3A_559 = arith.index_cast %add3A_558 : i32 to index
        %get3A_560 = arith.constant 16 : index
        %get3A_561 = tpu.vector_load %arg15[%get3A_559, %get3A_560] {strides = array<i32>} : memref<640x64xf32, #tpu.memory_space<vmem>>, vector<16xf32>,
        %mul3A_562 = arith.mulf %get3A_298, %get3A_561 : vector<16xf32>
        %add3A_563 = arith.addf %mul3A_554, %mul3A_562 : vector<16xf32>
        %mul3A_564 = arith.constant 20 : i32
        %mul3A_565 = arith.muli %scan3A_293, %mul3A_564 : i32
        %add3A_566 = arith.constant 6 : i32
        %add3A_567 = arith.addi %mul3A_565, %add3A_566 : i32
        %get3A_568 = arith.index_cast %add3A_567 : i32 to index
        %get3A_569 = arith.constant 32 : index
        %get3A_570 = tpu.vector_load %arg15[%get3A_568, %get3A_569] {strides = array<i32>} : memref<640x64xf32, #tpu.memory_space<vmem>>, vector<16xf32>,
        %mul3A_571 = arith.mulf %get3A_301, %get3A_570 : vector<16xf32>
        %mul3A_572 = arith.constant 20 : i32
        %mul3A_573 = arith.muli %scan3A_293, %mul3A_572 : i32
        %add3A_574 = arith.constant 6 : i32
        %add3A_575 = arith.addi %mul3A_573, %add3A_574 : i32
        %get3A_576 = arith.index_cast %add3A_575 : i32 to index
        %get3A_577 = arith.constant 48 : index
        %get3A_578 = tpu.vector_load %arg15[%get3A_576, %get3A_577] {strides = array<i32>} : memref<640x64xf32, #tpu.memory_space<vmem>>, vector<16xf32>,
        %mul3A_579 = arith.mulf %get3A_304, %get3A_578 : vector<16xf32>
        %add3A_580 = arith.addf %mul3A_571, %mul3A_579 : vector<16xf32>
        %add3A_581 = arith.addf %add3A_563, %add3A_580 : vector<16xf32>
        %swap3A_582 = arith.constant 112 : index
        %swap3A_583 = tpu.vector_load %arg18[%swap3A_582] {strides = array<i32>} : memref<256xf32, #tpu.memory_space<vmem>>, vector<16xf32>,
        tpu.vector_store %arg18[%swap3A_582], %add3A_581 {strides = array<i32>} : memref<256xf32, #tpu.memory_space<vmem>>, vector<16xf32>,
        %mul3A_584 = arith.constant 20 : i32
        %mul3A_585 = arith.muli %scan3A_293, %mul3A_584 : i32
        %add3A_586 = arith.constant 7 : i32
        %add3A_587 = arith.addi %mul3A_585, %add3A_586 : i32
        %get3A_588 = arith.index_cast %add3A_587 : i32 to index
        %get3A_589 = arith.constant 0 : index
        %get3A_590 = tpu.vector_load %arg15[%get3A_588, %get3A_589] {strides = array<i32>} : memref<640x64xf32, #tpu.memory_space<vmem>>, vector<16xf32>,
        %mul3A_591 = arith.mulf %get3A_295, %get3A_590 : vector<16xf32>
        %mul3A_592 = arith.constant 20 : i32
        %mul3A_593 = arith.muli %scan3A_293, %mul3A_592 : i32
        %add3A_594 = arith.constant 7 : i32
        %add3A_595 = arith.addi %mul3A_593, %add3A_594 : i32
        %get3A_596 = arith.index_cast %add3A_595 : i32 to index
        %get3A_597 = arith.constant 16 : index
        %get3A_598 = tpu.vector_load %arg15[%get3A_596, %get3A_597] {strides = array<i32>} : memref<640x64xf32, #tpu.memory_space<vmem>>, vector<16xf32>,
        %mul3A_599 = arith.mulf %get3A_298, %get3A_598 : vector<16xf32>
        %add3A_600 = arith.addf %mul3A_591, %mul3A_599 : vector<16xf32>
        %mul3A_601 = arith.constant 20 : i32
        %mul3A_602 = arith.muli %scan3A_293, %mul3A_601 : i32
        %add3A_603 = arith.constant 7 : i32
        %add3A_604 = arith.addi %mul3A_602, %add3A_603 : i32
        %get3A_605 = arith.index_cast %add3A_604 : i32 to index
        %get3A_606 = arith.constant 32 : index
        %get3A_607 = tpu.vector_load %arg15[%get3A_605, %get3A_606] {strides = array<i32>} : memref<640x64xf32, #tpu.memory_space<vmem>>, vector<16xf32>,
        %mul3A_608 = arith.mulf %get3A_301, %get3A_607 : vector<16xf32>
        %mul3A_609 = arith.constant 20 : i32
        %mul3A_610 = arith.muli %scan3A_293, %mul3A_609 : i32
        %add3A_611 = arith.constant 7 : i32
        %add3A_612 = arith.addi %mul3A_610, %add3A_611 : i32
        %get3A_613 = arith.index_cast %add3A_612 : i32 to index
        %get3A_614 = arith.constant 48 : index
        %get3A_615 = tpu.vector_load %arg15[%get3A_613, %get3A_614] {strides = array<i32>} : memref<640x64xf32, #tpu.memory_space<vmem>>, vector<16xf32>,
        %mul3A_616 = arith.mulf %get3A_304, %get3A_615 : vector<16xf32>
        %add3A_617 = arith.addf %mul3A_608, %mul3A_616 : vector<16xf32>
        %add3A_618 = arith.addf %add3A_600, %add3A_617 : vector<16xf32>
        %swap3A_619 = arith.constant 128 : index
        %swap3A_620 = tpu.vector_load %arg18[%swap3A_619] {strides = array<i32>} : memref<256xf32, #tpu.memory_space<vmem>>, vector<16xf32>,
        tpu.vector_store %arg18[%swap3A_619], %add3A_618 {strides = array<i32>} : memref<256xf32, #tpu.memory_space<vmem>>, vector<16xf32>,
        %mul3A_621 = arith.constant 20 : i32
        %mul3A_622 = arith.muli %scan3A_293, %mul3A_621 : i32
        %add3A_623 = arith.constant 8 : i32
        %add3A_624 = arith.addi %mul3A_622, %add3A_623 : i32
        %get3A_625 = arith.index_cast %add3A_624 : i32 to index
        %get3A_626 = arith.constant 0 : index
        %get3A_627 = tpu.vector_load %arg15[%get3A_625, %get3A_626] {strides = array<i32>} : memref<640x64xf32, #tpu.memory_space<vmem>>, vector<16xf32>,
        %mul3A_628 = arith.mulf %get3A_295, %get3A_627 : vector<16xf32>
        %mul3A_629 = arith.constant 20 : i32
        %mul3A_630 = arith.muli %scan3A_293, %mul3A_629 : i32
        %add3A_631 = arith.constant 8 : i32
        %add3A_632 = arith.addi %mul3A_630, %add3A_631 : i32
        %get3A_633 = arith.index_cast %add3A_632 : i32 to index
        %get3A_634 = arith.constant 16 : index
        %get3A_635 = tpu.vector_load %arg15[%get3A_633, %get3A_634] {strides = array<i32>} : memref<640x64xf32, #tpu.memory_space<vmem>>, vector<16xf32>,
        %mul3A_636 = arith.mulf %get3A_298, %get3A_635 : vector<16xf32>
        %add3A_637 = arith.addf %mul3A_628, %mul3A_636 : vector<16xf32>
        %mul3A_638 = arith.constant 20 : i32
        %mul3A_639 = arith.muli %scan3A_293, %mul3A_638 : i32
        %add3A_640 = arith.constant 8 : i32
        %add3A_641 = arith.addi %mul3A_639, %add3A_640 : i32
        %get3A_642 = arith.index_cast %add3A_641 : i32 to index
        %get3A_643 = arith.constant 32 : index
        %get3A_644 = tpu.vector_load %arg15[%get3A_642, %get3A_643] {strides = array<i32>} : memref<640x64xf32, #tpu.memory_space<vmem>>, vector<16xf32>,
        %mul3A_645 = arith.mulf %get3A_301, %get3A_644 : vector<16xf32>
        %mul3A_646 = arith.constant 20 : i32
        %mul3A_647 = arith.muli %scan3A_293, %mul3A_646 : i32
        %add3A_648 = arith.constant 8 : i32
        %add3A_649 = arith.addi %mul3A_647, %add3A_648 : i32
        %get3A_650 = arith.index_cast %add3A_649 : i32 to index
        %get3A_651 = arith.constant 48 : index
        %get3A_652 = tpu.vector_load %arg15[%get3A_650, %get3A_651] {strides = array<i32>} : memref<640x64xf32, #tpu.memory_space<vmem>>, vector<16xf32>,
        %mul3A_653 = arith.mulf %get3A_304, %get3A_652 : vector<16xf32>
        %add3A_654 = arith.addf %mul3A_645, %mul3A_653 : vector<16xf32>
        %add3A_655 = arith.addf %add3A_637, %add3A_654 : vector<16xf32>
        %swap3A_656 = arith.constant 144 : index
        %swap3A_657 = tpu.vector_load %arg18[%swap3A_656] {strides = array<i32>} : memref<256xf32, #tpu.memory_space<vmem>>, vector<16xf32>,
        tpu.vector_store %arg18[%swap3A_656], %add3A_655 {strides = array<i32>} : memref<256xf32, #tpu.memory_space<vmem>>, vector<16xf32>,
        %mul3A_658 = arith.constant 20 : i32
        %mul3A_659 = arith.muli %scan3A_293, %mul3A_658 : i32
        %add3A_660 = arith.constant 9 : i32
        %add3A_661 = arith.addi %mul3A_659, %add3A_660 : i32
        %get3A_662 = arith.index_cast %add3A_661 : i32 to index
        %get3A_663 = arith.constant 0 : index
        %get3A_664 = tpu.vector_load %arg15[%get3A_662, %get3A_663] {strides = array<i32>} : memref<640x64xf32, #tpu.memory_space<vmem>>, vector<16xf32>,
        %mul3A_665 = arith.mulf %get3A_295, %get3A_664 : vector<16xf32>
        %mul3A_666 = arith.constant 20 : i32
        %mul3A_667 = arith.muli %scan3A_293, %mul3A_666 : i32
        %add3A_668 = arith.constant 9 : i32
        %add3A_669 = arith.addi %mul3A_667, %add3A_668 : i32
        %get3A_670 = arith.index_cast %add3A_669 : i32 to index
        %get3A_671 = arith.constant 16 : index
        %get3A_672 = tpu.vector_load %arg15[%get3A_670, %get3A_671] {strides = array<i32>} : memref<640x64xf32, #tpu.memory_space<vmem>>, vector<16xf32>,
        %mul3A_673 = arith.mulf %get3A_298, %get3A_672 : vector<16xf32>
        %add3A_674 = arith.addf %mul3A_665, %mul3A_673 : vector<16xf32>
        %mul3A_675 = arith.constant 20 : i32
        %mul3A_676 = arith.muli %scan3A_293, %mul3A_675 : i32
        %add3A_677 = arith.constant 9 : i32
        %add3A_678 = arith.addi %mul3A_676, %add3A_677 : i32
        %get3A_679 = arith.index_cast %add3A_678 : i32 to index
        %get3A_680 = arith.constant 32 : index
        %get3A_681 = tpu.vector_load %arg15[%get3A_679, %get3A_680] {strides = array<i32>} : memref<640x64xf32, #tpu.memory_space<vmem>>, vector<16xf32>,
        %mul3A_682 = arith.mulf %get3A_301, %get3A_681 : vector<16xf32>
        %mul3A_683 = arith.constant 20 : i32
        %mul3A_684 = arith.muli %scan3A_293, %mul3A_683 : i32
        %add3A_685 = arith.constant 9 : i32
        %add3A_686 = arith.addi %mul3A_684, %add3A_685 : i32
        %get3A_687 = arith.index_cast %add3A_686 : i32 to index
        %get3A_688 = arith.constant 48 : index
        %get3A_689 = tpu.vector_load %arg15[%get3A_687, %get3A_688] {strides = array<i32>} : memref<640x64xf32, #tpu.memory_space<vmem>>, vector<16xf32>,
        %mul3A_690 = arith.mulf %get3A_304, %get3A_689 : vector<16xf32>
        %add3A_691 = arith.addf %mul3A_682, %mul3A_690 : vector<16xf32>
        %add3A_692 = arith.addf %add3A_674, %add3A_691 : vector<16xf32>
        %swap3A_693 = arith.constant 160 : index
        %swap3A_694 = tpu.vector_load %arg18[%swap3A_693] {strides = array<i32>} : memref<256xf32, #tpu.memory_space<vmem>>, vector<16xf32>,
        tpu.vector_store %arg18[%swap3A_693], %add3A_692 {strides = array<i32>} : memref<256xf32, #tpu.memory_space<vmem>>, vector<16xf32>,
        %mul3A_695 = arith.constant 20 : i32
        %mul3A_696 = arith.muli %scan3A_293, %mul3A_695 : i32
        %add3A_697 = arith.constant 10 : i32
        %add3A_698 = arith.addi %mul3A_696, %add3A_697 : i32
        %get3A_699 = arith.index_cast %add3A_698 : i32 to index
        %get3A_700 = arith.constant 0 : index
        %get3A_701 = tpu.vector_load %arg15[%get3A_699, %get3A_700] {strides = array<i32>} : memref<640x64xf32, #tpu.memory_space<vmem>>, vector<16xf32>,
        %mul3A_702 = arith.mulf %get3A_295, %get3A_701 : vector<16xf32>
        %mul3A_703 = arith.constant 20 : i32
        %mul3A_704 = arith.muli %scan3A_293, %mul3A_703 : i32
        %add3A_705 = arith.constant 10 : i32
        %add3A_706 = arith.addi %mul3A_704, %add3A_705 : i32
        %get3A_707 = arith.index_cast %add3A_706 : i32 to index
        %get3A_708 = arith.constant 16 : index
        %get3A_709 = tpu.vector_load %arg15[%get3A_707, %get3A_708] {strides = array<i32>} : memref<640x64xf32, #tpu.memory_space<vmem>>, vector<16xf32>,
        %mul3A_710 = arith.mulf %get3A_298, %get3A_709 : vector<16xf32>
        %add3A_711 = arith.addf %mul3A_702, %mul3A_710 : vector<16xf32>
        %mul3A_712 = arith.constant 20 : i32
        %mul3A_713 = arith.muli %scan3A_293, %mul3A_712 : i32
        %add3A_714 = arith.constant 10 : i32
        %add3A_715 = arith.addi %mul3A_713, %add3A_714 : i32
        %get3A_716 = arith.index_cast %add3A_715 : i32 to index
        %get3A_717 = arith.constant 32 : index
        %get3A_718 = tpu.vector_load %arg15[%get3A_716, %get3A_717] {strides = array<i32>} : memref<640x64xf32, #tpu.memory_space<vmem>>, vector<16xf32>,
        %mul3A_719 = arith.mulf %get3A_301, %get3A_718 : vector<16xf32>
        %mul3A_720 = arith.constant 20 : i32
        %mul3A_721 = arith.muli %scan3A_293, %mul3A_720 : i32
        %add3A_722 = arith.constant 10 : i32
        %add3A_723 = arith.addi %mul3A_721, %add3A_722 : i32
        %get3A_724 = arith.index_cast %add3A_723 : i32 to index
        %get3A_725 = arith.constant 48 : index
        %get3A_726 = tpu.vector_load %arg15[%get3A_724, %get3A_725] {strides = array<i32>} : memref<640x64xf32, #tpu.memory_space<vmem>>, vector<16xf32>,
        %mul3A_727 = arith.mulf %get3A_304, %get3A_726 : vector<16xf32>
        %add3A_728 = arith.addf %mul3A_719, %mul3A_727 : vector<16xf32>
        %add3A_729 = arith.addf %add3A_711, %add3A_728 : vector<16xf32>
        %swap3A_730 = arith.constant 176 : index
        %swap3A_731 = tpu.vector_load %arg18[%swap3A_730] {strides = array<i32>} : memref<256xf32, #tpu.memory_space<vmem>>, vector<16xf32>,
        tpu.vector_store %arg18[%swap3A_730], %add3A_729 {strides = array<i32>} : memref<256xf32, #tpu.memory_space<vmem>>, vector<16xf32>,
        %mul3A_732 = arith.constant 20 : i32
        %mul3A_733 = arith.muli %scan3A_293, %mul3A_732 : i32
        %add3A_734 = arith.constant 11 : i32
        %add3A_735 = arith.addi %mul3A_733, %add3A_734 : i32
        %get3A_736 = arith.index_cast %add3A_735 : i32 to index
        %get3A_737 = arith.constant 0 : index
        %get3A_738 = tpu.vector_load %arg15[%get3A_736, %get3A_737] {strides = array<i32>} : memref<640x64xf32, #tpu.memory_space<vmem>>, vector<16xf32>,
        %mul3A_739 = arith.mulf %get3A_295, %get3A_738 : vector<16xf32>
        %mul3A_740 = arith.constant 20 : i32
        %mul3A_741 = arith.muli %scan3A_293, %mul3A_740 : i32
        %add3A_742 = arith.constant 11 : i32
        %add3A_743 = arith.addi %mul3A_741, %add3A_742 : i32
        %get3A_744 = arith.index_cast %add3A_743 : i32 to index
        %get3A_745 = arith.constant 16 : index
        %get3A_746 = tpu.vector_load %arg15[%get3A_744, %get3A_745] {strides = array<i32>} : memref<640x64xf32, #tpu.memory_space<vmem>>, vector<16xf32>,
        %mul3A_747 = arith.mulf %get3A_298, %get3A_746 : vector<16xf32>
        %add3A_748 = arith.addf %mul3A_739, %mul3A_747 : vector<16xf32>
        %mul3A_749 = arith.constant 20 : i32
        %mul3A_750 = arith.muli %scan3A_293, %mul3A_749 : i32
        %add3A_751 = arith.constant 11 : i32
        %add3A_752 = arith.addi %mul3A_750, %add3A_751 : i32
        %get3A_753 = arith.index_cast %add3A_752 : i32 to index
        %get3A_754 = arith.constant 32 : index
        %get3A_755 = tpu.vector_load %arg15[%get3A_753, %get3A_754] {strides = array<i32>} : memref<640x64xf32, #tpu.memory_space<vmem>>, vector<16xf32>,
        %mul3A_756 = arith.mulf %get3A_301, %get3A_755 : vector<16xf32>
        %mul3A_757 = arith.constant 20 : i32
        %mul3A_758 = arith.muli %scan3A_293, %mul3A_757 : i32
        %add3A_759 = arith.constant 11 : i32
        %add3A_760 = arith.addi %mul3A_758, %add3A_759 : i32
        %get3A_761 = arith.index_cast %add3A_760 : i32 to index
        %get3A_762 = arith.constant 48 : index
        %get3A_763 = tpu.vector_load %arg15[%get3A_761, %get3A_762] {strides = array<i32>} : memref<640x64xf32, #tpu.memory_space<vmem>>, vector<16xf32>,
        %mul3A_764 = arith.mulf %get3A_304, %get3A_763 : vector<16xf32>
        %add3A_765 = arith.addf %mul3A_756, %mul3A_764 : vector<16xf32>
        %add3A_766 = arith.addf %add3A_748, %add3A_765 : vector<16xf32>
        %swap3A_767 = arith.constant 192 : index
        %swap3A_768 = tpu.vector_load %arg18[%swap3A_767] {strides = array<i32>} : memref<256xf32, #tpu.memory_space<vmem>>, vector<16xf32>,
        tpu.vector_store %arg18[%swap3A_767], %add3A_766 {strides = array<i32>} : memref<256xf32, #tpu.memory_space<vmem>>, vector<16xf32>,
        %mul3A_769 = arith.constant 20 : i32
        %mul3A_770 = arith.muli %scan3A_293, %mul3A_769 : i32
        %add3A_771 = arith.constant 12 : i32
        %add3A_772 = arith.addi %mul3A_770, %add3A_771 : i32
        %get3A_773 = arith.index_cast %add3A_772 : i32 to index
        %get3A_774 = arith.constant 0 : index
        %get3A_775 = tpu.vector_load %arg15[%get3A_773, %get3A_774] {strides = array<i32>} : memref<640x64xf32, #tpu.memory_space<vmem>>, vector<16xf32>,
        %mul3A_776 = arith.mulf %get3A_295, %get3A_775 : vector<16xf32>
        %mul3A_777 = arith.constant 20 : i32
        %mul3A_778 = arith.muli %scan3A_293, %mul3A_777 : i32
        %add3A_779 = arith.constant 12 : i32
        %add3A_780 = arith.addi %mul3A_778, %add3A_779 : i32
        %get3A_781 = arith.index_cast %add3A_780 : i32 to index
        %get3A_782 = arith.constant 16 : index
        %get3A_783 = tpu.vector_load %arg15[%get3A_781, %get3A_782] {strides = array<i32>} : memref<640x64xf32, #tpu.memory_space<vmem>>, vector<16xf32>,
        %mul3A_784 = arith.mulf %get3A_298, %get3A_783 : vector<16xf32>
        %add3A_785 = arith.addf %mul3A_776, %mul3A_784 : vector<16xf32>
        %mul3A_786 = arith.constant 20 : i32
        %mul3A_787 = arith.muli %scan3A_293, %mul3A_786 : i32
        %add3A_788 = arith.constant 12 : i32
        %add3A_789 = arith.addi %mul3A_787, %add3A_788 : i32
        %get3A_790 = arith.index_cast %add3A_789 : i32 to index
        %get3A_791 = arith.constant 32 : index
        %get3A_792 = tpu.vector_load %arg15[%get3A_790, %get3A_791] {strides = array<i32>} : memref<640x64xf32, #tpu.memory_space<vmem>>, vector<16xf32>,
        %mul3A_793 = arith.mulf %get3A_301, %get3A_792 : vector<16xf32>
        %mul3A_794 = arith.constant 20 : i32
        %mul3A_795 = arith.muli %scan3A_293, %mul3A_794 : i32
        %add3A_796 = arith.constant 12 : i32
        %add3A_797 = arith.addi %mul3A_795, %add3A_796 : i32
        %get3A_798 = arith.index_cast %add3A_797 : i32 to index
        %get3A_799 = arith.constant 48 : index
        %get3A_800 = tpu.vector_load %arg15[%get3A_798, %get3A_799] {strides = array<i32>} : memref<640x64xf32, #tpu.memory_space<vmem>>, vector<16xf32>,
        %mul3A_801 = arith.mulf %get3A_304, %get3A_800 : vector<16xf32>
        %add3A_802 = arith.addf %mul3A_793, %mul3A_801 : vector<16xf32>
        %add3A_803 = arith.addf %add3A_785, %add3A_802 : vector<16xf32>
        %swap3A_804 = arith.constant 208 : index
        %swap3A_805 = tpu.vector_load %arg18[%swap3A_804] {strides = array<i32>} : memref<256xf32, #tpu.memory_space<vmem>>, vector<16xf32>,
        tpu.vector_store %arg18[%swap3A_804], %add3A_803 {strides = array<i32>} : memref<256xf32, #tpu.memory_space<vmem>>, vector<16xf32>,
        %mul3A_806 = arith.constant 20 : i32
        %mul3A_807 = arith.muli %scan3A_293, %mul3A_806 : i32
        %add3A_808 = arith.constant 13 : i32
        %add3A_809 = arith.addi %mul3A_807, %add3A_808 : i32
        %get3A_810 = arith.index_cast %add3A_809 : i32 to index
        %get3A_811 = arith.constant 0 : index
        %get3A_812 = tpu.vector_load %arg15[%get3A_810, %get3A_811] {strides = array<i32>} : memref<640x64xf32, #tpu.memory_space<vmem>>, vector<16xf32>,
        %mul3A_813 = arith.mulf %get3A_295, %get3A_812 : vector<16xf32>
        %mul3A_814 = arith.constant 20 : i32
        %mul3A_815 = arith.muli %scan3A_293, %mul3A_814 : i32
        %add3A_816 = arith.constant 13 : i32
        %add3A_817 = arith.addi %mul3A_815, %add3A_816 : i32
        %get3A_818 = arith.index_cast %add3A_817 : i32 to index
        %get3A_819 = arith.constant 16 : index
        %get3A_820 = tpu.vector_load %arg15[%get3A_818, %get3A_819] {strides = array<i32>} : memref<640x64xf32, #tpu.memory_space<vmem>>, vector<16xf32>,
        %mul3A_821 = arith.mulf %get3A_298, %get3A_820 : vector<16xf32>
        %add3A_822 = arith.addf %mul3A_813, %mul3A_821 : vector<16xf32>
        %mul3A_823 = arith.constant 20 : i32
        %mul3A_824 = arith.muli %scan3A_293, %mul3A_823 : i32
        %add3A_825 = arith.constant 13 : i32
        %add3A_826 = arith.addi %mul3A_824, %add3A_825 : i32
        %get3A_827 = arith.index_cast %add3A_826 : i32 to index
        %get3A_828 = arith.constant 32 : index
        %get3A_829 = tpu.vector_load %arg15[%get3A_827, %get3A_828] {strides = array<i32>} : memref<640x64xf32, #tpu.memory_space<vmem>>, vector<16xf32>,
        %mul3A_830 = arith.mulf %get3A_301, %get3A_829 : vector<16xf32>
        %mul3A_831 = arith.constant 20 : i32
        %mul3A_832 = arith.muli %scan3A_293, %mul3A_831 : i32
        %add3A_833 = arith.constant 13 : i32
        %add3A_834 = arith.addi %mul3A_832, %add3A_833 : i32
        %get3A_835 = arith.index_cast %add3A_834 : i32 to index
        %get3A_836 = arith.constant 48 : index
        %get3A_837 = tpu.vector_load %arg15[%get3A_835, %get3A_836] {strides = array<i32>} : memref<640x64xf32, #tpu.memory_space<vmem>>, vector<16xf32>,
        %mul3A_838 = arith.mulf %get3A_304, %get3A_837 : vector<16xf32>
        %add3A_839 = arith.addf %mul3A_830, %mul3A_838 : vector<16xf32>
        %add3A_840 = arith.addf %add3A_822, %add3A_839 : vector<16xf32>
        %swap3A_841 = arith.constant 224 : index
        %swap3A_842 = tpu.vector_load %arg18[%swap3A_841] {strides = array<i32>} : memref<256xf32, #tpu.memory_space<vmem>>, vector<16xf32>,
        tpu.vector_store %arg18[%swap3A_841], %add3A_840 {strides = array<i32>} : memref<256xf32, #tpu.memory_space<vmem>>, vector<16xf32>,
        %mul3A_843 = arith.constant 20 : i32
        %mul3A_844 = arith.muli %scan3A_293, %mul3A_843 : i32
        %add3A_845 = arith.constant 14 : i32
        %add3A_846 = arith.addi %mul3A_844, %add3A_845 : i32
        %get3A_847 = arith.index_cast %add3A_846 : i32 to index
        %get3A_848 = arith.constant 0 : index
        %get3A_849 = tpu.vector_load %arg15[%get3A_847, %get3A_848] {strides = array<i32>} : memref<640x64xf32, #tpu.memory_space<vmem>>, vector<16xf32>,
        %mul3A_850 = arith.mulf %get3A_295, %get3A_849 : vector<16xf32>
        %mul3A_851 = arith.constant 20 : i32
        %mul3A_852 = arith.muli %scan3A_293, %mul3A_851 : i32
        %add3A_853 = arith.constant 14 : i32
        %add3A_854 = arith.addi %mul3A_852, %add3A_853 : i32
        %get3A_855 = arith.index_cast %add3A_854 : i32 to index
        %get3A_856 = arith.constant 16 : index
        %get3A_857 = tpu.vector_load %arg15[%get3A_855, %get3A_856] {strides = array<i32>} : memref<640x64xf32, #tpu.memory_space<vmem>>, vector<16xf32>,
        %mul3A_858 = arith.mulf %get3A_298, %get3A_857 : vector<16xf32>
        %add3A_859 = arith.addf %mul3A_850, %mul3A_858 : vector<16xf32>
        %mul3A_860 = arith.constant 20 : i32
        %mul3A_861 = arith.muli %scan3A_293, %mul3A_860 : i32
        %add3A_862 = arith.constant 14 : i32
        %add3A_863 = arith.addi %mul3A_861, %add3A_862 : i32
        %get3A_864 = arith.index_cast %add3A_863 : i32 to index
        %get3A_865 = arith.constant 32 : index
        %get3A_866 = tpu.vector_load %arg15[%get3A_864, %get3A_865] {strides = array<i32>} : memref<640x64xf32, #tpu.memory_space<vmem>>, vector<16xf32>,
        %mul3A_867 = arith.mulf %get3A_301, %get3A_866 : vector<16xf32>
        %mul3A_868 = arith.constant 20 : i32
        %mul3A_869 = arith.muli %scan3A_293, %mul3A_868 : i32
        %add3A_870 = arith.constant 14 : i32
        %add3A_871 = arith.addi %mul3A_869, %add3A_870 : i32
        %get3A_872 = arith.index_cast %add3A_871 : i32 to index
        %get3A_873 = arith.constant 48 : index
        %get3A_874 = tpu.vector_load %arg15[%get3A_872, %get3A_873] {strides = array<i32>} : memref<640x64xf32, #tpu.memory_space<vmem>>, vector<16xf32>,
        %mul3A_875 = arith.mulf %get3A_304, %get3A_874 : vector<16xf32>
        %add3A_876 = arith.addf %mul3A_867, %mul3A_875 : vector<16xf32>
        %add3A_877 = arith.addf %add3A_859, %add3A_876 : vector<16xf32>
        %swap3A_878 = arith.constant 240 : index
        %swap3A_879 = tpu.vector_load %arg18[%swap3A_878] {strides = array<i32>} : memref<256xf32, #tpu.memory_space<vmem>>, vector<16xf32>,
        tpu.vector_store %arg18[%swap3A_878], %add3A_877 {strides = array<i32>} : memref<256xf32, #tpu.memory_space<vmem>>, vector<16xf32>,
        %gather3A = tpu.vector_load_idx %arg18[%mul3A_5] : memref<256xf32, #tpu.memory_space<vmem>>[vector<16xi32>], vector<16xf32>,
        %add3A_880 = arith.constant 1 : i32
        %add3A_881 = vector.broadcast %add3A_880 : i32 to vector<16xi32>
        %add3A_882 = arith.addi %mul3A_5, %add3A_881 : vector<16xi32>
        %gather3A_883 = tpu.vector_load_idx %arg18[%add3A_882] : memref<256xf32, #tpu.memory_space<vmem>>[vector<16xi32>], vector<16xf32>,
        %add3A_884 = arith.addf %gather3A, %gather3A_883 : vector<16xf32>
        %add3A_885 = arith.constant 2 : i32
        %add3A_886 = vector.broadcast %add3A_885 : i32 to vector<16xi32>
        %add3A_887 = arith.addi %mul3A_5, %add3A_886 : vector<16xi32>
        %gather3A_888 = tpu.vector_load_idx %arg18[%add3A_887] : memref<256xf32, #tpu.memory_space<vmem>>[vector<16xi32>], vector<16xf32>,
        %add3A_889 = arith.addf %add3A_884, %gather3A_888 : vector<16xf32>
        %add3A_890 = arith.constant 3 : i32
        %add3A_891 = vector.broadcast %add3A_890 : i32 to vector<16xi32>
        %add3A_892 = arith.addi %mul3A_5, %add3A_891 : vector<16xi32>
        %gather3A_893 = tpu.vector_load_idx %arg18[%add3A_892] : memref<256xf32, #tpu.memory_space<vmem>>[vector<16xi32>], vector<16xf32>,
        %add3A_894 = arith.addf %add3A_889, %gather3A_893 : vector<16xf32>
        %add3A_895 = arith.constant 4 : i32
        %add3A_896 = vector.broadcast %add3A_895 : i32 to vector<16xi32>
        %add3A_897 = arith.addi %mul3A_5, %add3A_896 : vector<16xi32>
        %gather3A_898 = tpu.vector_load_idx %arg18[%add3A_897] : memref<256xf32, #tpu.memory_space<vmem>>[vector<16xi32>], vector<16xf32>,
        %add3A_899 = arith.addf %add3A_894, %gather3A_898 : vector<16xf32>
        %add3A_900 = arith.constant 5 : i32
        %add3A_901 = vector.broadcast %add3A_900 : i32 to vector<16xi32>
        %add3A_902 = arith.addi %mul3A_5, %add3A_901 : vector<16xi32>
        %gather3A_903 = tpu.vector_load_idx %arg18[%add3A_902] : memref<256xf32, #tpu.memory_space<vmem>>[vector<16xi32>], vector<16xf32>,
        %add3A_904 = arith.addf %add3A_899, %gather3A_903 : vector<16xf32>
        %add3A_905 = arith.constant 6 : i32
        %add3A_906 = vector.broadcast %add3A_905 : i32 to vector<16xi32>
        %add3A_907 = arith.addi %mul3A_5, %add3A_906 : vector<16xi32>
        %gather3A_908 = tpu.vector_load_idx %arg18[%add3A_907] : memref<256xf32, #tpu.memory_space<vmem>>[vector<16xi32>], vector<16xf32>,
        %add3A_909 = arith.addf %add3A_904, %gather3A_908 : vector<16xf32>
        %add3A_910 = arith.constant 7 : i32
        %add3A_911 = vector.broadcast %add3A_910 : i32 to vector<16xi32>
        %add3A_912 = arith.addi %mul3A_5, %add3A_911 : vector<16xi32>
        %gather3A_913 = tpu.vector_load_idx %arg18[%add3A_912] : memref<256xf32, #tpu.memory_space<vmem>>[vector<16xi32>], vector<16xf32>,
        %add3A_914 = arith.addf %add3A_909, %gather3A_913 : vector<16xf32>
        %add3A_915 = arith.constant 8 : i32
        %add3A_916 = vector.broadcast %add3A_915 : i32 to vector<16xi32>
        %add3A_917 = arith.addi %mul3A_5, %add3A_916 : vector<16xi32>
        %gather3A_918 = tpu.vector_load_idx %arg18[%add3A_917] : memref<256xf32, #tpu.memory_space<vmem>>[vector<16xi32>], vector<16xf32>,
        %add3A_919 = arith.addf %add3A_914, %gather3A_918 : vector<16xf32>
        %add3A_920 = arith.constant 9 : i32
        %add3A_921 = vector.broadcast %add3A_920 : i32 to vector<16xi32>
        %add3A_922 = arith.addi %mul3A_5, %add3A_921 : vector<16xi32>
        %gather3A_923 = tpu.vector_load_idx %arg18[%add3A_922] : memref<256xf32, #tpu.memory_space<vmem>>[vector<16xi32>], vector<16xf32>,
        %add3A_924 = arith.addf %add3A_919, %gather3A_923 : vector<16xf32>
        %add3A_925 = arith.constant 10 : i32
        %add3A_926 = vector.broadcast %add3A_925 : i32 to vector<16xi32>
        %add3A_927 = arith.addi %mul3A_5, %add3A_926 : vector<16xi32>
        %gather3A_928 = tpu.vector_load_idx %arg18[%add3A_927] : memref<256xf32, #tpu.memory_space<vmem>>[vector<16xi32>], vector<16xf32>,
        %add3A_929 = arith.addf %add3A_924, %gather3A_928 : vector<16xf32>
        %add3A_930 = arith.constant 11 : i32
        %add3A_931 = vector.broadcast %add3A_930 : i32 to vector<16xi32>
        %add3A_932 = arith.addi %mul3A_5, %add3A_931 : vector<16xi32>
        %gather3A_933 = tpu.vector_load_idx %arg18[%add3A_932] : memref<256xf32, #tpu.memory_space<vmem>>[vector<16xi32>], vector<16xf32>,
        %add3A_934 = arith.addf %add3A_929, %gather3A_933 : vector<16xf32>
        %add3A_935 = arith.constant 12 : i32
        %add3A_936 = vector.broadcast %add3A_935 : i32 to vector<16xi32>
        %add3A_937 = arith.addi %mul3A_5, %add3A_936 : vector<16xi32>
        %gather3A_938 = tpu.vector_load_idx %arg18[%add3A_937] : memref<256xf32, #tpu.memory_space<vmem>>[vector<16xi32>], vector<16xf32>,
        %add3A_939 = arith.addf %add3A_934, %gather3A_938 : vector<16xf32>
        %add3A_940 = arith.constant 13 : i32
        %add3A_941 = vector.broadcast %add3A_940 : i32 to vector<16xi32>
        %add3A_942 = arith.addi %mul3A_5, %add3A_941 : vector<16xi32>
        %gather3A_943 = tpu.vector_load_idx %arg18[%add3A_942] : memref<256xf32, #tpu.memory_space<vmem>>[vector<16xi32>], vector<16xf32>,
        %add3A_944 = arith.addf %add3A_939, %gather3A_943 : vector<16xf32>
        %add3A_945 = arith.constant 14 : i32
        %add3A_946 = vector.broadcast %add3A_945 : i32 to vector<16xi32>
        %add3A_947 = arith.addi %mul3A_5, %add3A_946 : vector<16xi32>
        %gather3A_948 = tpu.vector_load_idx %arg18[%add3A_947] : memref<256xf32, #tpu.memory_space<vmem>>[vector<16xi32>], vector<16xf32>,
        %add3A_949 = arith.addf %add3A_944, %gather3A_948 : vector<16xf32>
        %add3A_950 = arith.constant 15 : i32
        %add3A_951 = vector.broadcast %add3A_950 : i32 to vector<16xi32>
        %add3A_952 = arith.addi %mul3A_5, %add3A_951 : vector<16xi32>
        %gather3A_953 = tpu.vector_load_idx %arg18[%add3A_952] : memref<256xf32, #tpu.memory_space<vmem>>[vector<16xi32>], vector<16xf32>,
        %add3A_954 = arith.addf %add3A_949, %gather3A_953 : vector<16xf32>
        %swap3A_955 = arith.index_cast %scan3A_293 : i32 to index
        %swap3A_956 = arith.constant 0 : index
        %swap3A_957 = tpu.vector_load %arg17[%swap3A_955, %swap3A_956] {strides = array<i32>} : memref<32x32xf32, #tpu.memory_space<vmem>>, vector<16xf32>,
        tpu.vector_store %arg17[%swap3A_955, %swap3A_956], %add3A_954 {strides = array<i32>} : memref<32x32xf32, #tpu.memory_space<vmem>>, vector<16xf32>,
        %mul3A_958 = arith.constant 20 : i32
        %mul3A_959 = arith.muli %scan3A_293, %mul3A_958 : i32
        %add3A_960 = arith.constant 15 : i32
        %add3A_961 = arith.addi %mul3A_959, %add3A_960 : i32
        %get3A_962 = arith.index_cast %add3A_961 : i32 to index
        %get3A_963 = arith.constant 0 : index
        %get3A_964 = tpu.vector_load %arg15[%get3A_962, %get3A_963] {strides = array<i32>} : memref<640x64xf32, #tpu.memory_space<vmem>>, vector<16xf32>,
        %mul3A_965 = arith.mulf %get3A_295, %get3A_964 : vector<16xf32>
        %mul3A_966 = arith.constant 20 : i32
        %mul3A_967 = arith.muli %scan3A_293, %mul3A_966 : i32
        %add3A_968 = arith.constant 15 : i32
        %add3A_969 = arith.addi %mul3A_967, %add3A_968 : i32
        %get3A_970 = arith.index_cast %add3A_969 : i32 to index
        %get3A_971 = arith.constant 16 : index
        %get3A_972 = tpu.vector_load %arg15[%get3A_970, %get3A_971] {strides = array<i32>} : memref<640x64xf32, #tpu.memory_space<vmem>>, vector<16xf32>,
        %mul3A_973 = arith.mulf %get3A_298, %get3A_972 : vector<16xf32>
        %add3A_974 = arith.addf %mul3A_965, %mul3A_973 : vector<16xf32>
        %mul3A_975 = arith.constant 20 : i32
        %mul3A_976 = arith.muli %scan3A_293, %mul3A_975 : i32
        %add3A_977 = arith.constant 15 : i32
        %add3A_978 = arith.addi %mul3A_976, %add3A_977 : i32
        %get3A_979 = arith.index_cast %add3A_978 : i32 to index
        %get3A_980 = arith.constant 32 : index
        %get3A_981 = tpu.vector_load %arg15[%get3A_979, %get3A_980] {strides = array<i32>} : memref<640x64xf32, #tpu.memory_space<vmem>>, vector<16xf32>,
        %mul3A_982 = arith.mulf %get3A_301, %get3A_981 : vector<16xf32>
        %mul3A_983 = arith.constant 20 : i32
        %mul3A_984 = arith.muli %scan3A_293, %mul3A_983 : i32
        %add3A_985 = arith.constant 15 : i32
        %add3A_986 = arith.addi %mul3A_984, %add3A_985 : i32
        %get3A_987 = arith.index_cast %add3A_986 : i32 to index
        %get3A_988 = arith.constant 48 : index
        %get3A_989 = tpu.vector_load %arg15[%get3A_987, %get3A_988] {strides = array<i32>} : memref<640x64xf32, #tpu.memory_space<vmem>>, vector<16xf32>,
        %mul3A_990 = arith.mulf %get3A_304, %get3A_989 : vector<16xf32>
        %add3A_991 = arith.addf %mul3A_982, %mul3A_990 : vector<16xf32>
        %add3A_992 = arith.addf %add3A_974, %add3A_991 : vector<16xf32>
        %swap3A_993 = arith.constant 0 : index
        %swap3A_994 = tpu.vector_load %arg18[%swap3A_993] {strides = array<i32>} : memref<256xf32, #tpu.memory_space<vmem>>, vector<16xf32>,
        tpu.vector_store %arg18[%swap3A_993], %add3A_992 {strides = array<i32>} : memref<256xf32, #tpu.memory_space<vmem>>, vector<16xf32>,
        %mul3A_995 = arith.constant 20 : i32
        %mul3A_996 = arith.muli %scan3A_293, %mul3A_995 : i32
        %add3A_997 = arith.constant 16 : i32
        %add3A_998 = arith.addi %mul3A_996, %add3A_997 : i32
        %get3A_999 = arith.index_cast %add3A_998 : i32 to index
        %get3A_1000 = arith.constant 0 : index
        %get3A_1001 = tpu.vector_load %arg15[%get3A_999, %get3A_1000] {strides = array<i32>} : memref<640x64xf32, #tpu.memory_space<vmem>>, vector<16xf32>,
        %mul3A_1002 = arith.mulf %get3A_295, %get3A_1001 : vector<16xf32>
        %mul3A_1003 = arith.constant 20 : i32
        %mul3A_1004 = arith.muli %scan3A_293, %mul3A_1003 : i32
        %add3A_1005 = arith.constant 16 : i32
        %add3A_1006 = arith.addi %mul3A_1004, %add3A_1005 : i32
        %get3A_1007 = arith.index_cast %add3A_1006 : i32 to index
        %get3A_1008 = arith.constant 16 : index
        %get3A_1009 = tpu.vector_load %arg15[%get3A_1007, %get3A_1008] {strides = array<i32>} : memref<640x64xf32, #tpu.memory_space<vmem>>, vector<16xf32>,
        %mul3A_1010 = arith.mulf %get3A_298, %get3A_1009 : vector<16xf32>
        %add3A_1011 = arith.addf %mul3A_1002, %mul3A_1010 : vector<16xf32>
        %mul3A_1012 = arith.constant 20 : i32
        %mul3A_1013 = arith.muli %scan3A_293, %mul3A_1012 : i32
        %add3A_1014 = arith.constant 16 : i32
        %add3A_1015 = arith.addi %mul3A_1013, %add3A_1014 : i32
        %get3A_1016 = arith.index_cast %add3A_1015 : i32 to index
        %get3A_1017 = arith.constant 32 : index
        %get3A_1018 = tpu.vector_load %arg15[%get3A_1016, %get3A_1017] {strides = array<i32>} : memref<640x64xf32, #tpu.memory_space<vmem>>, vector<16xf32>,
        %mul3A_1019 = arith.mulf %get3A_301, %get3A_1018 : vector<16xf32>
        %mul3A_1020 = arith.constant 20 : i32
        %mul3A_1021 = arith.muli %scan3A_293, %mul3A_1020 : i32
        %add3A_1022 = arith.constant 16 : i32
        %add3A_1023 = arith.addi %mul3A_1021, %add3A_1022 : i32
        %get3A_1024 = arith.index_cast %add3A_1023 : i32 to index
        %get3A_1025 = arith.constant 48 : index
        %get3A_1026 = tpu.vector_load %arg15[%get3A_1024, %get3A_1025] {strides = array<i32>} : memref<640x64xf32, #tpu.memory_space<vmem>>, vector<16xf32>,
        %mul3A_1027 = arith.mulf %get3A_304, %get3A_1026 : vector<16xf32>
        %add3A_1028 = arith.addf %mul3A_1019, %mul3A_1027 : vector<16xf32>
        %add3A_1029 = arith.addf %add3A_1011, %add3A_1028 : vector<16xf32>
        %swap3A_1030 = arith.constant 16 : index
        %swap3A_1031 = tpu.vector_load %arg18[%swap3A_1030] {strides = array<i32>} : memref<256xf32, #tpu.memory_space<vmem>>, vector<16xf32>,
        tpu.vector_store %arg18[%swap3A_1030], %add3A_1029 {strides = array<i32>} : memref<256xf32, #tpu.memory_space<vmem>>, vector<16xf32>,
        %mul3A_1032 = arith.constant 20 : i32
        %mul3A_1033 = arith.muli %scan3A_293, %mul3A_1032 : i32
        %add3A_1034 = arith.constant 17 : i32
        %add3A_1035 = arith.addi %mul3A_1033, %add3A_1034 : i32
        %get3A_1036 = arith.index_cast %add3A_1035 : i32 to index
        %get3A_1037 = arith.constant 0 : index
        %get3A_1038 = tpu.vector_load %arg15[%get3A_1036, %get3A_1037] {strides = array<i32>} : memref<640x64xf32, #tpu.memory_space<vmem>>, vector<16xf32>,
        %mul3A_1039 = arith.mulf %get3A_295, %get3A_1038 : vector<16xf32>
        %mul3A_1040 = arith.constant 20 : i32
        %mul3A_1041 = arith.muli %scan3A_293, %mul3A_1040 : i32
        %add3A_1042 = arith.constant 17 : i32
        %add3A_1043 = arith.addi %mul3A_1041, %add3A_1042 : i32
        %get3A_1044 = arith.index_cast %add3A_1043 : i32 to index
        %get3A_1045 = arith.constant 16 : index
        %get3A_1046 = tpu.vector_load %arg15[%get3A_1044, %get3A_1045] {strides = array<i32>} : memref<640x64xf32, #tpu.memory_space<vmem>>, vector<16xf32>,
        %mul3A_1047 = arith.mulf %get3A_298, %get3A_1046 : vector<16xf32>
        %add3A_1048 = arith.addf %mul3A_1039, %mul3A_1047 : vector<16xf32>
        %mul3A_1049 = arith.constant 20 : i32
        %mul3A_1050 = arith.muli %scan3A_293, %mul3A_1049 : i32
        %add3A_1051 = arith.constant 17 : i32
        %add3A_1052 = arith.addi %mul3A_1050, %add3A_1051 : i32
        %get3A_1053 = arith.index_cast %add3A_1052 : i32 to index
        %get3A_1054 = arith.constant 32 : index
        %get3A_1055 = tpu.vector_load %arg15[%get3A_1053, %get3A_1054] {strides = array<i32>} : memref<640x64xf32, #tpu.memory_space<vmem>>, vector<16xf32>,
        %mul3A_1056 = arith.mulf %get3A_301, %get3A_1055 : vector<16xf32>
        %mul3A_1057 = arith.constant 20 : i32
        %mul3A_1058 = arith.muli %scan3A_293, %mul3A_1057 : i32
        %add3A_1059 = arith.constant 17 : i32
        %add3A_1060 = arith.addi %mul3A_1058, %add3A_1059 : i32
        %get3A_1061 = arith.index_cast %add3A_1060 : i32 to index
        %get3A_1062 = arith.constant 48 : index
        %get3A_1063 = tpu.vector_load %arg15[%get3A_1061, %get3A_1062] {strides = array<i32>} : memref<640x64xf32, #tpu.memory_space<vmem>>, vector<16xf32>,
        %mul3A_1064 = arith.mulf %get3A_304, %get3A_1063 : vector<16xf32>
        %add3A_1065 = arith.addf %mul3A_1056, %mul3A_1064 : vector<16xf32>
        %add3A_1066 = arith.addf %add3A_1048, %add3A_1065 : vector<16xf32>
        %swap3A_1067 = arith.constant 32 : index
        %swap3A_1068 = tpu.vector_load %arg18[%swap3A_1067] {strides = array<i32>} : memref<256xf32, #tpu.memory_space<vmem>>, vector<16xf32>,
        tpu.vector_store %arg18[%swap3A_1067], %add3A_1066 {strides = array<i32>} : memref<256xf32, #tpu.memory_space<vmem>>, vector<16xf32>,
        %mul3A_1069 = arith.constant 20 : i32
        %mul3A_1070 = arith.muli %scan3A_293, %mul3A_1069 : i32
        %add3A_1071 = arith.constant 18 : i32
        %add3A_1072 = arith.addi %mul3A_1070, %add3A_1071 : i32
        %get3A_1073 = arith.index_cast %add3A_1072 : i32 to index
        %get3A_1074 = arith.constant 0 : index
        %get3A_1075 = tpu.vector_load %arg15[%get3A_1073, %get3A_1074] {strides = array<i32>} : memref<640x64xf32, #tpu.memory_space<vmem>>, vector<16xf32>,
        %mul3A_1076 = arith.mulf %get3A_295, %get3A_1075 : vector<16xf32>
        %mul3A_1077 = arith.constant 20 : i32
        %mul3A_1078 = arith.muli %scan3A_293, %mul3A_1077 : i32
        %add3A_1079 = arith.constant 18 : i32
        %add3A_1080 = arith.addi %mul3A_1078, %add3A_1079 : i32
        %get3A_1081 = arith.index_cast %add3A_1080 : i32 to index
        %get3A_1082 = arith.constant 16 : index
        %get3A_1083 = tpu.vector_load %arg15[%get3A_1081, %get3A_1082] {strides = array<i32>} : memref<640x64xf32, #tpu.memory_space<vmem>>, vector<16xf32>,
        %mul3A_1084 = arith.mulf %get3A_298, %get3A_1083 : vector<16xf32>
        %add3A_1085 = arith.addf %mul3A_1076, %mul3A_1084 : vector<16xf32>
        %mul3A_1086 = arith.constant 20 : i32
        %mul3A_1087 = arith.muli %scan3A_293, %mul3A_1086 : i32
        %add3A_1088 = arith.constant 18 : i32
        %add3A_1089 = arith.addi %mul3A_1087, %add3A_1088 : i32
        %get3A_1090 = arith.index_cast %add3A_1089 : i32 to index
        %get3A_1091 = arith.constant 32 : index
        %get3A_1092 = tpu.vector_load %arg15[%get3A_1090, %get3A_1091] {strides = array<i32>} : memref<640x64xf32, #tpu.memory_space<vmem>>, vector<16xf32>,
        %mul3A_1093 = arith.mulf %get3A_301, %get3A_1092 : vector<16xf32>
        %mul3A_1094 = arith.constant 20 : i32
        %mul3A_1095 = arith.muli %scan3A_293, %mul3A_1094 : i32
        %add3A_1096 = arith.constant 18 : i32
        %add3A_1097 = arith.addi %mul3A_1095, %add3A_1096 : i32
        %get3A_1098 = arith.index_cast %add3A_1097 : i32 to index
        %get3A_1099 = arith.constant 48 : index
        %get3A_1100 = tpu.vector_load %arg15[%get3A_1098, %get3A_1099] {strides = array<i32>} : memref<640x64xf32, #tpu.memory_space<vmem>>, vector<16xf32>,
        %mul3A_1101 = arith.mulf %get3A_304, %get3A_1100 : vector<16xf32>
        %add3A_1102 = arith.addf %mul3A_1093, %mul3A_1101 : vector<16xf32>
        %add3A_1103 = arith.addf %add3A_1085, %add3A_1102 : vector<16xf32>
        %swap3A_1104 = arith.constant 48 : index
        %swap3A_1105 = tpu.vector_load %arg18[%swap3A_1104] {strides = array<i32>} : memref<256xf32, #tpu.memory_space<vmem>>, vector<16xf32>,
        tpu.vector_store %arg18[%swap3A_1104], %add3A_1103 {strides = array<i32>} : memref<256xf32, #tpu.memory_space<vmem>>, vector<16xf32>,
        %mul3A_1106 = arith.constant 20 : i32
        %mul3A_1107 = arith.muli %scan3A_293, %mul3A_1106 : i32
        %add3A_1108 = arith.constant 19 : i32
        %add3A_1109 = arith.addi %mul3A_1107, %add3A_1108 : i32
        %get3A_1110 = arith.index_cast %add3A_1109 : i32 to index
        %get3A_1111 = arith.constant 0 : index
        %get3A_1112 = tpu.vector_load %arg15[%get3A_1110, %get3A_1111] {strides = array<i32>} : memref<640x64xf32, #tpu.memory_space<vmem>>, vector<16xf32>,
        %mul3A_1113 = arith.mulf %get3A_295, %get3A_1112 : vector<16xf32>
        %mul3A_1114 = arith.constant 20 : i32
        %mul3A_1115 = arith.muli %scan3A_293, %mul3A_1114 : i32
        %add3A_1116 = arith.constant 19 : i32
        %add3A_1117 = arith.addi %mul3A_1115, %add3A_1116 : i32
        %get3A_1118 = arith.index_cast %add3A_1117 : i32 to index
        %get3A_1119 = arith.constant 16 : index
        %get3A_1120 = tpu.vector_load %arg15[%get3A_1118, %get3A_1119] {strides = array<i32>} : memref<640x64xf32, #tpu.memory_space<vmem>>, vector<16xf32>,
        %mul3A_1121 = arith.mulf %get3A_298, %get3A_1120 : vector<16xf32>
        %add3A_1122 = arith.addf %mul3A_1113, %mul3A_1121 : vector<16xf32>
        %mul3A_1123 = arith.constant 20 : i32
        %mul3A_1124 = arith.muli %scan3A_293, %mul3A_1123 : i32
        %add3A_1125 = arith.constant 19 : i32
        %add3A_1126 = arith.addi %mul3A_1124, %add3A_1125 : i32
        %get3A_1127 = arith.index_cast %add3A_1126 : i32 to index
        %get3A_1128 = arith.constant 32 : index
        %get3A_1129 = tpu.vector_load %arg15[%get3A_1127, %get3A_1128] {strides = array<i32>} : memref<640x64xf32, #tpu.memory_space<vmem>>, vector<16xf32>,
        %mul3A_1130 = arith.mulf %get3A_301, %get3A_1129 : vector<16xf32>
        %mul3A_1131 = arith.constant 20 : i32
        %mul3A_1132 = arith.muli %scan3A_293, %mul3A_1131 : i32
        %add3A_1133 = arith.constant 19 : i32
        %add3A_1134 = arith.addi %mul3A_1132, %add3A_1133 : i32
        %get3A_1135 = arith.index_cast %add3A_1134 : i32 to index
        %get3A_1136 = arith.constant 48 : index
        %get3A_1137 = tpu.vector_load %arg15[%get3A_1135, %get3A_1136] {strides = array<i32>} : memref<640x64xf32, #tpu.memory_space<vmem>>, vector<16xf32>,
        %mul3A_1138 = arith.mulf %get3A_304, %get3A_1137 : vector<16xf32>
        %add3A_1139 = arith.addf %mul3A_1130, %mul3A_1138 : vector<16xf32>
        %add3A_1140 = arith.addf %add3A_1122, %add3A_1139 : vector<16xf32>
        %swap3A_1141 = arith.constant 64 : index
        %swap3A_1142 = tpu.vector_load %arg18[%swap3A_1141] {strides = array<i32>} : memref<256xf32, #tpu.memory_space<vmem>>, vector<16xf32>,
        tpu.vector_store %arg18[%swap3A_1141], %add3A_1140 {strides = array<i32>} : memref<256xf32, #tpu.memory_space<vmem>>, vector<16xf32>,
        %gather3A_1143 = tpu.vector_load_idx %arg18[%mul3A_5] : memref<256xf32, #tpu.memory_space<vmem>>[vector<16xi32>], vector<16xf32>,
        %add3A_1144 = arith.constant 1 : i32
        %add3A_1145 = vector.broadcast %add3A_1144 : i32 to vector<16xi32>
        %add3A_1146 = arith.addi %mul3A_5, %add3A_1145 : vector<16xi32>
        %gather3A_1147 = tpu.vector_load_idx %arg18[%add3A_1146] : memref<256xf32, #tpu.memory_space<vmem>>[vector<16xi32>], vector<16xf32>,
        %add3A_1148 = arith.addf %gather3A_1143, %gather3A_1147 : vector<16xf32>
        %add3A_1149 = arith.constant 2 : i32
        %add3A_1150 = vector.broadcast %add3A_1149 : i32 to vector<16xi32>
        %add3A_1151 = arith.addi %mul3A_5, %add3A_1150 : vector<16xi32>
        %gather3A_1152 = tpu.vector_load_idx %arg18[%add3A_1151] : memref<256xf32, #tpu.memory_space<vmem>>[vector<16xi32>], vector<16xf32>,
        %add3A_1153 = arith.addf %add3A_1148, %gather3A_1152 : vector<16xf32>
        %add3A_1154 = arith.constant 3 : i32
        %add3A_1155 = vector.broadcast %add3A_1154 : i32 to vector<16xi32>
        %add3A_1156 = arith.addi %mul3A_5, %add3A_1155 : vector<16xi32>
        %gather3A_1157 = tpu.vector_load_idx %arg18[%add3A_1156] : memref<256xf32, #tpu.memory_space<vmem>>[vector<16xi32>], vector<16xf32>,
        %add3A_1158 = arith.addf %add3A_1153, %gather3A_1157 : vector<16xf32>
        %add3A_1159 = arith.constant 4 : i32
        %add3A_1160 = vector.broadcast %add3A_1159 : i32 to vector<16xi32>
        %add3A_1161 = arith.addi %mul3A_5, %add3A_1160 : vector<16xi32>
        %gather3A_1162 = tpu.vector_load_idx %arg18[%add3A_1161] : memref<256xf32, #tpu.memory_space<vmem>>[vector<16xi32>], vector<16xf32>,
        %add3A_1163 = arith.addf %add3A_1158, %gather3A_1162 : vector<16xf32>
        %add3A_1164 = arith.constant 5 : i32
        %add3A_1165 = vector.broadcast %add3A_1164 : i32 to vector<16xi32>
        %add3A_1166 = arith.addi %mul3A_5, %add3A_1165 : vector<16xi32>
        %gather3A_1167 = tpu.vector_load_idx %arg18[%add3A_1166] : memref<256xf32, #tpu.memory_space<vmem>>[vector<16xi32>], vector<16xf32>,
        %add3A_1168 = arith.addf %add3A_1163, %gather3A_1167 : vector<16xf32>
        %add3A_1169 = arith.constant 6 : i32
        %add3A_1170 = vector.broadcast %add3A_1169 : i32 to vector<16xi32>
        %add3A_1171 = arith.addi %mul3A_5, %add3A_1170 : vector<16xi32>
        %gather3A_1172 = tpu.vector_load_idx %arg18[%add3A_1171] : memref<256xf32, #tpu.memory_space<vmem>>[vector<16xi32>], vector<16xf32>,
        %add3A_1173 = arith.addf %add3A_1168, %gather3A_1172 : vector<16xf32>
        %add3A_1174 = arith.constant 7 : i32
        %add3A_1175 = vector.broadcast %add3A_1174 : i32 to vector<16xi32>
        %add3A_1176 = arith.addi %mul3A_5, %add3A_1175 : vector<16xi32>
        %gather3A_1177 = tpu.vector_load_idx %arg18[%add3A_1176] : memref<256xf32, #tpu.memory_space<vmem>>[vector<16xi32>], vector<16xf32>,
        %add3A_1178 = arith.addf %add3A_1173, %gather3A_1177 : vector<16xf32>
        %add3A_1179 = arith.constant 8 : i32
        %add3A_1180 = vector.broadcast %add3A_1179 : i32 to vector<16xi32>
        %add3A_1181 = arith.addi %mul3A_5, %add3A_1180 : vector<16xi32>
        %gather3A_1182 = tpu.vector_load_idx %arg18[%add3A_1181] : memref<256xf32, #tpu.memory_space<vmem>>[vector<16xi32>], vector<16xf32>,
        %add3A_1183 = arith.addf %add3A_1178, %gather3A_1182 : vector<16xf32>
        %add3A_1184 = arith.constant 9 : i32
        %add3A_1185 = vector.broadcast %add3A_1184 : i32 to vector<16xi32>
        %add3A_1186 = arith.addi %mul3A_5, %add3A_1185 : vector<16xi32>
        %gather3A_1187 = tpu.vector_load_idx %arg18[%add3A_1186] : memref<256xf32, #tpu.memory_space<vmem>>[vector<16xi32>], vector<16xf32>,
        %add3A_1188 = arith.addf %add3A_1183, %gather3A_1187 : vector<16xf32>
        %add3A_1189 = arith.constant 10 : i32
        %add3A_1190 = vector.broadcast %add3A_1189 : i32 to vector<16xi32>
        %add3A_1191 = arith.addi %mul3A_5, %add3A_1190 : vector<16xi32>
        %gather3A_1192 = tpu.vector_load_idx %arg18[%add3A_1191] : memref<256xf32, #tpu.memory_space<vmem>>[vector<16xi32>], vector<16xf32>,
        %add3A_1193 = arith.addf %add3A_1188, %gather3A_1192 : vector<16xf32>
        %add3A_1194 = arith.constant 11 : i32
        %add3A_1195 = vector.broadcast %add3A_1194 : i32 to vector<16xi32>
        %add3A_1196 = arith.addi %mul3A_5, %add3A_1195 : vector<16xi32>
        %gather3A_1197 = tpu.vector_load_idx %arg18[%add3A_1196] : memref<256xf32, #tpu.memory_space<vmem>>[vector<16xi32>], vector<16xf32>,
        %add3A_1198 = arith.addf %add3A_1193, %gather3A_1197 : vector<16xf32>
        %add3A_1199 = arith.constant 12 : i32
        %add3A_1200 = vector.broadcast %add3A_1199 : i32 to vector<16xi32>
        %add3A_1201 = arith.addi %mul3A_5, %add3A_1200 : vector<16xi32>
        %gather3A_1202 = tpu.vector_load_idx %arg18[%add3A_1201] : memref<256xf32, #tpu.memory_space<vmem>>[vector<16xi32>], vector<16xf32>,
        %add3A_1203 = arith.addf %add3A_1198, %gather3A_1202 : vector<16xf32>
        %add3A_1204 = arith.constant 13 : i32
        %add3A_1205 = vector.broadcast %add3A_1204 : i32 to vector<16xi32>
        %add3A_1206 = arith.addi %mul3A_5, %add3A_1205 : vector<16xi32>
        %gather3A_1207 = tpu.vector_load_idx %arg18[%add3A_1206] : memref<256xf32, #tpu.memory_space<vmem>>[vector<16xi32>], vector<16xf32>,
        %add3A_1208 = arith.addf %add3A_1203, %gather3A_1207 : vector<16xf32>
        %add3A_1209 = arith.constant 14 : i32
        %add3A_1210 = vector.broadcast %add3A_1209 : i32 to vector<16xi32>
        %add3A_1211 = arith.addi %mul3A_5, %add3A_1210 : vector<16xi32>
        %gather3A_1212 = tpu.vector_load_idx %arg18[%add3A_1211] : memref<256xf32, #tpu.memory_space<vmem>>[vector<16xi32>], vector<16xf32>,
        %add3A_1213 = arith.addf %add3A_1208, %gather3A_1212 : vector<16xf32>
        %add3A_1214 = arith.constant 15 : i32
        %add3A_1215 = vector.broadcast %add3A_1214 : i32 to vector<16xi32>
        %add3A_1216 = arith.addi %mul3A_5, %add3A_1215 : vector<16xi32>
        %gather3A_1217 = tpu.vector_load_idx %arg18[%add3A_1216] : memref<256xf32, #tpu.memory_space<vmem>>[vector<16xi32>], vector<16xf32>,
        %add3A_1218 = arith.addf %add3A_1213, %gather3A_1217 : vector<16xf32>
        %swap3A_1219 = arith.index_cast %scan3A_293 : i32 to index
        %swap3A_1220 = arith.constant 16 : index
        %swap3A_1221 = tpu.vector_load %arg17[%swap3A_1219, %swap3A_1220] {strides = array<i32>} : memref<32x32xf32, #tpu.memory_space<vmem>>, vector<16xf32>,
        tpu.vector_store %arg17[%swap3A_1219, %swap3A_1220], %add3A_1218 {strides = array<i32>} : memref<32x32xf32, #tpu.memory_space<vmem>>, vector<16xf32>,
      }
      %scan3A_208 = arith.constant 32 : i32
      "tpu.region"() ({
        %run_scoped3A = tpu.sem_alloc : memref<!tpu.dma_semaphore, #tpu.memory_space<semaphore_mem>>
        %dma_start3A_293 = arith.constant 0 : i32
        %dma_start3A_294 = tpu.memref_slice %arg7[%add3A_202, %dma_start3A_293] : memref<16384x32xf32, #tpu.memory_space<hbm>> -> memref<32x32xf32, #tpu.memory_space<hbm>>
        %dma_start3A_295 = arith.constant 0 : i32
        %dma_start3A_296 = tpu.memref_slice %arg7[%add3A_202, %dma_start3A_295] : memref<16384x32xf32, #tpu.memory_space<hbm>> -> memref<32x32xf32, #tpu.memory_space<hbm>>
        tpu.enqueue_dma source(%arg17 : memref<32x32xf32, #tpu.memory_space<vmem>>) target(%dma_start3A_296 : memref<32x32xf32, #tpu.memory_space<hbm>>) target_semaphore(%run_scoped3A : memref<!tpu.dma_semaphore, #tpu.memory_space<semaphore_mem>>)
        %dma_wait3A_297 = arith.constant 0 : i32
        %dma_wait3A_298 = tpu.memref_slice %arg7[%add3A_202, %dma_wait3A_297] : memref<16384x32xf32, #tpu.memory_space<hbm>> -> memref<32x32xf32, #tpu.memory_space<hbm>>
        %dma_wait3A_299 = arith.constant 0 : i32
        %dma_wait3A_300 = tpu.memref_slice %arg7[%add3A_202, %dma_wait3A_299] : memref<16384x32xf32, #tpu.memory_space<hbm>> -> memref<32x32xf32, #tpu.memory_space<hbm>>
        tpu.wait_dma2 semaphore(%run_scoped3A : memref<!tpu.dma_semaphore, #tpu.memory_space<semaphore_mem>>) src(%arg17 : memref<32x32xf32, #tpu.memory_space<vmem>>) dst(%dma_wait3A_300 : memref<32x32xf32, #tpu.memory_space<hbm>>)
        tpu.yield
      }) : () -> ()
      %add3A_209 = arith.constant 2 : i32
      %add3A_210 = arith.addi %mul3A_64, %add3A_209 : i32
      %lt3A = arith.constant 16 : i32
      %lt3A_211 = arith.cmpi slt, %add3A_210, %lt3A : i32
      %convert_element_type3A = arith.extui %lt3A_211 : i1 to i32
      %cond3A = arith.constant 0 : i32
      %cond3A_212 = arith.cmpi ne, %convert_element_type3A, %cond3A : i32
      scf.if %cond3A_212 {
        %add3A_293 = arith.constant 2 : i32
        %add3A_294 = arith.addi %mul3A_64, %add3A_293 : i32
        %mul3A_295 = arith.constant 32 : i32
        %mul3A_296 = arith.muli %add3A_294, %mul3A_295 : i32
        %mul3A_297 = arith.constant 32 : i32
        %mul3A_298 = arith.muli %add3A_294, %mul3A_297 : i32
        %mul3A_299 = arith.constant 640 : i32
        %mul3A_300 = arith.muli %add3A_294, %mul3A_299 : i32
        %add3A_301 = arith.constant 0 : i32
        %add3A_302 = arith.addi %mul3A_300, %add3A_301 : i32
        %mul3A_303 = arith.constant 640 : i32
        %mul3A_304 = arith.muli %add3A_294, %mul3A_303 : i32
        %add3A_305 = arith.constant 128 : i32
        %add3A_306 = arith.addi %mul3A_304, %add3A_305 : i32
        %mul3A_307 = arith.constant 640 : i32
        %mul3A_308 = arith.muli %add3A_294, %mul3A_307 : i32
        %add3A_309 = arith.constant 256 : i32
        %add3A_310 = arith.addi %mul3A_308, %add3A_309 : i32
        %mul3A_311 = arith.constant 640 : i32
        %mul3A_312 = arith.muli %add3A_294, %mul3A_311 : i32
        %add3A_313 = arith.constant 384 : i32
        %add3A_314 = arith.addi %mul3A_312, %add3A_313 : i32
        %mul3A_315 = arith.constant 640 : i32
        %mul3A_316 = arith.muli %add3A_294, %mul3A_315 : i32
        %add3A_317 = arith.constant 512 : i32
        %add3A_318 = arith.addi %mul3A_316, %add3A_317 : i32
        %dma_start3A_319 = tpu.memref_slice %arg8[%mul3A_296] : memref<512xi32, #tpu.memory_space<vmem>> -> memref<32xi32, #tpu.memory_space<vmem>>
        %dma_start3A_320 = arith.constant 0 : i32
        %dma_start3A_321 = arith.constant 0 : i32
        %dma_start3A_322 = tpu.memref_slice %arg5[%dma_start3A_320, %dma_start3A_321] : memref<1000001x64xf32, #tpu.memory_space<hbm>> -> memref<1000001x64xf32, #tpu.memory_space<hbm>>
        tpu.enqueue_indirect_dma source(%dma_start3A_322 : memref<1000001x64xf32, #tpu.memory_space<hbm>>) target(%arg11 : memref<32x64xf32, #tpu.memory_space<vmem>>) offsets(%dma_start3A_319 : memref<32xi32, #tpu.memory_space<vmem>>) semaphore(%arg19 : memref<!tpu.dma_semaphore, #tpu.memory_space<semaphore_mem>>)
        %dma_start3A_323 = tpu.memref_slice %arg9[%mul3A_298] : memref<512xi32, #tpu.memory_space<vmem>> -> memref<32xi32, #tpu.memory_space<vmem>>
        %dma_start3A_324 = arith.constant 0 : i32
        %dma_start3A_325 = arith.constant 0 : i32
        %dma_start3A_326 = tpu.memref_slice %arg6[%dma_start3A_324, %dma_start3A_325] : memref<1000001x64xf32, #tpu.memory_space<hbm>> -> memref<1000001x64xf32, #tpu.memory_space<hbm>>
        tpu.enqueue_indirect_dma source(%dma_start3A_326 : memref<1000001x64xf32, #tpu.memory_space<hbm>>) target(%arg13 : memref<32x64xf32, #tpu.memory_space<vmem>>) offsets(%dma_start3A_323 : memref<32xi32, #tpu.memory_space<vmem>>) semaphore(%arg19 : memref<!tpu.dma_semaphore, #tpu.memory_space<semaphore_mem>>)
        %dma_start3A_327 = arith.constant 0 : i32
        %dma_start3A_328 = arith.constant 0 : i32
        %dma_start3A_329 = tpu.memref_slice %arg15[%dma_start3A_327, %dma_start3A_328] : memref<640x64xf32, #tpu.memory_space<vmem>> -> memref<128x64xf32, #tpu.memory_space<vmem>>
        %dma_start3A_330 = tpu.memref_slice %arg10[%add3A_302] : memref<10240xi32, #tpu.memory_space<vmem>> -> memref<128xi32, #tpu.memory_space<vmem>>
        %dma_start3A_331 = arith.constant 0 : i32
        %dma_start3A_332 = arith.constant 0 : i32
        %dma_start3A_333 = tpu.memref_slice %arg6[%dma_start3A_331, %dma_start3A_332] : memref<1000001x64xf32, #tpu.memory_space<hbm>> -> memref<1000001x64xf32, #tpu.memory_space<hbm>>
        tpu.enqueue_indirect_dma source(%dma_start3A_333 : memref<1000001x64xf32, #tpu.memory_space<hbm>>) target(%dma_start3A_329 : memref<128x64xf32, #tpu.memory_space<vmem>>) offsets(%dma_start3A_330 : memref<128xi32, #tpu.memory_space<vmem>>) semaphore(%arg19 : memref<!tpu.dma_semaphore, #tpu.memory_space<semaphore_mem>>)
        %dma_start3A_334 = arith.constant 128 : i32
        %dma_start3A_335 = arith.constant 0 : i32
        %dma_start3A_336 = tpu.memref_slice %arg15[%dma_start3A_334, %dma_start3A_335] : memref<640x64xf32, #tpu.memory_space<vmem>> -> memref<128x64xf32, #tpu.memory_space<vmem>>
        %dma_start3A_337 = tpu.memref_slice %arg10[%add3A_306] : memref<10240xi32, #tpu.memory_space<vmem>> -> memref<128xi32, #tpu.memory_space<vmem>>
        %dma_start3A_338 = arith.constant 0 : i32
        %dma_start3A_339 = arith.constant 0 : i32
        %dma_start3A_340 = tpu.memref_slice %arg6[%dma_start3A_338, %dma_start3A_339] : memref<1000001x64xf32, #tpu.memory_space<hbm>> -> memref<1000001x64xf32, #tpu.memory_space<hbm>>
        tpu.enqueue_indirect_dma source(%dma_start3A_340 : memref<1000001x64xf32, #tpu.memory_space<hbm>>) target(%dma_start3A_336 : memref<128x64xf32, #tpu.memory_space<vmem>>) offsets(%dma_start3A_337 : memref<128xi32, #tpu.memory_space<vmem>>) semaphore(%arg19 : memref<!tpu.dma_semaphore, #tpu.memory_space<semaphore_mem>>)
        %dma_start3A_341 = arith.constant 256 : i32
        %dma_start3A_342 = arith.constant 0 : i32
        %dma_start3A_343 = tpu.memref_slice %arg15[%dma_start3A_341, %dma_start3A_342] : memref<640x64xf32, #tpu.memory_space<vmem>> -> memref<128x64xf32, #tpu.memory_space<vmem>>
        %dma_start3A_344 = tpu.memref_slice %arg10[%add3A_310] : memref<10240xi32, #tpu.memory_space<vmem>> -> memref<128xi32, #tpu.memory_space<vmem>>
        %dma_start3A_345 = arith.constant 0 : i32
        %dma_start3A_346 = arith.constant 0 : i32
        %dma_start3A_347 = tpu.memref_slice %arg6[%dma_start3A_345, %dma_start3A_346] : memref<1000001x64xf32, #tpu.memory_space<hbm>> -> memref<1000001x64xf32, #tpu.memory_space<hbm>>
        tpu.enqueue_indirect_dma source(%dma_start3A_347 : memref<1000001x64xf32, #tpu.memory_space<hbm>>) target(%dma_start3A_343 : memref<128x64xf32, #tpu.memory_space<vmem>>) offsets(%dma_start3A_344 : memref<128xi32, #tpu.memory_space<vmem>>) semaphore(%arg19 : memref<!tpu.dma_semaphore, #tpu.memory_space<semaphore_mem>>)
        %dma_start3A_348 = arith.constant 384 : i32
        %dma_start3A_349 = arith.constant 0 : i32
        %dma_start3A_350 = tpu.memref_slice %arg15[%dma_start3A_348, %dma_start3A_349] : memref<640x64xf32, #tpu.memory_space<vmem>> -> memref<128x64xf32, #tpu.memory_space<vmem>>
        %dma_start3A_351 = tpu.memref_slice %arg10[%add3A_314] : memref<10240xi32, #tpu.memory_space<vmem>> -> memref<128xi32, #tpu.memory_space<vmem>>
        %dma_start3A_352 = arith.constant 0 : i32
        %dma_start3A_353 = arith.constant 0 : i32
        %dma_start3A_354 = tpu.memref_slice %arg6[%dma_start3A_352, %dma_start3A_353] : memref<1000001x64xf32, #tpu.memory_space<hbm>> -> memref<1000001x64xf32, #tpu.memory_space<hbm>>
        tpu.enqueue_indirect_dma source(%dma_start3A_354 : memref<1000001x64xf32, #tpu.memory_space<hbm>>) target(%dma_start3A_350 : memref<128x64xf32, #tpu.memory_space<vmem>>) offsets(%dma_start3A_351 : memref<128xi32, #tpu.memory_space<vmem>>) semaphore(%arg19 : memref<!tpu.dma_semaphore, #tpu.memory_space<semaphore_mem>>)
        %dma_start3A_355 = arith.constant 512 : i32
        %dma_start3A_356 = arith.constant 0 : i32
        %dma_start3A_357 = tpu.memref_slice %arg15[%dma_start3A_355, %dma_start3A_356] : memref<640x64xf32, #tpu.memory_space<vmem>> -> memref<128x64xf32, #tpu.memory_space<vmem>>
        %dma_start3A_358 = tpu.memref_slice %arg10[%add3A_318] : memref<10240xi32, #tpu.memory_space<vmem>> -> memref<128xi32, #tpu.memory_space<vmem>>
        %dma_start3A_359 = arith.constant 0 : i32
        %dma_start3A_360 = arith.constant 0 : i32
        %dma_start3A_361 = tpu.memref_slice %arg6[%dma_start3A_359, %dma_start3A_360] : memref<1000001x64xf32, #tpu.memory_space<hbm>> -> memref<1000001x64xf32, #tpu.memory_space<hbm>>
        tpu.enqueue_indirect_dma source(%dma_start3A_361 : memref<1000001x64xf32, #tpu.memory_space<hbm>>) target(%dma_start3A_357 : memref<128x64xf32, #tpu.memory_space<vmem>>) offsets(%dma_start3A_358 : memref<128xi32, #tpu.memory_space<vmem>>) semaphore(%arg19 : memref<!tpu.dma_semaphore, #tpu.memory_space<semaphore_mem>>)
      } else {
      }
      %add3A_213 = arith.constant 1 : i32
      %add3A_214 = arith.addi %mul3A_64, %add3A_213 : i32
      %mul3A_215 = arith.constant 32 : i32
      %mul3A_216 = arith.muli %add3A_214, %mul3A_215 : i32
      %mul3A_217 = arith.constant 32 : i32
      %mul3A_218 = arith.muli %add3A_214, %mul3A_217 : i32
      %mul3A_219 = arith.constant 640 : i32
      %mul3A_220 = arith.muli %add3A_214, %mul3A_219 : i32
      %add3A_221 = arith.constant 0 : i32
      %add3A_222 = arith.addi %mul3A_220, %add3A_221 : i32
      %mul3A_223 = arith.constant 640 : i32
      %mul3A_224 = arith.muli %add3A_214, %mul3A_223 : i32
      %add3A_225 = arith.constant 128 : i32
      %add3A_226 = arith.addi %mul3A_224, %add3A_225 : i32
      %mul3A_227 = arith.constant 640 : i32
      %mul3A_228 = arith.muli %add3A_214, %mul3A_227 : i32
      %add3A_229 = arith.constant 256 : i32
      %add3A_230 = arith.addi %mul3A_228, %add3A_229 : i32
      %mul3A_231 = arith.constant 640 : i32
      %mul3A_232 = arith.muli %add3A_214, %mul3A_231 : i32
      %add3A_233 = arith.constant 384 : i32
      %add3A_234 = arith.addi %mul3A_232, %add3A_233 : i32
      %mul3A_235 = arith.constant 640 : i32
      %mul3A_236 = arith.muli %add3A_214, %mul3A_235 : i32
      %add3A_237 = arith.constant 512 : i32
      %add3A_238 = arith.addi %mul3A_236, %add3A_237 : i32
      %dma_wait3A_239 = tpu.memref_slice %arg8[%mul3A_216] : memref<512xi32, #tpu.memory_space<vmem>> -> memref<32xi32, #tpu.memory_space<vmem>>
      %dma_wait3A_240 = arith.constant 0 : i32
      %dma_wait3A_241 = arith.constant 0 : i32
      %dma_wait3A_242 = tpu.memref_slice %arg5[%dma_wait3A_240, %dma_wait3A_241] : memref<1000001x64xf32, #tpu.memory_space<hbm>> -> memref<1000001x64xf32, #tpu.memory_space<hbm>>
      tpu.wait_indirect_dma semaphore(%arg20 : memref<!tpu.dma_semaphore, #tpu.memory_space<semaphore_mem>>) src(%dma_wait3A_242 : memref<1000001x64xf32, #tpu.memory_space<hbm>>) dst(%arg12 : memref<32x64xf32, #tpu.memory_space<vmem>>)
      %dma_wait3A_243 = tpu.memref_slice %arg9[%mul3A_218] : memref<512xi32, #tpu.memory_space<vmem>> -> memref<32xi32, #tpu.memory_space<vmem>>
      %dma_wait3A_244 = arith.constant 0 : i32
      %dma_wait3A_245 = arith.constant 0 : i32
      %dma_wait3A_246 = tpu.memref_slice %arg6[%dma_wait3A_244, %dma_wait3A_245] : memref<1000001x64xf32, #tpu.memory_space<hbm>> -> memref<1000001x64xf32, #tpu.memory_space<hbm>>
      tpu.wait_indirect_dma semaphore(%arg20 : memref<!tpu.dma_semaphore, #tpu.memory_space<semaphore_mem>>) src(%dma_wait3A_246 : memref<1000001x64xf32, #tpu.memory_space<hbm>>) dst(%arg14 : memref<32x64xf32, #tpu.memory_space<vmem>>)
      %dma_wait3A_247 = arith.constant 0 : i32
      %dma_wait3A_248 = arith.constant 0 : i32
      %dma_wait3A_249 = tpu.memref_slice %arg16[%dma_wait3A_247, %dma_wait3A_248] : memref<640x64xf32, #tpu.memory_space<vmem>> -> memref<128x64xf32, #tpu.memory_space<vmem>>
      %dma_wait3A_250 = tpu.memref_slice %arg10[%add3A_222] : memref<10240xi32, #tpu.memory_space<vmem>> -> memref<128xi32, #tpu.memory_space<vmem>>
      %dma_wait3A_251 = arith.constant 0 : i32
      %dma_wait3A_252 = arith.constant 0 : i32
      %dma_wait3A_253 = tpu.memref_slice %arg6[%dma_wait3A_251, %dma_wait3A_252] : memref<1000001x64xf32, #tpu.memory_space<hbm>> -> memref<1000001x64xf32, #tpu.memory_space<hbm>>
      tpu.wait_indirect_dma semaphore(%arg20 : memref<!tpu.dma_semaphore, #tpu.memory_space<semaphore_mem>>) src(%dma_wait3A_253 : memref<1000001x64xf32, #tpu.memory_space<hbm>>) dst(%dma_wait3A_249 : memref<128x64xf32, #tpu.memory_space<vmem>>)
      %dma_wait3A_254 = arith.constant 128 : i32
      %dma_wait3A_255 = arith.constant 0 : i32
      %dma_wait3A_256 = tpu.memref_slice %arg16[%dma_wait3A_254, %dma_wait3A_255] : memref<640x64xf32, #tpu.memory_space<vmem>> -> memref<128x64xf32, #tpu.memory_space<vmem>>
      %dma_wait3A_257 = tpu.memref_slice %arg10[%add3A_226] : memref<10240xi32, #tpu.memory_space<vmem>> -> memref<128xi32, #tpu.memory_space<vmem>>
      %dma_wait3A_258 = arith.constant 0 : i32
      %dma_wait3A_259 = arith.constant 0 : i32
      %dma_wait3A_260 = tpu.memref_slice %arg6[%dma_wait3A_258, %dma_wait3A_259] : memref<1000001x64xf32, #tpu.memory_space<hbm>> -> memref<1000001x64xf32, #tpu.memory_space<hbm>>
      tpu.wait_indirect_dma semaphore(%arg20 : memref<!tpu.dma_semaphore, #tpu.memory_space<semaphore_mem>>) src(%dma_wait3A_260 : memref<1000001x64xf32, #tpu.memory_space<hbm>>) dst(%dma_wait3A_256 : memref<128x64xf32, #tpu.memory_space<vmem>>)
      %dma_wait3A_261 = arith.constant 256 : i32
      %dma_wait3A_262 = arith.constant 0 : i32
      %dma_wait3A_263 = tpu.memref_slice %arg16[%dma_wait3A_261, %dma_wait3A_262] : memref<640x64xf32, #tpu.memory_space<vmem>> -> memref<128x64xf32, #tpu.memory_space<vmem>>
      %dma_wait3A_264 = tpu.memref_slice %arg10[%add3A_230] : memref<10240xi32, #tpu.memory_space<vmem>> -> memref<128xi32, #tpu.memory_space<vmem>>
      %dma_wait3A_265 = arith.constant 0 : i32
      %dma_wait3A_266 = arith.constant 0 : i32
      %dma_wait3A_267 = tpu.memref_slice %arg6[%dma_wait3A_265, %dma_wait3A_266] : memref<1000001x64xf32, #tpu.memory_space<hbm>> -> memref<1000001x64xf32, #tpu.memory_space<hbm>>
      tpu.wait_indirect_dma semaphore(%arg20 : memref<!tpu.dma_semaphore, #tpu.memory_space<semaphore_mem>>) src(%dma_wait3A_267 : memref<1000001x64xf32, #tpu.memory_space<hbm>>) dst(%dma_wait3A_263 : memref<128x64xf32, #tpu.memory_space<vmem>>)
      %dma_wait3A_268 = arith.constant 384 : i32
      %dma_wait3A_269 = arith.constant 0 : i32
      %dma_wait3A_270 = tpu.memref_slice %arg16[%dma_wait3A_268, %dma_wait3A_269] : memref<640x64xf32, #tpu.memory_space<vmem>> -> memref<128x64xf32, #tpu.memory_space<vmem>>
      %dma_wait3A_271 = tpu.memref_slice %arg10[%add3A_234] : memref<10240xi32, #tpu.memory_space<vmem>> -> memref<128xi32, #tpu.memory_space<vmem>>
      %dma_wait3A_272 = arith.constant 0 : i32
      %dma_wait3A_273 = arith.constant 0 : i32
      %dma_wait3A_274 = tpu.memref_slice %arg6[%dma_wait3A_272, %dma_wait3A_273] : memref<1000001x64xf32, #tpu.memory_space<hbm>> -> memref<1000001x64xf32, #tpu.memory_space<hbm>>
      tpu.wait_indirect_dma semaphore(%arg20 : memref<!tpu.dma_semaphore, #tpu.memory_space<semaphore_mem>>) src(%dma_wait3A_274 : memref<1000001x64xf32, #tpu.memory_space<hbm>>) dst(%dma_wait3A_270 : memref<128x64xf32, #tpu.memory_space<vmem>>)
      %dma_wait3A_275 = arith.constant 512 : i32
      %dma_wait3A_276 = arith.constant 0 : i32
      %dma_wait3A_277 = tpu.memref_slice %arg16[%dma_wait3A_275, %dma_wait3A_276] : memref<640x64xf32, #tpu.memory_space<vmem>> -> memref<128x64xf32, #tpu.memory_space<vmem>>
      %dma_wait3A_278 = tpu.memref_slice %arg10[%add3A_238] : memref<10240xi32, #tpu.memory_space<vmem>> -> memref<128xi32, #tpu.memory_space<vmem>>
      %dma_wait3A_279 = arith.constant 0 : i32
      %dma_wait3A_280 = arith.constant 0 : i32
      %dma_wait3A_281 = tpu.memref_slice %arg6[%dma_wait3A_279, %dma_wait3A_280] : memref<1000001x64xf32, #tpu.memory_space<hbm>> -> memref<1000001x64xf32, #tpu.memory_space<hbm>>
      tpu.wait_indirect_dma semaphore(%arg20 : memref<!tpu.dma_semaphore, #tpu.memory_space<semaphore_mem>>) src(%dma_wait3A_281 : memref<1000001x64xf32, #tpu.memory_space<hbm>>) dst(%dma_wait3A_277 : memref<128x64xf32, #tpu.memory_space<vmem>>)
      %add3A_282 = arith.constant 1 : i32
      %add3A_283 = arith.addi %mul3A_64, %add3A_282 : i32
      %mul3A_284 = arith.constant 32 : i32
      %mul3A_285 = arith.muli %add3A_283, %mul3A_284 : i32
      %add3A_286 = arith.addi %mul3A_2, %mul3A_285 : i32
      %scan3A_287 = arith.constant 0 : i32
      %scan3A_288 = arith.constant 0 : i32
      %scan3A_289 = arith.constant 32 : i32
      %scan3A_290 = arith.addi %scan3A_288, %scan3A_289 : i32
      %scan3A_291 = arith.constant 1 : i32
      scf.for %scan3A_293 = %scan3A_288 to %scan3A_290 step %scan3A_291  : i32 {
        %get3A = arith.index_cast %scan3A_293 : i32 to index
        %get3A_294 = arith.constant 0 : index
        %get3A_295 = tpu.vector_load %arg12[%get3A, %get3A_294] {strides = array<i32>} : memref<32x64xf32, #tpu.memory_space<vmem>>, vector<16xf32>,
        %get3A_296 = arith.index_cast %scan3A_293 : i32 to index
        %get3A_297 = arith.constant 16 : index
        %get3A_298 = tpu.vector_load %arg12[%get3A_296, %get3A_297] {strides = array<i32>} : memref<32x64xf32, #tpu.memory_space<vmem>>, vector<16xf32>,
        %get3A_299 = arith.index_cast %scan3A_293 : i32 to index
        %get3A_300 = arith.constant 32 : index
        %get3A_301 = tpu.vector_load %arg12[%get3A_299, %get3A_300] {strides = array<i32>} : memref<32x64xf32, #tpu.memory_space<vmem>>, vector<16xf32>,
        %get3A_302 = arith.index_cast %scan3A_293 : i32 to index
        %get3A_303 = arith.constant 48 : index
        %get3A_304 = tpu.vector_load %arg12[%get3A_302, %get3A_303] {strides = array<i32>} : memref<32x64xf32, #tpu.memory_space<vmem>>, vector<16xf32>,
        %get3A_305 = arith.index_cast %scan3A_293 : i32 to index
        %get3A_306 = arith.constant 0 : index
        %get3A_307 = tpu.vector_load %arg14[%get3A_305, %get3A_306] {strides = array<i32>} : memref<32x64xf32, #tpu.memory_space<vmem>>, vector<16xf32>,
        %mul3A_308 = arith.mulf %get3A_295, %get3A_307 : vector<16xf32>
        %get3A_309 = arith.index_cast %scan3A_293 : i32 to index
        %get3A_310 = arith.constant 16 : index
        %get3A_311 = tpu.vector_load %arg14[%get3A_309, %get3A_310] {strides = array<i32>} : memref<32x64xf32, #tpu.memory_space<vmem>>, vector<16xf32>,
        %mul3A_312 = arith.mulf %get3A_298, %get3A_311 : vector<16xf32>
        %add3A_313 = arith.addf %mul3A_308, %mul3A_312 : vector<16xf32>
        %get3A_314 = arith.index_cast %scan3A_293 : i32 to index
        %get3A_315 = arith.constant 32 : index
        %get3A_316 = tpu.vector_load %arg14[%get3A_314, %get3A_315] {strides = array<i32>} : memref<32x64xf32, #tpu.memory_space<vmem>>, vector<16xf32>,
        %mul3A_317 = arith.mulf %get3A_301, %get3A_316 : vector<16xf32>
        %get3A_318 = arith.index_cast %scan3A_293 : i32 to index
        %get3A_319 = arith.constant 48 : index
        %get3A_320 = tpu.vector_load %arg14[%get3A_318, %get3A_319] {strides = array<i32>} : memref<32x64xf32, #tpu.memory_space<vmem>>, vector<16xf32>,
        %mul3A_321 = arith.mulf %get3A_304, %get3A_320 : vector<16xf32>
        %add3A_322 = arith.addf %mul3A_317, %mul3A_321 : vector<16xf32>
        %add3A_323 = arith.addf %add3A_313, %add3A_322 : vector<16xf32>
        %swap3A = arith.constant 0 : index
        %swap3A_324 = tpu.vector_load %arg18[%swap3A] {strides = array<i32>} : memref<256xf32, #tpu.memory_space<vmem>>, vector<16xf32>,
        tpu.vector_store %arg18[%swap3A], %add3A_323 {strides = array<i32>} : memref<256xf32, #tpu.memory_space<vmem>>, vector<16xf32>,
        %mul3A_325 = arith.constant 20 : i32
        %mul3A_326 = arith.muli %scan3A_293, %mul3A_325 : i32
        %add3A_327 = arith.constant 0 : i32
        %add3A_328 = arith.addi %mul3A_326, %add3A_327 : i32
        %get3A_329 = arith.index_cast %add3A_328 : i32 to index
        %get3A_330 = arith.constant 0 : index
        %get3A_331 = tpu.vector_load %arg16[%get3A_329, %get3A_330] {strides = array<i32>} : memref<640x64xf32, #tpu.memory_space<vmem>>, vector<16xf32>,
        %mul3A_332 = arith.mulf %get3A_295, %get3A_331 : vector<16xf32>
        %mul3A_333 = arith.constant 20 : i32
        %mul3A_334 = arith.muli %scan3A_293, %mul3A_333 : i32
        %add3A_335 = arith.constant 0 : i32
        %add3A_336 = arith.addi %mul3A_334, %add3A_335 : i32
        %get3A_337 = arith.index_cast %add3A_336 : i32 to index
        %get3A_338 = arith.constant 16 : index
        %get3A_339 = tpu.vector_load %arg16[%get3A_337, %get3A_338] {strides = array<i32>} : memref<640x64xf32, #tpu.memory_space<vmem>>, vector<16xf32>,
        %mul3A_340 = arith.mulf %get3A_298, %get3A_339 : vector<16xf32>
        %add3A_341 = arith.addf %mul3A_332, %mul3A_340 : vector<16xf32>
        %mul3A_342 = arith.constant 20 : i32
        %mul3A_343 = arith.muli %scan3A_293, %mul3A_342 : i32
        %add3A_344 = arith.constant 0 : i32
        %add3A_345 = arith.addi %mul3A_343, %add3A_344 : i32
        %get3A_346 = arith.index_cast %add3A_345 : i32 to index
        %get3A_347 = arith.constant 32 : index
        %get3A_348 = tpu.vector_load %arg16[%get3A_346, %get3A_347] {strides = array<i32>} : memref<640x64xf32, #tpu.memory_space<vmem>>, vector<16xf32>,
        %mul3A_349 = arith.mulf %get3A_301, %get3A_348 : vector<16xf32>
        %mul3A_350 = arith.constant 20 : i32
        %mul3A_351 = arith.muli %scan3A_293, %mul3A_350 : i32
        %add3A_352 = arith.constant 0 : i32
        %add3A_353 = arith.addi %mul3A_351, %add3A_352 : i32
        %get3A_354 = arith.index_cast %add3A_353 : i32 to index
        %get3A_355 = arith.constant 48 : index
        %get3A_356 = tpu.vector_load %arg16[%get3A_354, %get3A_355] {strides = array<i32>} : memref<640x64xf32, #tpu.memory_space<vmem>>, vector<16xf32>,
        %mul3A_357 = arith.mulf %get3A_304, %get3A_356 : vector<16xf32>
        %add3A_358 = arith.addf %mul3A_349, %mul3A_357 : vector<16xf32>
        %add3A_359 = arith.addf %add3A_341, %add3A_358 : vector<16xf32>
        %swap3A_360 = arith.constant 16 : index
        %swap3A_361 = tpu.vector_load %arg18[%swap3A_360] {strides = array<i32>} : memref<256xf32, #tpu.memory_space<vmem>>, vector<16xf32>,
        tpu.vector_store %arg18[%swap3A_360], %add3A_359 {strides = array<i32>} : memref<256xf32, #tpu.memory_space<vmem>>, vector<16xf32>,
        %mul3A_362 = arith.constant 20 : i32
        %mul3A_363 = arith.muli %scan3A_293, %mul3A_362 : i32
        %add3A_364 = arith.constant 1 : i32
        %add3A_365 = arith.addi %mul3A_363, %add3A_364 : i32
        %get3A_366 = arith.index_cast %add3A_365 : i32 to index
        %get3A_367 = arith.constant 0 : index
        %get3A_368 = tpu.vector_load %arg16[%get3A_366, %get3A_367] {strides = array<i32>} : memref<640x64xf32, #tpu.memory_space<vmem>>, vector<16xf32>,
        %mul3A_369 = arith.mulf %get3A_295, %get3A_368 : vector<16xf32>
        %mul3A_370 = arith.constant 20 : i32
        %mul3A_371 = arith.muli %scan3A_293, %mul3A_370 : i32
        %add3A_372 = arith.constant 1 : i32
        %add3A_373 = arith.addi %mul3A_371, %add3A_372 : i32
        %get3A_374 = arith.index_cast %add3A_373 : i32 to index
        %get3A_375 = arith.constant 16 : index
        %get3A_376 = tpu.vector_load %arg16[%get3A_374, %get3A_375] {strides = array<i32>} : memref<640x64xf32, #tpu.memory_space<vmem>>, vector<16xf32>,
        %mul3A_377 = arith.mulf %get3A_298, %get3A_376 : vector<16xf32>
        %add3A_378 = arith.addf %mul3A_369, %mul3A_377 : vector<16xf32>
        %mul3A_379 = arith.constant 20 : i32
        %mul3A_380 = arith.muli %scan3A_293, %mul3A_379 : i32
        %add3A_381 = arith.constant 1 : i32
        %add3A_382 = arith.addi %mul3A_380, %add3A_381 : i32
        %get3A_383 = arith.index_cast %add3A_382 : i32 to index
        %get3A_384 = arith.constant 32 : index
        %get3A_385 = tpu.vector_load %arg16[%get3A_383, %get3A_384] {strides = array<i32>} : memref<640x64xf32, #tpu.memory_space<vmem>>, vector<16xf32>,
        %mul3A_386 = arith.mulf %get3A_301, %get3A_385 : vector<16xf32>
        %mul3A_387 = arith.constant 20 : i32
        %mul3A_388 = arith.muli %scan3A_293, %mul3A_387 : i32
        %add3A_389 = arith.constant 1 : i32
        %add3A_390 = arith.addi %mul3A_388, %add3A_389 : i32
        %get3A_391 = arith.index_cast %add3A_390 : i32 to index
        %get3A_392 = arith.constant 48 : index
        %get3A_393 = tpu.vector_load %arg16[%get3A_391, %get3A_392] {strides = array<i32>} : memref<640x64xf32, #tpu.memory_space<vmem>>, vector<16xf32>,
        %mul3A_394 = arith.mulf %get3A_304, %get3A_393 : vector<16xf32>
        %add3A_395 = arith.addf %mul3A_386, %mul3A_394 : vector<16xf32>
        %add3A_396 = arith.addf %add3A_378, %add3A_395 : vector<16xf32>
        %swap3A_397 = arith.constant 32 : index
        %swap3A_398 = tpu.vector_load %arg18[%swap3A_397] {strides = array<i32>} : memref<256xf32, #tpu.memory_space<vmem>>, vector<16xf32>,
        tpu.vector_store %arg18[%swap3A_397], %add3A_396 {strides = array<i32>} : memref<256xf32, #tpu.memory_space<vmem>>, vector<16xf32>,
        %mul3A_399 = arith.constant 20 : i32
        %mul3A_400 = arith.muli %scan3A_293, %mul3A_399 : i32
        %add3A_401 = arith.constant 2 : i32
        %add3A_402 = arith.addi %mul3A_400, %add3A_401 : i32
        %get3A_403 = arith.index_cast %add3A_402 : i32 to index
        %get3A_404 = arith.constant 0 : index
        %get3A_405 = tpu.vector_load %arg16[%get3A_403, %get3A_404] {strides = array<i32>} : memref<640x64xf32, #tpu.memory_space<vmem>>, vector<16xf32>,
        %mul3A_406 = arith.mulf %get3A_295, %get3A_405 : vector<16xf32>
        %mul3A_407 = arith.constant 20 : i32
        %mul3A_408 = arith.muli %scan3A_293, %mul3A_407 : i32
        %add3A_409 = arith.constant 2 : i32
        %add3A_410 = arith.addi %mul3A_408, %add3A_409 : i32
        %get3A_411 = arith.index_cast %add3A_410 : i32 to index
        %get3A_412 = arith.constant 16 : index
        %get3A_413 = tpu.vector_load %arg16[%get3A_411, %get3A_412] {strides = array<i32>} : memref<640x64xf32, #tpu.memory_space<vmem>>, vector<16xf32>,
        %mul3A_414 = arith.mulf %get3A_298, %get3A_413 : vector<16xf32>
        %add3A_415 = arith.addf %mul3A_406, %mul3A_414 : vector<16xf32>
        %mul3A_416 = arith.constant 20 : i32
        %mul3A_417 = arith.muli %scan3A_293, %mul3A_416 : i32
        %add3A_418 = arith.constant 2 : i32
        %add3A_419 = arith.addi %mul3A_417, %add3A_418 : i32
        %get3A_420 = arith.index_cast %add3A_419 : i32 to index
        %get3A_421 = arith.constant 32 : index
        %get3A_422 = tpu.vector_load %arg16[%get3A_420, %get3A_421] {strides = array<i32>} : memref<640x64xf32, #tpu.memory_space<vmem>>, vector<16xf32>,
        %mul3A_423 = arith.mulf %get3A_301, %get3A_422 : vector<16xf32>
        %mul3A_424 = arith.constant 20 : i32
        %mul3A_425 = arith.muli %scan3A_293, %mul3A_424 : i32
        %add3A_426 = arith.constant 2 : i32
        %add3A_427 = arith.addi %mul3A_425, %add3A_426 : i32
        %get3A_428 = arith.index_cast %add3A_427 : i32 to index
        %get3A_429 = arith.constant 48 : index
        %get3A_430 = tpu.vector_load %arg16[%get3A_428, %get3A_429] {strides = array<i32>} : memref<640x64xf32, #tpu.memory_space<vmem>>, vector<16xf32>,
        %mul3A_431 = arith.mulf %get3A_304, %get3A_430 : vector<16xf32>
        %add3A_432 = arith.addf %mul3A_423, %mul3A_431 : vector<16xf32>
        %add3A_433 = arith.addf %add3A_415, %add3A_432 : vector<16xf32>
        %swap3A_434 = arith.constant 48 : index
        %swap3A_435 = tpu.vector_load %arg18[%swap3A_434] {strides = array<i32>} : memref<256xf32, #tpu.memory_space<vmem>>, vector<16xf32>,
        tpu.vector_store %arg18[%swap3A_434], %add3A_433 {strides = array<i32>} : memref<256xf32, #tpu.memory_space<vmem>>, vector<16xf32>,
        %mul3A_436 = arith.constant 20 : i32
        %mul3A_437 = arith.muli %scan3A_293, %mul3A_436 : i32
        %add3A_438 = arith.constant 3 : i32
        %add3A_439 = arith.addi %mul3A_437, %add3A_438 : i32
        %get3A_440 = arith.index_cast %add3A_439 : i32 to index
        %get3A_441 = arith.constant 0 : index
        %get3A_442 = tpu.vector_load %arg16[%get3A_440, %get3A_441] {strides = array<i32>} : memref<640x64xf32, #tpu.memory_space<vmem>>, vector<16xf32>,
        %mul3A_443 = arith.mulf %get3A_295, %get3A_442 : vector<16xf32>
        %mul3A_444 = arith.constant 20 : i32
        %mul3A_445 = arith.muli %scan3A_293, %mul3A_444 : i32
        %add3A_446 = arith.constant 3 : i32
        %add3A_447 = arith.addi %mul3A_445, %add3A_446 : i32
        %get3A_448 = arith.index_cast %add3A_447 : i32 to index
        %get3A_449 = arith.constant 16 : index
        %get3A_450 = tpu.vector_load %arg16[%get3A_448, %get3A_449] {strides = array<i32>} : memref<640x64xf32, #tpu.memory_space<vmem>>, vector<16xf32>,
        %mul3A_451 = arith.mulf %get3A_298, %get3A_450 : vector<16xf32>
        %add3A_452 = arith.addf %mul3A_443, %mul3A_451 : vector<16xf32>
        %mul3A_453 = arith.constant 20 : i32
        %mul3A_454 = arith.muli %scan3A_293, %mul3A_453 : i32
        %add3A_455 = arith.constant 3 : i32
        %add3A_456 = arith.addi %mul3A_454, %add3A_455 : i32
        %get3A_457 = arith.index_cast %add3A_456 : i32 to index
        %get3A_458 = arith.constant 32 : index
        %get3A_459 = tpu.vector_load %arg16[%get3A_457, %get3A_458] {strides = array<i32>} : memref<640x64xf32, #tpu.memory_space<vmem>>, vector<16xf32>,
        %mul3A_460 = arith.mulf %get3A_301, %get3A_459 : vector<16xf32>
        %mul3A_461 = arith.constant 20 : i32
        %mul3A_462 = arith.muli %scan3A_293, %mul3A_461 : i32
        %add3A_463 = arith.constant 3 : i32
        %add3A_464 = arith.addi %mul3A_462, %add3A_463 : i32
        %get3A_465 = arith.index_cast %add3A_464 : i32 to index
        %get3A_466 = arith.constant 48 : index
        %get3A_467 = tpu.vector_load %arg16[%get3A_465, %get3A_466] {strides = array<i32>} : memref<640x64xf32, #tpu.memory_space<vmem>>, vector<16xf32>,
        %mul3A_468 = arith.mulf %get3A_304, %get3A_467 : vector<16xf32>
        %add3A_469 = arith.addf %mul3A_460, %mul3A_468 : vector<16xf32>
        %add3A_470 = arith.addf %add3A_452, %add3A_469 : vector<16xf32>
        %swap3A_471 = arith.constant 64 : index
        %swap3A_472 = tpu.vector_load %arg18[%swap3A_471] {strides = array<i32>} : memref<256xf32, #tpu.memory_space<vmem>>, vector<16xf32>,
        tpu.vector_store %arg18[%swap3A_471], %add3A_470 {strides = array<i32>} : memref<256xf32, #tpu.memory_space<vmem>>, vector<16xf32>,
        %mul3A_473 = arith.constant 20 : i32
        %mul3A_474 = arith.muli %scan3A_293, %mul3A_473 : i32
        %add3A_475 = arith.constant 4 : i32
        %add3A_476 = arith.addi %mul3A_474, %add3A_475 : i32
        %get3A_477 = arith.index_cast %add3A_476 : i32 to index
        %get3A_478 = arith.constant 0 : index
        %get3A_479 = tpu.vector_load %arg16[%get3A_477, %get3A_478] {strides = array<i32>} : memref<640x64xf32, #tpu.memory_space<vmem>>, vector<16xf32>,
        %mul3A_480 = arith.mulf %get3A_295, %get3A_479 : vector<16xf32>
        %mul3A_481 = arith.constant 20 : i32
        %mul3A_482 = arith.muli %scan3A_293, %mul3A_481 : i32
        %add3A_483 = arith.constant 4 : i32
        %add3A_484 = arith.addi %mul3A_482, %add3A_483 : i32
        %get3A_485 = arith.index_cast %add3A_484 : i32 to index
        %get3A_486 = arith.constant 16 : index
        %get3A_487 = tpu.vector_load %arg16[%get3A_485, %get3A_486] {strides = array<i32>} : memref<640x64xf32, #tpu.memory_space<vmem>>, vector<16xf32>,
        %mul3A_488 = arith.mulf %get3A_298, %get3A_487 : vector<16xf32>
        %add3A_489 = arith.addf %mul3A_480, %mul3A_488 : vector<16xf32>
        %mul3A_490 = arith.constant 20 : i32
        %mul3A_491 = arith.muli %scan3A_293, %mul3A_490 : i32
        %add3A_492 = arith.constant 4 : i32
        %add3A_493 = arith.addi %mul3A_491, %add3A_492 : i32
        %get3A_494 = arith.index_cast %add3A_493 : i32 to index
        %get3A_495 = arith.constant 32 : index
        %get3A_496 = tpu.vector_load %arg16[%get3A_494, %get3A_495] {strides = array<i32>} : memref<640x64xf32, #tpu.memory_space<vmem>>, vector<16xf32>,
        %mul3A_497 = arith.mulf %get3A_301, %get3A_496 : vector<16xf32>
        %mul3A_498 = arith.constant 20 : i32
        %mul3A_499 = arith.muli %scan3A_293, %mul3A_498 : i32
        %add3A_500 = arith.constant 4 : i32
        %add3A_501 = arith.addi %mul3A_499, %add3A_500 : i32
        %get3A_502 = arith.index_cast %add3A_501 : i32 to index
        %get3A_503 = arith.constant 48 : index
        %get3A_504 = tpu.vector_load %arg16[%get3A_502, %get3A_503] {strides = array<i32>} : memref<640x64xf32, #tpu.memory_space<vmem>>, vector<16xf32>,
        %mul3A_505 = arith.mulf %get3A_304, %get3A_504 : vector<16xf32>
        %add3A_506 = arith.addf %mul3A_497, %mul3A_505 : vector<16xf32>
        %add3A_507 = arith.addf %add3A_489, %add3A_506 : vector<16xf32>
        %swap3A_508 = arith.constant 80 : index
        %swap3A_509 = tpu.vector_load %arg18[%swap3A_508] {strides = array<i32>} : memref<256xf32, #tpu.memory_space<vmem>>, vector<16xf32>,
        tpu.vector_store %arg18[%swap3A_508], %add3A_507 {strides = array<i32>} : memref<256xf32, #tpu.memory_space<vmem>>, vector<16xf32>,
        %mul3A_510 = arith.constant 20 : i32
        %mul3A_511 = arith.muli %scan3A_293, %mul3A_510 : i32
        %add3A_512 = arith.constant 5 : i32
        %add3A_513 = arith.addi %mul3A_511, %add3A_512 : i32
        %get3A_514 = arith.index_cast %add3A_513 : i32 to index
        %get3A_515 = arith.constant 0 : index
        %get3A_516 = tpu.vector_load %arg16[%get3A_514, %get3A_515] {strides = array<i32>} : memref<640x64xf32, #tpu.memory_space<vmem>>, vector<16xf32>,
        %mul3A_517 = arith.mulf %get3A_295, %get3A_516 : vector<16xf32>
        %mul3A_518 = arith.constant 20 : i32
        %mul3A_519 = arith.muli %scan3A_293, %mul3A_518 : i32
        %add3A_520 = arith.constant 5 : i32
        %add3A_521 = arith.addi %mul3A_519, %add3A_520 : i32
        %get3A_522 = arith.index_cast %add3A_521 : i32 to index
        %get3A_523 = arith.constant 16 : index
        %get3A_524 = tpu.vector_load %arg16[%get3A_522, %get3A_523] {strides = array<i32>} : memref<640x64xf32, #tpu.memory_space<vmem>>, vector<16xf32>,
        %mul3A_525 = arith.mulf %get3A_298, %get3A_524 : vector<16xf32>
        %add3A_526 = arith.addf %mul3A_517, %mul3A_525 : vector<16xf32>
        %mul3A_527 = arith.constant 20 : i32
        %mul3A_528 = arith.muli %scan3A_293, %mul3A_527 : i32
        %add3A_529 = arith.constant 5 : i32
        %add3A_530 = arith.addi %mul3A_528, %add3A_529 : i32
        %get3A_531 = arith.index_cast %add3A_530 : i32 to index
        %get3A_532 = arith.constant 32 : index
        %get3A_533 = tpu.vector_load %arg16[%get3A_531, %get3A_532] {strides = array<i32>} : memref<640x64xf32, #tpu.memory_space<vmem>>, vector<16xf32>,
        %mul3A_534 = arith.mulf %get3A_301, %get3A_533 : vector<16xf32>
        %mul3A_535 = arith.constant 20 : i32
        %mul3A_536 = arith.muli %scan3A_293, %mul3A_535 : i32
        %add3A_537 = arith.constant 5 : i32
        %add3A_538 = arith.addi %mul3A_536, %add3A_537 : i32
        %get3A_539 = arith.index_cast %add3A_538 : i32 to index
        %get3A_540 = arith.constant 48 : index
        %get3A_541 = tpu.vector_load %arg16[%get3A_539, %get3A_540] {strides = array<i32>} : memref<640x64xf32, #tpu.memory_space<vmem>>, vector<16xf32>,
        %mul3A_542 = arith.mulf %get3A_304, %get3A_541 : vector<16xf32>
        %add3A_543 = arith.addf %mul3A_534, %mul3A_542 : vector<16xf32>
        %add3A_544 = arith.addf %add3A_526, %add3A_543 : vector<16xf32>
        %swap3A_545 = arith.constant 96 : index
        %swap3A_546 = tpu.vector_load %arg18[%swap3A_545] {strides = array<i32>} : memref<256xf32, #tpu.memory_space<vmem>>, vector<16xf32>,
        tpu.vector_store %arg18[%swap3A_545], %add3A_544 {strides = array<i32>} : memref<256xf32, #tpu.memory_space<vmem>>, vector<16xf32>,
        %mul3A_547 = arith.constant 20 : i32
        %mul3A_548 = arith.muli %scan3A_293, %mul3A_547 : i32
        %add3A_549 = arith.constant 6 : i32
        %add3A_550 = arith.addi %mul3A_548, %add3A_549 : i32
        %get3A_551 = arith.index_cast %add3A_550 : i32 to index
        %get3A_552 = arith.constant 0 : index
        %get3A_553 = tpu.vector_load %arg16[%get3A_551, %get3A_552] {strides = array<i32>} : memref<640x64xf32, #tpu.memory_space<vmem>>, vector<16xf32>,
        %mul3A_554 = arith.mulf %get3A_295, %get3A_553 : vector<16xf32>
        %mul3A_555 = arith.constant 20 : i32
        %mul3A_556 = arith.muli %scan3A_293, %mul3A_555 : i32
        %add3A_557 = arith.constant 6 : i32
        %add3A_558 = arith.addi %mul3A_556, %add3A_557 : i32
        %get3A_559 = arith.index_cast %add3A_558 : i32 to index
        %get3A_560 = arith.constant 16 : index
        %get3A_561 = tpu.vector_load %arg16[%get3A_559, %get3A_560] {strides = array<i32>} : memref<640x64xf32, #tpu.memory_space<vmem>>, vector<16xf32>,
        %mul3A_562 = arith.mulf %get3A_298, %get3A_561 : vector<16xf32>
        %add3A_563 = arith.addf %mul3A_554, %mul3A_562 : vector<16xf32>
        %mul3A_564 = arith.constant 20 : i32
        %mul3A_565 = arith.muli %scan3A_293, %mul3A_564 : i32
        %add3A_566 = arith.constant 6 : i32
        %add3A_567 = arith.addi %mul3A_565, %add3A_566 : i32
        %get3A_568 = arith.index_cast %add3A_567 : i32 to index
        %get3A_569 = arith.constant 32 : index
        %get3A_570 = tpu.vector_load %arg16[%get3A_568, %get3A_569] {strides = array<i32>} : memref<640x64xf32, #tpu.memory_space<vmem>>, vector<16xf32>,
        %mul3A_571 = arith.mulf %get3A_301, %get3A_570 : vector<16xf32>
        %mul3A_572 = arith.constant 20 : i32
        %mul3A_573 = arith.muli %scan3A_293, %mul3A_572 : i32
        %add3A_574 = arith.constant 6 : i32
        %add3A_575 = arith.addi %mul3A_573, %add3A_574 : i32
        %get3A_576 = arith.index_cast %add3A_575 : i32 to index
        %get3A_577 = arith.constant 48 : index
        %get3A_578 = tpu.vector_load %arg16[%get3A_576, %get3A_577] {strides = array<i32>} : memref<640x64xf32, #tpu.memory_space<vmem>>, vector<16xf32>,
        %mul3A_579 = arith.mulf %get3A_304, %get3A_578 : vector<16xf32>
        %add3A_580 = arith.addf %mul3A_571, %mul3A_579 : vector<16xf32>
        %add3A_581 = arith.addf %add3A_563, %add3A_580 : vector<16xf32>
        %swap3A_582 = arith.constant 112 : index
        %swap3A_583 = tpu.vector_load %arg18[%swap3A_582] {strides = array<i32>} : memref<256xf32, #tpu.memory_space<vmem>>, vector<16xf32>,
        tpu.vector_store %arg18[%swap3A_582], %add3A_581 {strides = array<i32>} : memref<256xf32, #tpu.memory_space<vmem>>, vector<16xf32>,
        %mul3A_584 = arith.constant 20 : i32
        %mul3A_585 = arith.muli %scan3A_293, %mul3A_584 : i32
        %add3A_586 = arith.constant 7 : i32
        %add3A_587 = arith.addi %mul3A_585, %add3A_586 : i32
        %get3A_588 = arith.index_cast %add3A_587 : i32 to index
        %get3A_589 = arith.constant 0 : index
        %get3A_590 = tpu.vector_load %arg16[%get3A_588, %get3A_589] {strides = array<i32>} : memref<640x64xf32, #tpu.memory_space<vmem>>, vector<16xf32>,
        %mul3A_591 = arith.mulf %get3A_295, %get3A_590 : vector<16xf32>
        %mul3A_592 = arith.constant 20 : i32
        %mul3A_593 = arith.muli %scan3A_293, %mul3A_592 : i32
        %add3A_594 = arith.constant 7 : i32
        %add3A_595 = arith.addi %mul3A_593, %add3A_594 : i32
        %get3A_596 = arith.index_cast %add3A_595 : i32 to index
        %get3A_597 = arith.constant 16 : index
        %get3A_598 = tpu.vector_load %arg16[%get3A_596, %get3A_597] {strides = array<i32>} : memref<640x64xf32, #tpu.memory_space<vmem>>, vector<16xf32>,
        %mul3A_599 = arith.mulf %get3A_298, %get3A_598 : vector<16xf32>
        %add3A_600 = arith.addf %mul3A_591, %mul3A_599 : vector<16xf32>
        %mul3A_601 = arith.constant 20 : i32
        %mul3A_602 = arith.muli %scan3A_293, %mul3A_601 : i32
        %add3A_603 = arith.constant 7 : i32
        %add3A_604 = arith.addi %mul3A_602, %add3A_603 : i32
        %get3A_605 = arith.index_cast %add3A_604 : i32 to index
        %get3A_606 = arith.constant 32 : index
        %get3A_607 = tpu.vector_load %arg16[%get3A_605, %get3A_606] {strides = array<i32>} : memref<640x64xf32, #tpu.memory_space<vmem>>, vector<16xf32>,
        %mul3A_608 = arith.mulf %get3A_301, %get3A_607 : vector<16xf32>
        %mul3A_609 = arith.constant 20 : i32
        %mul3A_610 = arith.muli %scan3A_293, %mul3A_609 : i32
        %add3A_611 = arith.constant 7 : i32
        %add3A_612 = arith.addi %mul3A_610, %add3A_611 : i32
        %get3A_613 = arith.index_cast %add3A_612 : i32 to index
        %get3A_614 = arith.constant 48 : index
        %get3A_615 = tpu.vector_load %arg16[%get3A_613, %get3A_614] {strides = array<i32>} : memref<640x64xf32, #tpu.memory_space<vmem>>, vector<16xf32>,
        %mul3A_616 = arith.mulf %get3A_304, %get3A_615 : vector<16xf32>
        %add3A_617 = arith.addf %mul3A_608, %mul3A_616 : vector<16xf32>
        %add3A_618 = arith.addf %add3A_600, %add3A_617 : vector<16xf32>
        %swap3A_619 = arith.constant 128 : index
        %swap3A_620 = tpu.vector_load %arg18[%swap3A_619] {strides = array<i32>} : memref<256xf32, #tpu.memory_space<vmem>>, vector<16xf32>,
        tpu.vector_store %arg18[%swap3A_619], %add3A_618 {strides = array<i32>} : memref<256xf32, #tpu.memory_space<vmem>>, vector<16xf32>,
        %mul3A_621 = arith.constant 20 : i32
        %mul3A_622 = arith.muli %scan3A_293, %mul3A_621 : i32
        %add3A_623 = arith.constant 8 : i32
        %add3A_624 = arith.addi %mul3A_622, %add3A_623 : i32
        %get3A_625 = arith.index_cast %add3A_624 : i32 to index
        %get3A_626 = arith.constant 0 : index
        %get3A_627 = tpu.vector_load %arg16[%get3A_625, %get3A_626] {strides = array<i32>} : memref<640x64xf32, #tpu.memory_space<vmem>>, vector<16xf32>,
        %mul3A_628 = arith.mulf %get3A_295, %get3A_627 : vector<16xf32>
        %mul3A_629 = arith.constant 20 : i32
        %mul3A_630 = arith.muli %scan3A_293, %mul3A_629 : i32
        %add3A_631 = arith.constant 8 : i32
        %add3A_632 = arith.addi %mul3A_630, %add3A_631 : i32
        %get3A_633 = arith.index_cast %add3A_632 : i32 to index
        %get3A_634 = arith.constant 16 : index
        %get3A_635 = tpu.vector_load %arg16[%get3A_633, %get3A_634] {strides = array<i32>} : memref<640x64xf32, #tpu.memory_space<vmem>>, vector<16xf32>,
        %mul3A_636 = arith.mulf %get3A_298, %get3A_635 : vector<16xf32>
        %add3A_637 = arith.addf %mul3A_628, %mul3A_636 : vector<16xf32>
        %mul3A_638 = arith.constant 20 : i32
        %mul3A_639 = arith.muli %scan3A_293, %mul3A_638 : i32
        %add3A_640 = arith.constant 8 : i32
        %add3A_641 = arith.addi %mul3A_639, %add3A_640 : i32
        %get3A_642 = arith.index_cast %add3A_641 : i32 to index
        %get3A_643 = arith.constant 32 : index
        %get3A_644 = tpu.vector_load %arg16[%get3A_642, %get3A_643] {strides = array<i32>} : memref<640x64xf32, #tpu.memory_space<vmem>>, vector<16xf32>,
        %mul3A_645 = arith.mulf %get3A_301, %get3A_644 : vector<16xf32>
        %mul3A_646 = arith.constant 20 : i32
        %mul3A_647 = arith.muli %scan3A_293, %mul3A_646 : i32
        %add3A_648 = arith.constant 8 : i32
        %add3A_649 = arith.addi %mul3A_647, %add3A_648 : i32
        %get3A_650 = arith.index_cast %add3A_649 : i32 to index
        %get3A_651 = arith.constant 48 : index
        %get3A_652 = tpu.vector_load %arg16[%get3A_650, %get3A_651] {strides = array<i32>} : memref<640x64xf32, #tpu.memory_space<vmem>>, vector<16xf32>,
        %mul3A_653 = arith.mulf %get3A_304, %get3A_652 : vector<16xf32>
        %add3A_654 = arith.addf %mul3A_645, %mul3A_653 : vector<16xf32>
        %add3A_655 = arith.addf %add3A_637, %add3A_654 : vector<16xf32>
        %swap3A_656 = arith.constant 144 : index
        %swap3A_657 = tpu.vector_load %arg18[%swap3A_656] {strides = array<i32>} : memref<256xf32, #tpu.memory_space<vmem>>, vector<16xf32>,
        tpu.vector_store %arg18[%swap3A_656], %add3A_655 {strides = array<i32>} : memref<256xf32, #tpu.memory_space<vmem>>, vector<16xf32>,
        %mul3A_658 = arith.constant 20 : i32
        %mul3A_659 = arith.muli %scan3A_293, %mul3A_658 : i32
        %add3A_660 = arith.constant 9 : i32
        %add3A_661 = arith.addi %mul3A_659, %add3A_660 : i32
        %get3A_662 = arith.index_cast %add3A_661 : i32 to index
        %get3A_663 = arith.constant 0 : index
        %get3A_664 = tpu.vector_load %arg16[%get3A_662, %get3A_663] {strides = array<i32>} : memref<640x64xf32, #tpu.memory_space<vmem>>, vector<16xf32>,
        %mul3A_665 = arith.mulf %get3A_295, %get3A_664 : vector<16xf32>
        %mul3A_666 = arith.constant 20 : i32
        %mul3A_667 = arith.muli %scan3A_293, %mul3A_666 : i32
        %add3A_668 = arith.constant 9 : i32
        %add3A_669 = arith.addi %mul3A_667, %add3A_668 : i32
        %get3A_670 = arith.index_cast %add3A_669 : i32 to index
        %get3A_671 = arith.constant 16 : index
        %get3A_672 = tpu.vector_load %arg16[%get3A_670, %get3A_671] {strides = array<i32>} : memref<640x64xf32, #tpu.memory_space<vmem>>, vector<16xf32>,
        %mul3A_673 = arith.mulf %get3A_298, %get3A_672 : vector<16xf32>
        %add3A_674 = arith.addf %mul3A_665, %mul3A_673 : vector<16xf32>
        %mul3A_675 = arith.constant 20 : i32
        %mul3A_676 = arith.muli %scan3A_293, %mul3A_675 : i32
        %add3A_677 = arith.constant 9 : i32
        %add3A_678 = arith.addi %mul3A_676, %add3A_677 : i32
        %get3A_679 = arith.index_cast %add3A_678 : i32 to index
        %get3A_680 = arith.constant 32 : index
        %get3A_681 = tpu.vector_load %arg16[%get3A_679, %get3A_680] {strides = array<i32>} : memref<640x64xf32, #tpu.memory_space<vmem>>, vector<16xf32>,
        %mul3A_682 = arith.mulf %get3A_301, %get3A_681 : vector<16xf32>
        %mul3A_683 = arith.constant 20 : i32
        %mul3A_684 = arith.muli %scan3A_293, %mul3A_683 : i32
        %add3A_685 = arith.constant 9 : i32
        %add3A_686 = arith.addi %mul3A_684, %add3A_685 : i32
        %get3A_687 = arith.index_cast %add3A_686 : i32 to index
        %get3A_688 = arith.constant 48 : index
        %get3A_689 = tpu.vector_load %arg16[%get3A_687, %get3A_688] {strides = array<i32>} : memref<640x64xf32, #tpu.memory_space<vmem>>, vector<16xf32>,
        %mul3A_690 = arith.mulf %get3A_304, %get3A_689 : vector<16xf32>
        %add3A_691 = arith.addf %mul3A_682, %mul3A_690 : vector<16xf32>
        %add3A_692 = arith.addf %add3A_674, %add3A_691 : vector<16xf32>
        %swap3A_693 = arith.constant 160 : index
        %swap3A_694 = tpu.vector_load %arg18[%swap3A_693] {strides = array<i32>} : memref<256xf32, #tpu.memory_space<vmem>>, vector<16xf32>,
        tpu.vector_store %arg18[%swap3A_693], %add3A_692 {strides = array<i32>} : memref<256xf32, #tpu.memory_space<vmem>>, vector<16xf32>,
        %mul3A_695 = arith.constant 20 : i32
        %mul3A_696 = arith.muli %scan3A_293, %mul3A_695 : i32
        %add3A_697 = arith.constant 10 : i32
        %add3A_698 = arith.addi %mul3A_696, %add3A_697 : i32
        %get3A_699 = arith.index_cast %add3A_698 : i32 to index
        %get3A_700 = arith.constant 0 : index
        %get3A_701 = tpu.vector_load %arg16[%get3A_699, %get3A_700] {strides = array<i32>} : memref<640x64xf32, #tpu.memory_space<vmem>>, vector<16xf32>,
        %mul3A_702 = arith.mulf %get3A_295, %get3A_701 : vector<16xf32>
        %mul3A_703 = arith.constant 20 : i32
        %mul3A_704 = arith.muli %scan3A_293, %mul3A_703 : i32
        %add3A_705 = arith.constant 10 : i32
        %add3A_706 = arith.addi %mul3A_704, %add3A_705 : i32
        %get3A_707 = arith.index_cast %add3A_706 : i32 to index
        %get3A_708 = arith.constant 16 : index
        %get3A_709 = tpu.vector_load %arg16[%get3A_707, %get3A_708] {strides = array<i32>} : memref<640x64xf32, #tpu.memory_space<vmem>>, vector<16xf32>,
        %mul3A_710 = arith.mulf %get3A_298, %get3A_709 : vector<16xf32>
        %add3A_711 = arith.addf %mul3A_702, %mul3A_710 : vector<16xf32>
        %mul3A_712 = arith.constant 20 : i32
        %mul3A_713 = arith.muli %scan3A_293, %mul3A_712 : i32
        %add3A_714 = arith.constant 10 : i32
        %add3A_715 = arith.addi %mul3A_713, %add3A_714 : i32
        %get3A_716 = arith.index_cast %add3A_715 : i32 to index
        %get3A_717 = arith.constant 32 : index
        %get3A_718 = tpu.vector_load %arg16[%get3A_716, %get3A_717] {strides = array<i32>} : memref<640x64xf32, #tpu.memory_space<vmem>>, vector<16xf32>,
        %mul3A_719 = arith.mulf %get3A_301, %get3A_718 : vector<16xf32>
        %mul3A_720 = arith.constant 20 : i32
        %mul3A_721 = arith.muli %scan3A_293, %mul3A_720 : i32
        %add3A_722 = arith.constant 10 : i32
        %add3A_723 = arith.addi %mul3A_721, %add3A_722 : i32
        %get3A_724 = arith.index_cast %add3A_723 : i32 to index
        %get3A_725 = arith.constant 48 : index
        %get3A_726 = tpu.vector_load %arg16[%get3A_724, %get3A_725] {strides = array<i32>} : memref<640x64xf32, #tpu.memory_space<vmem>>, vector<16xf32>,
        %mul3A_727 = arith.mulf %get3A_304, %get3A_726 : vector<16xf32>
        %add3A_728 = arith.addf %mul3A_719, %mul3A_727 : vector<16xf32>
        %add3A_729 = arith.addf %add3A_711, %add3A_728 : vector<16xf32>
        %swap3A_730 = arith.constant 176 : index
        %swap3A_731 = tpu.vector_load %arg18[%swap3A_730] {strides = array<i32>} : memref<256xf32, #tpu.memory_space<vmem>>, vector<16xf32>,
        tpu.vector_store %arg18[%swap3A_730], %add3A_729 {strides = array<i32>} : memref<256xf32, #tpu.memory_space<vmem>>, vector<16xf32>,
        %mul3A_732 = arith.constant 20 : i32
        %mul3A_733 = arith.muli %scan3A_293, %mul3A_732 : i32
        %add3A_734 = arith.constant 11 : i32
        %add3A_735 = arith.addi %mul3A_733, %add3A_734 : i32
        %get3A_736 = arith.index_cast %add3A_735 : i32 to index
        %get3A_737 = arith.constant 0 : index
        %get3A_738 = tpu.vector_load %arg16[%get3A_736, %get3A_737] {strides = array<i32>} : memref<640x64xf32, #tpu.memory_space<vmem>>, vector<16xf32>,
        %mul3A_739 = arith.mulf %get3A_295, %get3A_738 : vector<16xf32>
        %mul3A_740 = arith.constant 20 : i32
        %mul3A_741 = arith.muli %scan3A_293, %mul3A_740 : i32
        %add3A_742 = arith.constant 11 : i32
        %add3A_743 = arith.addi %mul3A_741, %add3A_742 : i32
        %get3A_744 = arith.index_cast %add3A_743 : i32 to index
        %get3A_745 = arith.constant 16 : index
        %get3A_746 = tpu.vector_load %arg16[%get3A_744, %get3A_745] {strides = array<i32>} : memref<640x64xf32, #tpu.memory_space<vmem>>, vector<16xf32>,
        %mul3A_747 = arith.mulf %get3A_298, %get3A_746 : vector<16xf32>
        %add3A_748 = arith.addf %mul3A_739, %mul3A_747 : vector<16xf32>
        %mul3A_749 = arith.constant 20 : i32
        %mul3A_750 = arith.muli %scan3A_293, %mul3A_749 : i32
        %add3A_751 = arith.constant 11 : i32
        %add3A_752 = arith.addi %mul3A_750, %add3A_751 : i32
        %get3A_753 = arith.index_cast %add3A_752 : i32 to index
        %get3A_754 = arith.constant 32 : index
        %get3A_755 = tpu.vector_load %arg16[%get3A_753, %get3A_754] {strides = array<i32>} : memref<640x64xf32, #tpu.memory_space<vmem>>, vector<16xf32>,
        %mul3A_756 = arith.mulf %get3A_301, %get3A_755 : vector<16xf32>
        %mul3A_757 = arith.constant 20 : i32
        %mul3A_758 = arith.muli %scan3A_293, %mul3A_757 : i32
        %add3A_759 = arith.constant 11 : i32
        %add3A_760 = arith.addi %mul3A_758, %add3A_759 : i32
        %get3A_761 = arith.index_cast %add3A_760 : i32 to index
        %get3A_762 = arith.constant 48 : index
        %get3A_763 = tpu.vector_load %arg16[%get3A_761, %get3A_762] {strides = array<i32>} : memref<640x64xf32, #tpu.memory_space<vmem>>, vector<16xf32>,
        %mul3A_764 = arith.mulf %get3A_304, %get3A_763 : vector<16xf32>
        %add3A_765 = arith.addf %mul3A_756, %mul3A_764 : vector<16xf32>
        %add3A_766 = arith.addf %add3A_748, %add3A_765 : vector<16xf32>
        %swap3A_767 = arith.constant 192 : index
        %swap3A_768 = tpu.vector_load %arg18[%swap3A_767] {strides = array<i32>} : memref<256xf32, #tpu.memory_space<vmem>>, vector<16xf32>,
        tpu.vector_store %arg18[%swap3A_767], %add3A_766 {strides = array<i32>} : memref<256xf32, #tpu.memory_space<vmem>>, vector<16xf32>,
        %mul3A_769 = arith.constant 20 : i32
        %mul3A_770 = arith.muli %scan3A_293, %mul3A_769 : i32
        %add3A_771 = arith.constant 12 : i32
        %add3A_772 = arith.addi %mul3A_770, %add3A_771 : i32
        %get3A_773 = arith.index_cast %add3A_772 : i32 to index
        %get3A_774 = arith.constant 0 : index
        %get3A_775 = tpu.vector_load %arg16[%get3A_773, %get3A_774] {strides = array<i32>} : memref<640x64xf32, #tpu.memory_space<vmem>>, vector<16xf32>,
        %mul3A_776 = arith.mulf %get3A_295, %get3A_775 : vector<16xf32>
        %mul3A_777 = arith.constant 20 : i32
        %mul3A_778 = arith.muli %scan3A_293, %mul3A_777 : i32
        %add3A_779 = arith.constant 12 : i32
        %add3A_780 = arith.addi %mul3A_778, %add3A_779 : i32
        %get3A_781 = arith.index_cast %add3A_780 : i32 to index
        %get3A_782 = arith.constant 16 : index
        %get3A_783 = tpu.vector_load %arg16[%get3A_781, %get3A_782] {strides = array<i32>} : memref<640x64xf32, #tpu.memory_space<vmem>>, vector<16xf32>,
        %mul3A_784 = arith.mulf %get3A_298, %get3A_783 : vector<16xf32>
        %add3A_785 = arith.addf %mul3A_776, %mul3A_784 : vector<16xf32>
        %mul3A_786 = arith.constant 20 : i32
        %mul3A_787 = arith.muli %scan3A_293, %mul3A_786 : i32
        %add3A_788 = arith.constant 12 : i32
        %add3A_789 = arith.addi %mul3A_787, %add3A_788 : i32
        %get3A_790 = arith.index_cast %add3A_789 : i32 to index
        %get3A_791 = arith.constant 32 : index
        %get3A_792 = tpu.vector_load %arg16[%get3A_790, %get3A_791] {strides = array<i32>} : memref<640x64xf32, #tpu.memory_space<vmem>>, vector<16xf32>,
        %mul3A_793 = arith.mulf %get3A_301, %get3A_792 : vector<16xf32>
        %mul3A_794 = arith.constant 20 : i32
        %mul3A_795 = arith.muli %scan3A_293, %mul3A_794 : i32
        %add3A_796 = arith.constant 12 : i32
        %add3A_797 = arith.addi %mul3A_795, %add3A_796 : i32
        %get3A_798 = arith.index_cast %add3A_797 : i32 to index
        %get3A_799 = arith.constant 48 : index
        %get3A_800 = tpu.vector_load %arg16[%get3A_798, %get3A_799] {strides = array<i32>} : memref<640x64xf32, #tpu.memory_space<vmem>>, vector<16xf32>,
        %mul3A_801 = arith.mulf %get3A_304, %get3A_800 : vector<16xf32>
        %add3A_802 = arith.addf %mul3A_793, %mul3A_801 : vector<16xf32>
        %add3A_803 = arith.addf %add3A_785, %add3A_802 : vector<16xf32>
        %swap3A_804 = arith.constant 208 : index
        %swap3A_805 = tpu.vector_load %arg18[%swap3A_804] {strides = array<i32>} : memref<256xf32, #tpu.memory_space<vmem>>, vector<16xf32>,
        tpu.vector_store %arg18[%swap3A_804], %add3A_803 {strides = array<i32>} : memref<256xf32, #tpu.memory_space<vmem>>, vector<16xf32>,
        %mul3A_806 = arith.constant 20 : i32
        %mul3A_807 = arith.muli %scan3A_293, %mul3A_806 : i32
        %add3A_808 = arith.constant 13 : i32
        %add3A_809 = arith.addi %mul3A_807, %add3A_808 : i32
        %get3A_810 = arith.index_cast %add3A_809 : i32 to index
        %get3A_811 = arith.constant 0 : index
        %get3A_812 = tpu.vector_load %arg16[%get3A_810, %get3A_811] {strides = array<i32>} : memref<640x64xf32, #tpu.memory_space<vmem>>, vector<16xf32>,
        %mul3A_813 = arith.mulf %get3A_295, %get3A_812 : vector<16xf32>
        %mul3A_814 = arith.constant 20 : i32
        %mul3A_815 = arith.muli %scan3A_293, %mul3A_814 : i32
        %add3A_816 = arith.constant 13 : i32
        %add3A_817 = arith.addi %mul3A_815, %add3A_816 : i32
        %get3A_818 = arith.index_cast %add3A_817 : i32 to index
        %get3A_819 = arith.constant 16 : index
        %get3A_820 = tpu.vector_load %arg16[%get3A_818, %get3A_819] {strides = array<i32>} : memref<640x64xf32, #tpu.memory_space<vmem>>, vector<16xf32>,
        %mul3A_821 = arith.mulf %get3A_298, %get3A_820 : vector<16xf32>
        %add3A_822 = arith.addf %mul3A_813, %mul3A_821 : vector<16xf32>
        %mul3A_823 = arith.constant 20 : i32
        %mul3A_824 = arith.muli %scan3A_293, %mul3A_823 : i32
        %add3A_825 = arith.constant 13 : i32
        %add3A_826 = arith.addi %mul3A_824, %add3A_825 : i32
        %get3A_827 = arith.index_cast %add3A_826 : i32 to index
        %get3A_828 = arith.constant 32 : index
        %get3A_829 = tpu.vector_load %arg16[%get3A_827, %get3A_828] {strides = array<i32>} : memref<640x64xf32, #tpu.memory_space<vmem>>, vector<16xf32>,
        %mul3A_830 = arith.mulf %get3A_301, %get3A_829 : vector<16xf32>
        %mul3A_831 = arith.constant 20 : i32
        %mul3A_832 = arith.muli %scan3A_293, %mul3A_831 : i32
        %add3A_833 = arith.constant 13 : i32
        %add3A_834 = arith.addi %mul3A_832, %add3A_833 : i32
        %get3A_835 = arith.index_cast %add3A_834 : i32 to index
        %get3A_836 = arith.constant 48 : index
        %get3A_837 = tpu.vector_load %arg16[%get3A_835, %get3A_836] {strides = array<i32>} : memref<640x64xf32, #tpu.memory_space<vmem>>, vector<16xf32>,
        %mul3A_838 = arith.mulf %get3A_304, %get3A_837 : vector<16xf32>
        %add3A_839 = arith.addf %mul3A_830, %mul3A_838 : vector<16xf32>
        %add3A_840 = arith.addf %add3A_822, %add3A_839 : vector<16xf32>
        %swap3A_841 = arith.constant 224 : index
        %swap3A_842 = tpu.vector_load %arg18[%swap3A_841] {strides = array<i32>} : memref<256xf32, #tpu.memory_space<vmem>>, vector<16xf32>,
        tpu.vector_store %arg18[%swap3A_841], %add3A_840 {strides = array<i32>} : memref<256xf32, #tpu.memory_space<vmem>>, vector<16xf32>,
        %mul3A_843 = arith.constant 20 : i32
        %mul3A_844 = arith.muli %scan3A_293, %mul3A_843 : i32
        %add3A_845 = arith.constant 14 : i32
        %add3A_846 = arith.addi %mul3A_844, %add3A_845 : i32
        %get3A_847 = arith.index_cast %add3A_846 : i32 to index
        %get3A_848 = arith.constant 0 : index
        %get3A_849 = tpu.vector_load %arg16[%get3A_847, %get3A_848] {strides = array<i32>} : memref<640x64xf32, #tpu.memory_space<vmem>>, vector<16xf32>,
        %mul3A_850 = arith.mulf %get3A_295, %get3A_849 : vector<16xf32>
        %mul3A_851 = arith.constant 20 : i32
        %mul3A_852 = arith.muli %scan3A_293, %mul3A_851 : i32
        %add3A_853 = arith.constant 14 : i32
        %add3A_854 = arith.addi %mul3A_852, %add3A_853 : i32
        %get3A_855 = arith.index_cast %add3A_854 : i32 to index
        %get3A_856 = arith.constant 16 : index
        %get3A_857 = tpu.vector_load %arg16[%get3A_855, %get3A_856] {strides = array<i32>} : memref<640x64xf32, #tpu.memory_space<vmem>>, vector<16xf32>,
        %mul3A_858 = arith.mulf %get3A_298, %get3A_857 : vector<16xf32>
        %add3A_859 = arith.addf %mul3A_850, %mul3A_858 : vector<16xf32>
        %mul3A_860 = arith.constant 20 : i32
        %mul3A_861 = arith.muli %scan3A_293, %mul3A_860 : i32
        %add3A_862 = arith.constant 14 : i32
        %add3A_863 = arith.addi %mul3A_861, %add3A_862 : i32
        %get3A_864 = arith.index_cast %add3A_863 : i32 to index
        %get3A_865 = arith.constant 32 : index
        %get3A_866 = tpu.vector_load %arg16[%get3A_864, %get3A_865] {strides = array<i32>} : memref<640x64xf32, #tpu.memory_space<vmem>>, vector<16xf32>,
        %mul3A_867 = arith.mulf %get3A_301, %get3A_866 : vector<16xf32>
        %mul3A_868 = arith.constant 20 : i32
        %mul3A_869 = arith.muli %scan3A_293, %mul3A_868 : i32
        %add3A_870 = arith.constant 14 : i32
        %add3A_871 = arith.addi %mul3A_869, %add3A_870 : i32
        %get3A_872 = arith.index_cast %add3A_871 : i32 to index
        %get3A_873 = arith.constant 48 : index
        %get3A_874 = tpu.vector_load %arg16[%get3A_872, %get3A_873] {strides = array<i32>} : memref<640x64xf32, #tpu.memory_space<vmem>>, vector<16xf32>,
        %mul3A_875 = arith.mulf %get3A_304, %get3A_874 : vector<16xf32>
        %add3A_876 = arith.addf %mul3A_867, %mul3A_875 : vector<16xf32>
        %add3A_877 = arith.addf %add3A_859, %add3A_876 : vector<16xf32>
        %swap3A_878 = arith.constant 240 : index
        %swap3A_879 = tpu.vector_load %arg18[%swap3A_878] {strides = array<i32>} : memref<256xf32, #tpu.memory_space<vmem>>, vector<16xf32>,
        tpu.vector_store %arg18[%swap3A_878], %add3A_877 {strides = array<i32>} : memref<256xf32, #tpu.memory_space<vmem>>, vector<16xf32>,
        %gather3A = tpu.vector_load_idx %arg18[%mul3A_5] : memref<256xf32, #tpu.memory_space<vmem>>[vector<16xi32>], vector<16xf32>,
        %add3A_880 = arith.constant 1 : i32
        %add3A_881 = vector.broadcast %add3A_880 : i32 to vector<16xi32>
        %add3A_882 = arith.addi %mul3A_5, %add3A_881 : vector<16xi32>
        %gather3A_883 = tpu.vector_load_idx %arg18[%add3A_882] : memref<256xf32, #tpu.memory_space<vmem>>[vector<16xi32>], vector<16xf32>,
        %add3A_884 = arith.addf %gather3A, %gather3A_883 : vector<16xf32>
        %add3A_885 = arith.constant 2 : i32
        %add3A_886 = vector.broadcast %add3A_885 : i32 to vector<16xi32>
        %add3A_887 = arith.addi %mul3A_5, %add3A_886 : vector<16xi32>
        %gather3A_888 = tpu.vector_load_idx %arg18[%add3A_887] : memref<256xf32, #tpu.memory_space<vmem>>[vector<16xi32>], vector<16xf32>,
        %add3A_889 = arith.addf %add3A_884, %gather3A_888 : vector<16xf32>
        %add3A_890 = arith.constant 3 : i32
        %add3A_891 = vector.broadcast %add3A_890 : i32 to vector<16xi32>
        %add3A_892 = arith.addi %mul3A_5, %add3A_891 : vector<16xi32>
        %gather3A_893 = tpu.vector_load_idx %arg18[%add3A_892] : memref<256xf32, #tpu.memory_space<vmem>>[vector<16xi32>], vector<16xf32>,
        %add3A_894 = arith.addf %add3A_889, %gather3A_893 : vector<16xf32>
        %add3A_895 = arith.constant 4 : i32
        %add3A_896 = vector.broadcast %add3A_895 : i32 to vector<16xi32>
        %add3A_897 = arith.addi %mul3A_5, %add3A_896 : vector<16xi32>
        %gather3A_898 = tpu.vector_load_idx %arg18[%add3A_897] : memref<256xf32, #tpu.memory_space<vmem>>[vector<16xi32>], vector<16xf32>,
        %add3A_899 = arith.addf %add3A_894, %gather3A_898 : vector<16xf32>
        %add3A_900 = arith.constant 5 : i32
        %add3A_901 = vector.broadcast %add3A_900 : i32 to vector<16xi32>
        %add3A_902 = arith.addi %mul3A_5, %add3A_901 : vector<16xi32>
        %gather3A_903 = tpu.vector_load_idx %arg18[%add3A_902] : memref<256xf32, #tpu.memory_space<vmem>>[vector<16xi32>], vector<16xf32>,
        %add3A_904 = arith.addf %add3A_899, %gather3A_903 : vector<16xf32>
        %add3A_905 = arith.constant 6 : i32
        %add3A_906 = vector.broadcast %add3A_905 : i32 to vector<16xi32>
        %add3A_907 = arith.addi %mul3A_5, %add3A_906 : vector<16xi32>
        %gather3A_908 = tpu.vector_load_idx %arg18[%add3A_907] : memref<256xf32, #tpu.memory_space<vmem>>[vector<16xi32>], vector<16xf32>,
        %add3A_909 = arith.addf %add3A_904, %gather3A_908 : vector<16xf32>
        %add3A_910 = arith.constant 7 : i32
        %add3A_911 = vector.broadcast %add3A_910 : i32 to vector<16xi32>
        %add3A_912 = arith.addi %mul3A_5, %add3A_911 : vector<16xi32>
        %gather3A_913 = tpu.vector_load_idx %arg18[%add3A_912] : memref<256xf32, #tpu.memory_space<vmem>>[vector<16xi32>], vector<16xf32>,
        %add3A_914 = arith.addf %add3A_909, %gather3A_913 : vector<16xf32>
        %add3A_915 = arith.constant 8 : i32
        %add3A_916 = vector.broadcast %add3A_915 : i32 to vector<16xi32>
        %add3A_917 = arith.addi %mul3A_5, %add3A_916 : vector<16xi32>
        %gather3A_918 = tpu.vector_load_idx %arg18[%add3A_917] : memref<256xf32, #tpu.memory_space<vmem>>[vector<16xi32>], vector<16xf32>,
        %add3A_919 = arith.addf %add3A_914, %gather3A_918 : vector<16xf32>
        %add3A_920 = arith.constant 9 : i32
        %add3A_921 = vector.broadcast %add3A_920 : i32 to vector<16xi32>
        %add3A_922 = arith.addi %mul3A_5, %add3A_921 : vector<16xi32>
        %gather3A_923 = tpu.vector_load_idx %arg18[%add3A_922] : memref<256xf32, #tpu.memory_space<vmem>>[vector<16xi32>], vector<16xf32>,
        %add3A_924 = arith.addf %add3A_919, %gather3A_923 : vector<16xf32>
        %add3A_925 = arith.constant 10 : i32
        %add3A_926 = vector.broadcast %add3A_925 : i32 to vector<16xi32>
        %add3A_927 = arith.addi %mul3A_5, %add3A_926 : vector<16xi32>
        %gather3A_928 = tpu.vector_load_idx %arg18[%add3A_927] : memref<256xf32, #tpu.memory_space<vmem>>[vector<16xi32>], vector<16xf32>,
        %add3A_929 = arith.addf %add3A_924, %gather3A_928 : vector<16xf32>
        %add3A_930 = arith.constant 11 : i32
        %add3A_931 = vector.broadcast %add3A_930 : i32 to vector<16xi32>
        %add3A_932 = arith.addi %mul3A_5, %add3A_931 : vector<16xi32>
        %gather3A_933 = tpu.vector_load_idx %arg18[%add3A_932] : memref<256xf32, #tpu.memory_space<vmem>>[vector<16xi32>], vector<16xf32>,
        %add3A_934 = arith.addf %add3A_929, %gather3A_933 : vector<16xf32>
        %add3A_935 = arith.constant 12 : i32
        %add3A_936 = vector.broadcast %add3A_935 : i32 to vector<16xi32>
        %add3A_937 = arith.addi %mul3A_5, %add3A_936 : vector<16xi32>
        %gather3A_938 = tpu.vector_load_idx %arg18[%add3A_937] : memref<256xf32, #tpu.memory_space<vmem>>[vector<16xi32>], vector<16xf32>,
        %add3A_939 = arith.addf %add3A_934, %gather3A_938 : vector<16xf32>
        %add3A_940 = arith.constant 13 : i32
        %add3A_941 = vector.broadcast %add3A_940 : i32 to vector<16xi32>
        %add3A_942 = arith.addi %mul3A_5, %add3A_941 : vector<16xi32>
        %gather3A_943 = tpu.vector_load_idx %arg18[%add3A_942] : memref<256xf32, #tpu.memory_space<vmem>>[vector<16xi32>], vector<16xf32>,
        %add3A_944 = arith.addf %add3A_939, %gather3A_943 : vector<16xf32>
        %add3A_945 = arith.constant 14 : i32
        %add3A_946 = vector.broadcast %add3A_945 : i32 to vector<16xi32>
        %add3A_947 = arith.addi %mul3A_5, %add3A_946 : vector<16xi32>
        %gather3A_948 = tpu.vector_load_idx %arg18[%add3A_947] : memref<256xf32, #tpu.memory_space<vmem>>[vector<16xi32>], vector<16xf32>,
        %add3A_949 = arith.addf %add3A_944, %gather3A_948 : vector<16xf32>
        %add3A_950 = arith.constant 15 : i32
        %add3A_951 = vector.broadcast %add3A_950 : i32 to vector<16xi32>
        %add3A_952 = arith.addi %mul3A_5, %add3A_951 : vector<16xi32>
        %gather3A_953 = tpu.vector_load_idx %arg18[%add3A_952] : memref<256xf32, #tpu.memory_space<vmem>>[vector<16xi32>], vector<16xf32>,
        %add3A_954 = arith.addf %add3A_949, %gather3A_953 : vector<16xf32>
        %swap3A_955 = arith.index_cast %scan3A_293 : i32 to index
        %swap3A_956 = arith.constant 0 : index
        %swap3A_957 = tpu.vector_load %arg17[%swap3A_955, %swap3A_956] {strides = array<i32>} : memref<32x32xf32, #tpu.memory_space<vmem>>, vector<16xf32>,
        tpu.vector_store %arg17[%swap3A_955, %swap3A_956], %add3A_954 {strides = array<i32>} : memref<32x32xf32, #tpu.memory_space<vmem>>, vector<16xf32>,
        %mul3A_958 = arith.constant 20 : i32
        %mul3A_959 = arith.muli %scan3A_293, %mul3A_958 : i32
        %add3A_960 = arith.constant 15 : i32
        %add3A_961 = arith.addi %mul3A_959, %add3A_960 : i32
        %get3A_962 = arith.index_cast %add3A_961 : i32 to index
        %get3A_963 = arith.constant 0 : index
        %get3A_964 = tpu.vector_load %arg16[%get3A_962, %get3A_963] {strides = array<i32>} : memref<640x64xf32, #tpu.memory_space<vmem>>, vector<16xf32>,
        %mul3A_965 = arith.mulf %get3A_295, %get3A_964 : vector<16xf32>
        %mul3A_966 = arith.constant 20 : i32
        %mul3A_967 = arith.muli %scan3A_293, %mul3A_966 : i32
        %add3A_968 = arith.constant 15 : i32
        %add3A_969 = arith.addi %mul3A_967, %add3A_968 : i32
        %get3A_970 = arith.index_cast %add3A_969 : i32 to index
        %get3A_971 = arith.constant 16 : index
        %get3A_972 = tpu.vector_load %arg16[%get3A_970, %get3A_971] {strides = array<i32>} : memref<640x64xf32, #tpu.memory_space<vmem>>, vector<16xf32>,
        %mul3A_973 = arith.mulf %get3A_298, %get3A_972 : vector<16xf32>
        %add3A_974 = arith.addf %mul3A_965, %mul3A_973 : vector<16xf32>
        %mul3A_975 = arith.constant 20 : i32
        %mul3A_976 = arith.muli %scan3A_293, %mul3A_975 : i32
        %add3A_977 = arith.constant 15 : i32
        %add3A_978 = arith.addi %mul3A_976, %add3A_977 : i32
        %get3A_979 = arith.index_cast %add3A_978 : i32 to index
        %get3A_980 = arith.constant 32 : index
        %get3A_981 = tpu.vector_load %arg16[%get3A_979, %get3A_980] {strides = array<i32>} : memref<640x64xf32, #tpu.memory_space<vmem>>, vector<16xf32>,
        %mul3A_982 = arith.mulf %get3A_301, %get3A_981 : vector<16xf32>
        %mul3A_983 = arith.constant 20 : i32
        %mul3A_984 = arith.muli %scan3A_293, %mul3A_983 : i32
        %add3A_985 = arith.constant 15 : i32
        %add3A_986 = arith.addi %mul3A_984, %add3A_985 : i32
        %get3A_987 = arith.index_cast %add3A_986 : i32 to index
        %get3A_988 = arith.constant 48 : index
        %get3A_989 = tpu.vector_load %arg16[%get3A_987, %get3A_988] {strides = array<i32>} : memref<640x64xf32, #tpu.memory_space<vmem>>, vector<16xf32>,
        %mul3A_990 = arith.mulf %get3A_304, %get3A_989 : vector<16xf32>
        %add3A_991 = arith.addf %mul3A_982, %mul3A_990 : vector<16xf32>
        %add3A_992 = arith.addf %add3A_974, %add3A_991 : vector<16xf32>
        %swap3A_993 = arith.constant 0 : index
        %swap3A_994 = tpu.vector_load %arg18[%swap3A_993] {strides = array<i32>} : memref<256xf32, #tpu.memory_space<vmem>>, vector<16xf32>,
        tpu.vector_store %arg18[%swap3A_993], %add3A_992 {strides = array<i32>} : memref<256xf32, #tpu.memory_space<vmem>>, vector<16xf32>,
        %mul3A_995 = arith.constant 20 : i32
        %mul3A_996 = arith.muli %scan3A_293, %mul3A_995 : i32
        %add3A_997 = arith.constant 16 : i32
        %add3A_998 = arith.addi %mul3A_996, %add3A_997 : i32
        %get3A_999 = arith.index_cast %add3A_998 : i32 to index
        %get3A_1000 = arith.constant 0 : index
        %get3A_1001 = tpu.vector_load %arg16[%get3A_999, %get3A_1000] {strides = array<i32>} : memref<640x64xf32, #tpu.memory_space<vmem>>, vector<16xf32>,
        %mul3A_1002 = arith.mulf %get3A_295, %get3A_1001 : vector<16xf32>
        %mul3A_1003 = arith.constant 20 : i32
        %mul3A_1004 = arith.muli %scan3A_293, %mul3A_1003 : i32
        %add3A_1005 = arith.constant 16 : i32
        %add3A_1006 = arith.addi %mul3A_1004, %add3A_1005 : i32
        %get3A_1007 = arith.index_cast %add3A_1006 : i32 to index
        %get3A_1008 = arith.constant 16 : index
        %get3A_1009 = tpu.vector_load %arg16[%get3A_1007, %get3A_1008] {strides = array<i32>} : memref<640x64xf32, #tpu.memory_space<vmem>>, vector<16xf32>,
        %mul3A_1010 = arith.mulf %get3A_298, %get3A_1009 : vector<16xf32>
        %add3A_1011 = arith.addf %mul3A_1002, %mul3A_1010 : vector<16xf32>
        %mul3A_1012 = arith.constant 20 : i32
        %mul3A_1013 = arith.muli %scan3A_293, %mul3A_1012 : i32
        %add3A_1014 = arith.constant 16 : i32
        %add3A_1015 = arith.addi %mul3A_1013, %add3A_1014 : i32
        %get3A_1016 = arith.index_cast %add3A_1015 : i32 to index
        %get3A_1017 = arith.constant 32 : index
        %get3A_1018 = tpu.vector_load %arg16[%get3A_1016, %get3A_1017] {strides = array<i32>} : memref<640x64xf32, #tpu.memory_space<vmem>>, vector<16xf32>,
        %mul3A_1019 = arith.mulf %get3A_301, %get3A_1018 : vector<16xf32>
        %mul3A_1020 = arith.constant 20 : i32
        %mul3A_1021 = arith.muli %scan3A_293, %mul3A_1020 : i32
        %add3A_1022 = arith.constant 16 : i32
        %add3A_1023 = arith.addi %mul3A_1021, %add3A_1022 : i32
        %get3A_1024 = arith.index_cast %add3A_1023 : i32 to index
        %get3A_1025 = arith.constant 48 : index
        %get3A_1026 = tpu.vector_load %arg16[%get3A_1024, %get3A_1025] {strides = array<i32>} : memref<640x64xf32, #tpu.memory_space<vmem>>, vector<16xf32>,
        %mul3A_1027 = arith.mulf %get3A_304, %get3A_1026 : vector<16xf32>
        %add3A_1028 = arith.addf %mul3A_1019, %mul3A_1027 : vector<16xf32>
        %add3A_1029 = arith.addf %add3A_1011, %add3A_1028 : vector<16xf32>
        %swap3A_1030 = arith.constant 16 : index
        %swap3A_1031 = tpu.vector_load %arg18[%swap3A_1030] {strides = array<i32>} : memref<256xf32, #tpu.memory_space<vmem>>, vector<16xf32>,
        tpu.vector_store %arg18[%swap3A_1030], %add3A_1029 {strides = array<i32>} : memref<256xf32, #tpu.memory_space<vmem>>, vector<16xf32>,
        %mul3A_1032 = arith.constant 20 : i32
        %mul3A_1033 = arith.muli %scan3A_293, %mul3A_1032 : i32
        %add3A_1034 = arith.constant 17 : i32
        %add3A_1035 = arith.addi %mul3A_1033, %add3A_1034 : i32
        %get3A_1036 = arith.index_cast %add3A_1035 : i32 to index
        %get3A_1037 = arith.constant 0 : index
        %get3A_1038 = tpu.vector_load %arg16[%get3A_1036, %get3A_1037] {strides = array<i32>} : memref<640x64xf32, #tpu.memory_space<vmem>>, vector<16xf32>,
        %mul3A_1039 = arith.mulf %get3A_295, %get3A_1038 : vector<16xf32>
        %mul3A_1040 = arith.constant 20 : i32
        %mul3A_1041 = arith.muli %scan3A_293, %mul3A_1040 : i32
        %add3A_1042 = arith.constant 17 : i32
        %add3A_1043 = arith.addi %mul3A_1041, %add3A_1042 : i32
        %get3A_1044 = arith.index_cast %add3A_1043 : i32 to index
        %get3A_1045 = arith.constant 16 : index
        %get3A_1046 = tpu.vector_load %arg16[%get3A_1044, %get3A_1045] {strides = array<i32>} : memref<640x64xf32, #tpu.memory_space<vmem>>, vector<16xf32>,
        %mul3A_1047 = arith.mulf %get3A_298, %get3A_1046 : vector<16xf32>
        %add3A_1048 = arith.addf %mul3A_1039, %mul3A_1047 : vector<16xf32>
        %mul3A_1049 = arith.constant 20 : i32
        %mul3A_1050 = arith.muli %scan3A_293, %mul3A_1049 : i32
        %add3A_1051 = arith.constant 17 : i32
        %add3A_1052 = arith.addi %mul3A_1050, %add3A_1051 : i32
        %get3A_1053 = arith.index_cast %add3A_1052 : i32 to index
        %get3A_1054 = arith.constant 32 : index
        %get3A_1055 = tpu.vector_load %arg16[%get3A_1053, %get3A_1054] {strides = array<i32>} : memref<640x64xf32, #tpu.memory_space<vmem>>, vector<16xf32>,
        %mul3A_1056 = arith.mulf %get3A_301, %get3A_1055 : vector<16xf32>
        %mul3A_1057 = arith.constant 20 : i32
        %mul3A_1058 = arith.muli %scan3A_293, %mul3A_1057 : i32
        %add3A_1059 = arith.constant 17 : i32
        %add3A_1060 = arith.addi %mul3A_1058, %add3A_1059 : i32
        %get3A_1061 = arith.index_cast %add3A_1060 : i32 to index
        %get3A_1062 = arith.constant 48 : index
        %get3A_1063 = tpu.vector_load %arg16[%get3A_1061, %get3A_1062] {strides = array<i32>} : memref<640x64xf32, #tpu.memory_space<vmem>>, vector<16xf32>,
        %mul3A_1064 = arith.mulf %get3A_304, %get3A_1063 : vector<16xf32>
        %add3A_1065 = arith.addf %mul3A_1056, %mul3A_1064 : vector<16xf32>
        %add3A_1066 = arith.addf %add3A_1048, %add3A_1065 : vector<16xf32>
        %swap3A_1067 = arith.constant 32 : index
        %swap3A_1068 = tpu.vector_load %arg18[%swap3A_1067] {strides = array<i32>} : memref<256xf32, #tpu.memory_space<vmem>>, vector<16xf32>,
        tpu.vector_store %arg18[%swap3A_1067], %add3A_1066 {strides = array<i32>} : memref<256xf32, #tpu.memory_space<vmem>>, vector<16xf32>,
        %mul3A_1069 = arith.constant 20 : i32
        %mul3A_1070 = arith.muli %scan3A_293, %mul3A_1069 : i32
        %add3A_1071 = arith.constant 18 : i32
        %add3A_1072 = arith.addi %mul3A_1070, %add3A_1071 : i32
        %get3A_1073 = arith.index_cast %add3A_1072 : i32 to index
        %get3A_1074 = arith.constant 0 : index
        %get3A_1075 = tpu.vector_load %arg16[%get3A_1073, %get3A_1074] {strides = array<i32>} : memref<640x64xf32, #tpu.memory_space<vmem>>, vector<16xf32>,
        %mul3A_1076 = arith.mulf %get3A_295, %get3A_1075 : vector<16xf32>
        %mul3A_1077 = arith.constant 20 : i32
        %mul3A_1078 = arith.muli %scan3A_293, %mul3A_1077 : i32
        %add3A_1079 = arith.constant 18 : i32
        %add3A_1080 = arith.addi %mul3A_1078, %add3A_1079 : i32
        %get3A_1081 = arith.index_cast %add3A_1080 : i32 to index
        %get3A_1082 = arith.constant 16 : index
        %get3A_1083 = tpu.vector_load %arg16[%get3A_1081, %get3A_1082] {strides = array<i32>} : memref<640x64xf32, #tpu.memory_space<vmem>>, vector<16xf32>,
        %mul3A_1084 = arith.mulf %get3A_298, %get3A_1083 : vector<16xf32>
        %add3A_1085 = arith.addf %mul3A_1076, %mul3A_1084 : vector<16xf32>
        %mul3A_1086 = arith.constant 20 : i32
        %mul3A_1087 = arith.muli %scan3A_293, %mul3A_1086 : i32
        %add3A_1088 = arith.constant 18 : i32
        %add3A_1089 = arith.addi %mul3A_1087, %add3A_1088 : i32
        %get3A_1090 = arith.index_cast %add3A_1089 : i32 to index
        %get3A_1091 = arith.constant 32 : index
        %get3A_1092 = tpu.vector_load %arg16[%get3A_1090, %get3A_1091] {strides = array<i32>} : memref<640x64xf32, #tpu.memory_space<vmem>>, vector<16xf32>,
        %mul3A_1093 = arith.mulf %get3A_301, %get3A_1092 : vector<16xf32>
        %mul3A_1094 = arith.constant 20 : i32
        %mul3A_1095 = arith.muli %scan3A_293, %mul3A_1094 : i32
        %add3A_1096 = arith.constant 18 : i32
        %add3A_1097 = arith.addi %mul3A_1095, %add3A_1096 : i32
        %get3A_1098 = arith.index_cast %add3A_1097 : i32 to index
        %get3A_1099 = arith.constant 48 : index
        %get3A_1100 = tpu.vector_load %arg16[%get3A_1098, %get3A_1099] {strides = array<i32>} : memref<640x64xf32, #tpu.memory_space<vmem>>, vector<16xf32>,
        %mul3A_1101 = arith.mulf %get3A_304, %get3A_1100 : vector<16xf32>
        %add3A_1102 = arith.addf %mul3A_1093, %mul3A_1101 : vector<16xf32>
        %add3A_1103 = arith.addf %add3A_1085, %add3A_1102 : vector<16xf32>
        %swap3A_1104 = arith.constant 48 : index
        %swap3A_1105 = tpu.vector_load %arg18[%swap3A_1104] {strides = array<i32>} : memref<256xf32, #tpu.memory_space<vmem>>, vector<16xf32>,
        tpu.vector_store %arg18[%swap3A_1104], %add3A_1103 {strides = array<i32>} : memref<256xf32, #tpu.memory_space<vmem>>, vector<16xf32>,
        %mul3A_1106 = arith.constant 20 : i32
        %mul3A_1107 = arith.muli %scan3A_293, %mul3A_1106 : i32
        %add3A_1108 = arith.constant 19 : i32
        %add3A_1109 = arith.addi %mul3A_1107, %add3A_1108 : i32
        %get3A_1110 = arith.index_cast %add3A_1109 : i32 to index
        %get3A_1111 = arith.constant 0 : index
        %get3A_1112 = tpu.vector_load %arg16[%get3A_1110, %get3A_1111] {strides = array<i32>} : memref<640x64xf32, #tpu.memory_space<vmem>>, vector<16xf32>,
        %mul3A_1113 = arith.mulf %get3A_295, %get3A_1112 : vector<16xf32>
        %mul3A_1114 = arith.constant 20 : i32
        %mul3A_1115 = arith.muli %scan3A_293, %mul3A_1114 : i32
        %add3A_1116 = arith.constant 19 : i32
        %add3A_1117 = arith.addi %mul3A_1115, %add3A_1116 : i32
        %get3A_1118 = arith.index_cast %add3A_1117 : i32 to index
        %get3A_1119 = arith.constant 16 : index
        %get3A_1120 = tpu.vector_load %arg16[%get3A_1118, %get3A_1119] {strides = array<i32>} : memref<640x64xf32, #tpu.memory_space<vmem>>, vector<16xf32>,
        %mul3A_1121 = arith.mulf %get3A_298, %get3A_1120 : vector<16xf32>
        %add3A_1122 = arith.addf %mul3A_1113, %mul3A_1121 : vector<16xf32>
        %mul3A_1123 = arith.constant 20 : i32
        %mul3A_1124 = arith.muli %scan3A_293, %mul3A_1123 : i32
        %add3A_1125 = arith.constant 19 : i32
        %add3A_1126 = arith.addi %mul3A_1124, %add3A_1125 : i32
        %get3A_1127 = arith.index_cast %add3A_1126 : i32 to index
        %get3A_1128 = arith.constant 32 : index
        %get3A_1129 = tpu.vector_load %arg16[%get3A_1127, %get3A_1128] {strides = array<i32>} : memref<640x64xf32, #tpu.memory_space<vmem>>, vector<16xf32>,
        %mul3A_1130 = arith.mulf %get3A_301, %get3A_1129 : vector<16xf32>
        %mul3A_1131 = arith.constant 20 : i32
        %mul3A_1132 = arith.muli %scan3A_293, %mul3A_1131 : i32
        %add3A_1133 = arith.constant 19 : i32
        %add3A_1134 = arith.addi %mul3A_1132, %add3A_1133 : i32
        %get3A_1135 = arith.index_cast %add3A_1134 : i32 to index
        %get3A_1136 = arith.constant 48 : index
        %get3A_1137 = tpu.vector_load %arg16[%get3A_1135, %get3A_1136] {strides = array<i32>} : memref<640x64xf32, #tpu.memory_space<vmem>>, vector<16xf32>,
        %mul3A_1138 = arith.mulf %get3A_304, %get3A_1137 : vector<16xf32>
        %add3A_1139 = arith.addf %mul3A_1130, %mul3A_1138 : vector<16xf32>
        %add3A_1140 = arith.addf %add3A_1122, %add3A_1139 : vector<16xf32>
        %swap3A_1141 = arith.constant 64 : index
        %swap3A_1142 = tpu.vector_load %arg18[%swap3A_1141] {strides = array<i32>} : memref<256xf32, #tpu.memory_space<vmem>>, vector<16xf32>,
        tpu.vector_store %arg18[%swap3A_1141], %add3A_1140 {strides = array<i32>} : memref<256xf32, #tpu.memory_space<vmem>>, vector<16xf32>,
        %gather3A_1143 = tpu.vector_load_idx %arg18[%mul3A_5] : memref<256xf32, #tpu.memory_space<vmem>>[vector<16xi32>], vector<16xf32>,
        %add3A_1144 = arith.constant 1 : i32
        %add3A_1145 = vector.broadcast %add3A_1144 : i32 to vector<16xi32>
        %add3A_1146 = arith.addi %mul3A_5, %add3A_1145 : vector<16xi32>
        %gather3A_1147 = tpu.vector_load_idx %arg18[%add3A_1146] : memref<256xf32, #tpu.memory_space<vmem>>[vector<16xi32>], vector<16xf32>,
        %add3A_1148 = arith.addf %gather3A_1143, %gather3A_1147 : vector<16xf32>
        %add3A_1149 = arith.constant 2 : i32
        %add3A_1150 = vector.broadcast %add3A_1149 : i32 to vector<16xi32>
        %add3A_1151 = arith.addi %mul3A_5, %add3A_1150 : vector<16xi32>
        %gather3A_1152 = tpu.vector_load_idx %arg18[%add3A_1151] : memref<256xf32, #tpu.memory_space<vmem>>[vector<16xi32>], vector<16xf32>,
        %add3A_1153 = arith.addf %add3A_1148, %gather3A_1152 : vector<16xf32>
        %add3A_1154 = arith.constant 3 : i32
        %add3A_1155 = vector.broadcast %add3A_1154 : i32 to vector<16xi32>
        %add3A_1156 = arith.addi %mul3A_5, %add3A_1155 : vector<16xi32>
        %gather3A_1157 = tpu.vector_load_idx %arg18[%add3A_1156] : memref<256xf32, #tpu.memory_space<vmem>>[vector<16xi32>], vector<16xf32>,
        %add3A_1158 = arith.addf %add3A_1153, %gather3A_1157 : vector<16xf32>
        %add3A_1159 = arith.constant 4 : i32
        %add3A_1160 = vector.broadcast %add3A_1159 : i32 to vector<16xi32>
        %add3A_1161 = arith.addi %mul3A_5, %add3A_1160 : vector<16xi32>
        %gather3A_1162 = tpu.vector_load_idx %arg18[%add3A_1161] : memref<256xf32, #tpu.memory_space<vmem>>[vector<16xi32>], vector<16xf32>,
        %add3A_1163 = arith.addf %add3A_1158, %gather3A_1162 : vector<16xf32>
        %add3A_1164 = arith.constant 5 : i32
        %add3A_1165 = vector.broadcast %add3A_1164 : i32 to vector<16xi32>
        %add3A_1166 = arith.addi %mul3A_5, %add3A_1165 : vector<16xi32>
        %gather3A_1167 = tpu.vector_load_idx %arg18[%add3A_1166] : memref<256xf32, #tpu.memory_space<vmem>>[vector<16xi32>], vector<16xf32>,
        %add3A_1168 = arith.addf %add3A_1163, %gather3A_1167 : vector<16xf32>
        %add3A_1169 = arith.constant 6 : i32
        %add3A_1170 = vector.broadcast %add3A_1169 : i32 to vector<16xi32>
        %add3A_1171 = arith.addi %mul3A_5, %add3A_1170 : vector<16xi32>
        %gather3A_1172 = tpu.vector_load_idx %arg18[%add3A_1171] : memref<256xf32, #tpu.memory_space<vmem>>[vector<16xi32>], vector<16xf32>,
        %add3A_1173 = arith.addf %add3A_1168, %gather3A_1172 : vector<16xf32>
        %add3A_1174 = arith.constant 7 : i32
        %add3A_1175 = vector.broadcast %add3A_1174 : i32 to vector<16xi32>
        %add3A_1176 = arith.addi %mul3A_5, %add3A_1175 : vector<16xi32>
        %gather3A_1177 = tpu.vector_load_idx %arg18[%add3A_1176] : memref<256xf32, #tpu.memory_space<vmem>>[vector<16xi32>], vector<16xf32>,
        %add3A_1178 = arith.addf %add3A_1173, %gather3A_1177 : vector<16xf32>
        %add3A_1179 = arith.constant 8 : i32
        %add3A_1180 = vector.broadcast %add3A_1179 : i32 to vector<16xi32>
        %add3A_1181 = arith.addi %mul3A_5, %add3A_1180 : vector<16xi32>
        %gather3A_1182 = tpu.vector_load_idx %arg18[%add3A_1181] : memref<256xf32, #tpu.memory_space<vmem>>[vector<16xi32>], vector<16xf32>,
        %add3A_1183 = arith.addf %add3A_1178, %gather3A_1182 : vector<16xf32>
        %add3A_1184 = arith.constant 9 : i32
        %add3A_1185 = vector.broadcast %add3A_1184 : i32 to vector<16xi32>
        %add3A_1186 = arith.addi %mul3A_5, %add3A_1185 : vector<16xi32>
        %gather3A_1187 = tpu.vector_load_idx %arg18[%add3A_1186] : memref<256xf32, #tpu.memory_space<vmem>>[vector<16xi32>], vector<16xf32>,
        %add3A_1188 = arith.addf %add3A_1183, %gather3A_1187 : vector<16xf32>
        %add3A_1189 = arith.constant 10 : i32
        %add3A_1190 = vector.broadcast %add3A_1189 : i32 to vector<16xi32>
        %add3A_1191 = arith.addi %mul3A_5, %add3A_1190 : vector<16xi32>
        %gather3A_1192 = tpu.vector_load_idx %arg18[%add3A_1191] : memref<256xf32, #tpu.memory_space<vmem>>[vector<16xi32>], vector<16xf32>,
        %add3A_1193 = arith.addf %add3A_1188, %gather3A_1192 : vector<16xf32>
        %add3A_1194 = arith.constant 11 : i32
        %add3A_1195 = vector.broadcast %add3A_1194 : i32 to vector<16xi32>
        %add3A_1196 = arith.addi %mul3A_5, %add3A_1195 : vector<16xi32>
        %gather3A_1197 = tpu.vector_load_idx %arg18[%add3A_1196] : memref<256xf32, #tpu.memory_space<vmem>>[vector<16xi32>], vector<16xf32>,
        %add3A_1198 = arith.addf %add3A_1193, %gather3A_1197 : vector<16xf32>
        %add3A_1199 = arith.constant 12 : i32
        %add3A_1200 = vector.broadcast %add3A_1199 : i32 to vector<16xi32>
        %add3A_1201 = arith.addi %mul3A_5, %add3A_1200 : vector<16xi32>
        %gather3A_1202 = tpu.vector_load_idx %arg18[%add3A_1201] : memref<256xf32, #tpu.memory_space<vmem>>[vector<16xi32>], vector<16xf32>,
        %add3A_1203 = arith.addf %add3A_1198, %gather3A_1202 : vector<16xf32>
        %add3A_1204 = arith.constant 13 : i32
        %add3A_1205 = vector.broadcast %add3A_1204 : i32 to vector<16xi32>
        %add3A_1206 = arith.addi %mul3A_5, %add3A_1205 : vector<16xi32>
        %gather3A_1207 = tpu.vector_load_idx %arg18[%add3A_1206] : memref<256xf32, #tpu.memory_space<vmem>>[vector<16xi32>], vector<16xf32>,
        %add3A_1208 = arith.addf %add3A_1203, %gather3A_1207 : vector<16xf32>
        %add3A_1209 = arith.constant 14 : i32
        %add3A_1210 = vector.broadcast %add3A_1209 : i32 to vector<16xi32>
        %add3A_1211 = arith.addi %mul3A_5, %add3A_1210 : vector<16xi32>
        %gather3A_1212 = tpu.vector_load_idx %arg18[%add3A_1211] : memref<256xf32, #tpu.memory_space<vmem>>[vector<16xi32>], vector<16xf32>,
        %add3A_1213 = arith.addf %add3A_1208, %gather3A_1212 : vector<16xf32>
        %add3A_1214 = arith.constant 15 : i32
        %add3A_1215 = vector.broadcast %add3A_1214 : i32 to vector<16xi32>
        %add3A_1216 = arith.addi %mul3A_5, %add3A_1215 : vector<16xi32>
        %gather3A_1217 = tpu.vector_load_idx %arg18[%add3A_1216] : memref<256xf32, #tpu.memory_space<vmem>>[vector<16xi32>], vector<16xf32>,
        %add3A_1218 = arith.addf %add3A_1213, %gather3A_1217 : vector<16xf32>
        %swap3A_1219 = arith.index_cast %scan3A_293 : i32 to index
        %swap3A_1220 = arith.constant 16 : index
        %swap3A_1221 = tpu.vector_load %arg17[%swap3A_1219, %swap3A_1220] {strides = array<i32>} : memref<32x32xf32, #tpu.memory_space<vmem>>, vector<16xf32>,
        tpu.vector_store %arg17[%swap3A_1219, %swap3A_1220], %add3A_1218 {strides = array<i32>} : memref<32x32xf32, #tpu.memory_space<vmem>>, vector<16xf32>,
      }
      %scan3A_292 = arith.constant 32 : i32
      "tpu.region"() ({
        %run_scoped3A = tpu.sem_alloc : memref<!tpu.dma_semaphore, #tpu.memory_space<semaphore_mem>>
        %dma_start3A_293 = arith.constant 0 : i32
        %dma_start3A_294 = tpu.memref_slice %arg7[%add3A_286, %dma_start3A_293] : memref<16384x32xf32, #tpu.memory_space<hbm>> -> memref<32x32xf32, #tpu.memory_space<hbm>>
        %dma_start3A_295 = arith.constant 0 : i32
        %dma_start3A_296 = tpu.memref_slice %arg7[%add3A_286, %dma_start3A_295] : memref<16384x32xf32, #tpu.memory_space<hbm>> -> memref<32x32xf32, #tpu.memory_space<hbm>>
        tpu.enqueue_dma source(%arg17 : memref<32x32xf32, #tpu.memory_space<vmem>>) target(%dma_start3A_296 : memref<32x32xf32, #tpu.memory_space<hbm>>) target_semaphore(%run_scoped3A : memref<!tpu.dma_semaphore, #tpu.memory_space<semaphore_mem>>)
        %dma_wait3A_297 = arith.constant 0 : i32
        %dma_wait3A_298 = tpu.memref_slice %arg7[%add3A_286, %dma_wait3A_297] : memref<16384x32xf32, #tpu.memory_space<hbm>> -> memref<32x32xf32, #tpu.memory_space<hbm>>
        %dma_wait3A_299 = arith.constant 0 : i32
        %dma_wait3A_300 = tpu.memref_slice %arg7[%add3A_286, %dma_wait3A_299] : memref<16384x32xf32, #tpu.memory_space<hbm>> -> memref<32x32xf32, #tpu.memory_space<hbm>>
        tpu.wait_dma2 semaphore(%run_scoped3A : memref<!tpu.dma_semaphore, #tpu.memory_space<semaphore_mem>>) src(%arg17 : memref<32x32xf32, #tpu.memory_space<vmem>>) dst(%dma_wait3A_300 : memref<32x32xf32, #tpu.memory_space<hbm>>)
        tpu.yield
      }) : () -> ()
    }
    %scan3A_61 = arith.constant 8 : i32
    return
  }
}

module attributes {stable_mosaic.version = 14 : i64} {
  func.func @_tc_loss_kernel(%arg0: memref<4096x128xf32, #tpu.memory_space<vmem>>, %arg1: memref<1x1xf32, #tpu.memory_space<smem>>) attributes {dimension_semantics = [], scalar_prefetch = 0 : i64, scratch_operands = 0 : i64, tpu.core_type = #tpu.core_type<tc>} {
    %get3A = arith.constant 0 : index
    %get3A_0 = arith.constant 0 : index
    %get3A_1 = vector.load %arg0[%get3A, %get3A_0] : memref<4096x128xf32, #tpu.memory_space<vmem>>, vector<4096x128xf32>
    %iota3A = tpu.iota {dimensions = array<i32: 1>} : vector<4096x128xi32>
    %jit3A = arith.constant 32 : i32
    %eq3A = arith.constant 0 : i32
    %eq3A_2 = arith.cmpi eq, %jit3A, %eq3A : i32
    %jit3A_3 = arith.constant 1 : i32
    %select_n3A = arith.select %eq3A_2, %jit3A_3, %jit3A : i32
    %rem3A = vector.broadcast %select_n3A : i32 to vector<4096x128xi32>
    %rem3A_4 = arith.remsi %iota3A, %rem3A : vector<4096x128xi32>
    %ne3A = arith.constant 0 : i32
    %ne3A_5 = vector.broadcast %ne3A : i32 to vector<4096x128xi32>
    %ne3A_6 = arith.cmpi ne, %rem3A_4, %ne3A_5 : vector<4096x128xi32>
    %lt3A = arith.constant 0 : i32
    %lt3A_7 = vector.broadcast %lt3A : i32 to vector<4096x128xi32>
    %lt3A_8 = arith.cmpi slt, %rem3A_4, %lt3A_7 : vector<4096x128xi32>
    %lt3A_9 = arith.constant 0 : i32
    %lt3A_10 = arith.cmpi slt, %select_n3A, %lt3A_9 : i32
    %ne3A_11 = vector.broadcast %lt3A_10 : i1 to vector<4096x128xi1>
    %ne3A_12 = vector.broadcast %ne3A_11 : vector<4096x128xi1> to vector<4096x128xi1>
    %ne3A_13 = arith.xori %lt3A_8, %ne3A_12 : vector<4096x128xi1>
    %and3A = arith.andi %ne3A_13, %ne3A_6 : vector<4096x128xi1>
    %add3A = vector.broadcast %select_n3A : i32 to vector<4096x128xi32>
    %add3A_14 = arith.addi %rem3A_4, %add3A : vector<4096x128xi32>
    %select_n3A_15 = arith.select %and3A, %add3A_14, %rem3A_4 : vector<4096x128xi1>, vector<4096x128xi32>
    %eq3A_16 = arith.constant 0 : i32
    %eq3A_17 = vector.broadcast %eq3A_16 : i32 to vector<4096x128xi32>
    %eq3A_18 = arith.cmpi eq, %select_n3A_15, %eq3A_17 : vector<4096x128xi32>
    %neg3A = arith.constant 0.000000e+00 : f32
    %neg3A_19 = vector.broadcast %neg3A : f32 to vector<4096x128xf32>
    %neg3A_20 = arith.subf %neg3A_19, %get3A_1 : vector<4096x128xf32>
    %select_n3A_21 = arith.select %eq3A_18, %get3A_1, %neg3A_20 : vector<4096x128xi1>, vector<4096x128xf32>
    %min3A = arith.constant 0.000000e+00 : f32
    %min3A_22 = vector.broadcast %min3A : f32 to vector<4096x128xf32>
    %min3A_23 = arith.minimumf %select_n3A_21, %min3A_22 : vector<4096x128xf32>
    %abs3A = math.absf %select_n3A_21 : vector<4096x128xf32>
    %neg3A_24 = arith.constant 0.000000e+00 : f32
    %neg3A_25 = vector.broadcast %neg3A_24 : f32 to vector<4096x128xf32>
    %neg3A_26 = arith.subf %neg3A_25, %abs3A : vector<4096x128xf32>
    %exp3A = math.exp %neg3A_26 : vector<4096x128xf32>
    %log1p3A = math.log1p %exp3A : vector<4096x128xf32>
    %sub3A = arith.subf %min3A_23, %log1p3A : vector<4096x128xf32>
    %lt3A_27 = arith.constant 21 : i32
    %lt3A_28 = vector.broadcast %lt3A_27 : i32 to vector<4096x128xi32>
    %lt3A_29 = arith.cmpi slt, %select_n3A_15, %lt3A_28 : vector<4096x128xi32>
    %jit3A_30 = arith.constant 0.000000e+00 : f32
    %broadcast_in_dim3A = vector.broadcast %jit3A_30 : f32 to vector<4096x128xf32>
    %select_n3A_31 = arith.select %lt3A_29, %sub3A, %broadcast_in_dim3A : vector<4096x128xi1>, vector<4096x128xf32>
    %reduce_sum3A = vector.shape_cast %select_n3A_31 : vector<4096x128xf32> to vector<1x4096x128xf32>
    %reduce_sum3A_32 = arith.constant dense<0.000000e+00> : vector<1xf32>
    %reduce_sum3A_33 = vector.multi_reduction <add>, %reduce_sum3A, %reduce_sum3A_32 [1, 2] : vector<1x4096x128xf32> to vector<1xf32>
    %reduce_sum3A_34 = vector.shape_cast %reduce_sum3A_33 : vector<1xf32> to vector<1x1x1xf32>
    %reduce_sum3A_35 = vector.extract %reduce_sum3A_34[0, 0, 0] : f32 from vector<1x1x1xf32>
    %neg3A_36 = arith.constant 0.000000e+00 : f32
    %neg3A_37 = arith.subf %neg3A_36, %reduce_sum3A_35 : f32
    %div3A = arith.constant 1.638400e+04 : f32
    %div3A_38 = arith.divf %neg3A_37, %div3A : f32
    %swap3A = arith.constant 0 : index
    %swap3A_39 = arith.constant 0 : index
    %swap3A_40 = memref.load %arg1[%swap3A, %swap3A_39] : memref<1x1xf32, #tpu.memory_space<smem>>
    memref.store %div3A_38, %arg1[%swap3A, %swap3A_39] : memref<1x1xf32, #tpu.memory_space<smem>>
    return
  }
}

</mosaic_0001>

<sc_bundles>
// kernel: kernel.4.cloned.1.call-start
scs
__scs_entry_jumppad:
0x0: {  	(pc) =	sbr.rel $0x88, $3  }
0x1: {  	(tag) =	ssettag $0x0;
	lr =	simm.s32 $0x1  }
0x2: {  	[smem:$0x3F9C] =	sst lr;
	_ =	strace $0xD0000000  }
0x3: {  	_ = 	snop  }
0x4: {  	_ = 	snop  }
0x5: {  	_ = 	snop  }
0x6: {  	_ = 	snop  }
0x7: {  	_ = 	snop  }
__scs_overlays_trampoline_lowered:
0x8: {  	[smem:$0x3FAB] =	sst s0  }
0x9: {  	[smem:$0x3FAC] =	sst s1  }
0xa: {  	[smem:$0x3FAD] =	sst s2  }
0xb: {  	[smem:$0x3FAE] =	sst s3  }
0xc: {  	[smem:$0x3FAF] =	sst s4  }
0xd: {  	[smem:$0x3FB0] =	sst s5  }
0xe: {  	[smem:$0x3FB1] =	sst s6  }
0xf: {  	[smem:$0x3FB2] =	sst s7  }
0x10: {  	[smem:$0x3FB3] =	sst s8  }
0x11: {  	[smem:$0x3FB4] =	sst s9;
	s0 =	simm.s32 @!p0 $0x0  }
0x12: {  	s1 =	sld [smem:$0x3F9A];
	s0 =	simm.s32 @p0 $0x1  }
0x13: {  	[smem:$0x3FB5] =	sst s0;
	s0 =	simm.s32 @!p1 $0x0  }
0x14: {  	s2 =	sld [smem:$0x3F99];
	s0 =	simm.s32 @p1 $0x1  }
0x15: {  	[smem:$0x3FB6] =	sst s0;
	s0 =	simm.s32 @!p2 $0x0  }
0x16: {  	s3 =	sld [smem:$0x3FDB];
	s0 =	simm.s32 @p2 $0x1  }
0x17: {  	s4 =	simm.s32 $0x1BF5;
	[smem:$0x3FB8] =	sst s0  }
0x18: {  	s0 =	sld [smem:$0x3F9B];
	_ =	swait.ge [sflag:s4], $0x0  }
0x19: {  	s7 =	sld [smem:$0x3F9C]  }
0x1a: {  	s8 =	sadd.s32 $0xFFFFE003, lr  }
0x1b: {  	s9 =	sadd.s32 $0xFFFFFEF7, lr;
	s5 =	simm.s32 $0xFFFFFFFF;
	p2 =	slt.u32 s8, $0xFFFFF086  }
0x1c: {  	p1 =	slt.u32 s9, $0xF7A;
	s5 =	simm.s32 @!p2 $0x0  }
0x1d: {  	s5 =	simm.s32 @p1 $0x1;
	p0 =	seq.s32 s7, s2  }
0x1e: {  	s7 =	smul.u32 @!p0 $0xF7A, s2;
	p2 =	seq.s32 @!p0 s5, $0x0  }
0x1f: {  	s9 =	smul.u32 $0xF7A, s1;
	s8 =	simm.s32 @!p0 $0x1BF5;
	p2 =	por !p2, p0  }
0x20: {  	[sflag:s8] =	ssyncset.s32 @!p0 $0xFFFFF086;
	s6 =	sadd.s32 @!p0 s3, s7;
	s7 =	simm.s32 @!p0 $0x108  }
0x21: {  	s3 =	sadd.s32 s3, s9;
	s6 =	sadd.s32 @!p0 $0x88, s6;
	s7 =	simm.s32 @p2 $0x1082  }
0x22: {  	[simem:s7], [sflag:s8] =	dma.local @!p0 [hbm:s6], $0xF7A  }
0x23: {  	s9 =	sor.u32 $0xD0000000, s2;
	s6 =	simm.s32 $0x108;
	_ =	swait.ge @!p0 [sflag:s8], $0x0  }
0x24: {  	s3 =	sadd.s32 $0x88, s3;
	s6 =	simm.s32 @!p1 $0x1082;
	[sflag:s4] =	ssyncset.s32 $0xFFFFF086  }
0x25: {  	[simem:s6], [sflag:s4] =	dma.local [hbm:s3], $0xF7A  }
0x26: {  	[smem:$0x3F9C] =	sst s1;
	(tag) =	ssettag s2;
	_ =	strace s9  }
0x27: {  	s1 =	sld [smem:$0x3FAC]  }
0x28: {  	s2 =	sld [smem:$0x3FAD]  }
0x29: {  	s4 =	sld [smem:$0x3FAF]  }
0x2a: {  	p0 =	seq.s32 s5, $0x0;
	s5 =	sld [smem:$0x3FB0]  }
0x2b: {  	s6 =	sld [smem:$0x3FB1]  }
0x2c: {  	s7 =	sld [smem:$0x3FB2]  }
0x2d: {  	s3 =	simm.s32 $0x108;
	s8 =	sld [smem:$0x3FB3]  }
0x2e: {  	s3 =	simm.s32 @!p0 $0x1082;
	s9 =	sld [smem:$0x3FB4]  }
0x2f: {  	lr =	sadd.s32 s0, s3;
	s0 =	sld [smem:$0x3FAB]  }
0x30: {  	s3 =	sld [smem:$0x3FAE]  }
0x31: {  	[smem:$0x3FB7] =	sst s10  }
0x32: {  	s10 =	sld [smem:$0x3FB5];
	_ =	sdelay $0x3  }
0x33: {  	p0 =	seq.s32 s10, $0x1;
	s10 =	sld [smem:$0x3FB7];
	_ =	sdelay $0x3  }
0x34: {  	[smem:$0x3FB7] =	sst s10  }
0x35: {  	s10 =	sld [smem:$0x3FB6];
	_ =	sdelay $0x3  }
0x36: {  	p1 =	seq.s32 s10, $0x1;
	s10 =	sld [smem:$0x3FB7];
	_ =	sdelay $0x3  }
0x37: {  	[smem:$0x3FB7] =	sst s10  }
0x38: {  	s10 =	sld [smem:$0x3FB8]  }
0x39: {  	_ = 	snop;
	(pc) =	sbr.ind lr, $3  }
0x3a: {  	_ = 	snop  }
0x3b: {  	_ = 	snop  }
0x3c: {  	p2 =	seq.s32 s10, $0x1;
	s10 =	sld [smem:$0x3FB7]  }
0x3d: {  	_ =	shalt  }
0x3e: {  	_ =	shalt  }
0x3f: {  	_ =	shalt  }
0x40: {  	_ =	shalt  }
0x41: {  	_ =	shalt  }
0x42: {  	_ =	shalt  }
0x43: {  	_ =	shalt  }
0x44: {  	_ =	shalt  }
0x45: {  	_ =	shalt  }
0x46: {  	_ =	shalt  }
0x47: {  	_ =	shalt  }
0x48: {  	_ =	shalt  }
0x49: {  	_ =	shalt  }
0x4a: {  	_ =	shalt  }
0x4b: {  	_ =	shalt  }
0x4c: {  	_ =	shalt  }
0x4d: {  	_ =	shalt  }
0x4e: {  	_ =	shalt  }
0x4f: {  	_ =	shalt  }
0x50: {  	_ =	shalt  }
0x51: {  	_ =	shalt  }
0x52: {  	_ =	shalt  }
0x53: {  	_ =	shalt  }
0x54: {  	_ =	shalt  }
0x55: {  	_ =	shalt  }
0x56: {  	_ =	shalt  }
0x57: {  	_ =	shalt  }
0x58: {  	_ =	shalt  }
0x59: {  	_ =	shalt  }
0x5a: {  	_ =	shalt  }
0x5b: {  	_ =	shalt  }
0x5c: {  	_ =	shalt  }
0x5d: {  	_ =	shalt  }
0x5e: {  	_ =	shalt  }
0x5f: {  	_ =	shalt  }
0x60: {  	_ =	shalt  }
0x61: {  	_ =	shalt  }
0x62: {  	_ =	shalt  }
0x63: {  	_ =	shalt  }
0x64: {  	_ =	shalt  }
0x65: {  	_ =	shalt  }
0x66: {  	_ =	shalt  }
0x67: {  	_ =	shalt  }
0x68: {  	_ =	shalt  }
0x69: {  	_ =	shalt  }
0x6a: {  	_ =	shalt  }
0x6b: {  	_ =	shalt  }
0x6c: {  	_ =	shalt  }
0x6d: {  	_ =	shalt  }
0x6e: {  	_ =	shalt  }
0x6f: {  	_ =	shalt  }
0x70: {  	_ =	shalt  }
0x71: {  	_ =	shalt  }
0x72: {  	_ =	shalt  }
0x73: {  	_ =	shalt  }
0x74: {  	_ =	shalt  }
0x75: {  	_ =	shalt  }
0x76: {  	_ =	shalt  }
0x77: {  	_ =	shalt  }
0x78: {  	_ =	shalt  }
0x79: {  	_ =	shalt  }
0x7a: {  	_ =	shalt  }
0x7b: {  	_ =	shalt  }
0x7c: {  	_ =	shalt  }
0x7d: {  	_ =	shalt  }
0x7e: {  	_ =	shalt  }
0x7f: {  	_ =	shalt  }
0x80: {  	_ =	shalt  }
0x81: {  	_ =	shalt  }
0x82: {  	_ =	shalt  }
0x83: {  	_ =	shalt  }
0x84: {  	_ =	shalt  }
0x85: {  	_ =	shalt  }
0x86: {  	_ =	shalt  }
0x87: {  	_ =	shalt  }
.Lfunc_end0:
.L_simem_size_0:
called_computation_lowered:
.L_overlay_start_0:
0x88: {  	s2 =	sld [smem:$0x3FD9]  }
0x89: {  	s3 =	sld [smem:$0x3FFE];
	_ =	sdelay $0x1  }
0x8a: {  	s1 =	srdreg.scid  }
0x8b: {  	s0 =	sand.u32 $0x1, s1  }
0x8c: {  	s17 =	sshll.u32 s0, $0xA;
	s2 =	sadd.s32 s3, s2  }
0x8d: {  	s2 =	sadd.s32 s2, s17  }
0x8e: {  	[smem:$0x3FC3] =	sst s2  }
0x8f: {  	_ = 	snop  }
0x90: {  	s2 =	sld [smem:$0x3FC9]  }
0x91: {  	s18 =	sld [smem:$0x3FC8];
	(tm) =	ssettm $0x1  }
0x92: {  	s4 =	sld [smem:$0x3FFB];
	_ =	sdelay $0x3  }
0x93: {  	_ =	strace s4  }
0x94: {  	s4 =	sld [smem:$0x3FFC];
	_ =	sdelay $0x3  }
0x95: {  	_ =	strace s4  }
0x96: {  	s4 =	sld [smem:$0x3FFD];
	_ =	sdelay $0x3  }
0x97: {  	_ =	strace s4  }
0x98: {  	_ =	strace $0x8FFFFFFF  }
0x99: {  	s19 =	sld [smem:$0x3FDB];
	_ =	sdelay $0x1  }
0x9a: {  	s5 =	simm.s32 $_scs_section_size  }
0x9b: {  	s6 =	simm.s32 $_size__tile_overlayer_lowered;
	s7 =	simm.s32 $_tile_overlayer_lowered  }
0x9c: {  	s22 =	simm.s32 $0x1BFF;
	s21 =	sshll.u32 s7, $0x1;
	s4 =	sadd.s32 s5, s19  }
0x9d: {  	s8 =	simm.s32 $0x0;
	s20 =	sshll.u32 s6, $0x1;
	s6 =	sadd.s32 s21, s4  }
0x9e: {  	[timem:s8], [sflag:s22] =	dma.local [hbm:s6], s20  }
0x9f: {  	_ =	swait.ge [sflag:s22], s20  }
0xa0: {  	s5 =	ssub.s32 $0x0, s20;
	[sflag:s22] =	ssyncset.done $0x0  }
0xa1: {  	[sflag:s22] =	ssyncadd.s32 s5;
	_ =	sdelay $0x1  }
0xa2: {  	s23 =	simm.s32 $0x1B8B  }
0xa3: {  	_ =	swait.ge [sflag:s23], $0x1  }
0xa4: {  	[sflag:s23] =	ssyncset.done $0x0  }
0xa5: {  	s25 =	simm.s32 $0x1B8E;
	s24 =	sld [smem:$0x3FFE];
	[sflag:s23] =	ssyncadd.s32 $0xFFFFFFFF  }
0xa6: {  	s26 =	simm.s32 $execute0_lowered;
	[smem:$0x3FD2] =	sst s25  }
0xa7: {  	s6 =	sshll.u32 s26, $0x1;
	_ =	strace $0x80000046;
	[dreg:$0x1] =	wrdreg $0xFFFFFFFF  }
0xa8: {  	s28 =	simm.s32 $_size_execute0_lowered;
	s4 =	sadd.s32 s4, s6;
	[dreg:$0x0] =	wrdreg $0x0  }
0xa9: {  	s6 =	sshll.u32 s28, $0x1;
	[dreg:$0x2] =	wrdreg s4  }
0xaa: {  	[dreg:$0x3] =	wrdreg s6  }
0xab: {  	[dreg:$0x4] =	wrdreg $0xC0  }
0xac: {  	_ =	task [dreg:s8], $0x5FFFF  }
0xad: {  	[dreg:$0x1] =	wrdreg $0xFFFFFFFF  }
0xae: {  	[dreg:$0x0] =	wrdreg $0x60  }
0xaf: {  	[dreg:$0x2] =	wrdreg s2  }
0xb0: {  	[dreg:$0x3] =	wrdreg s18  }
0xb1: {  	[dreg:$0x4] =	wrdreg s24  }
0xb2: {  	[dreg:$0x5] =	wrdreg $0x9  }
0xb3: {  	_ =	task.clear_ibuf [dreg:s8], $0x6FFFF;
	_ =	strace $0x90000046  }
0xb4: {  	s29 =	simm.s32 $0x9;
	_ =	strace $0x80000048  }
0xb5: {  	_ =	swait.ge [sflag:s29], $0x1  }
0xb6: {  	[sflag:s29] =	ssyncadd.s32 $0xFFFFFFFF  }
0xb7: {  	_ =	strace $0x90000048  }
0xb8: {  	_ =	sfence  }
0xb9: {  	s30 =	sld [smem:$0x0];
	_ =	sdelay $0x2  }
0xba: {  	s31 =	sshll.u32 s1, $0xD;
	s1 =	sshrl.u32 s1, $0x2  }
0xbb: {  	s3 =	sand.u32 $0x4000, s31;
	s1 =	sadd.s32 s1, s30  }
0xbc: {  	s0 =	sor.u32 s3, s0;
	s1 =	sshll.u32 s1, $0x11  }
0xbd: {  	s0 =	sor.u32 s1, s0  }
0xbe: {  	s0 =	sadd.s32 $0x8F2B, s0  }
0xbf: {  	[sflag:s0] =	ssyncadd.remote.s32 $0x1  }
0xc0: {  	_ =	sfence.sel $0xFFFF  }
0xc1: {  	[dreg:$0x0] =	wrdreg $0xFFFFFFFF;
	(pc) =	sbr.abs _section_cstart, $3  }
0xc2: {  	[dreg:$0x1] =	wrdreg $0xFFFFFFFF  }
0xc3: {  	_ =	task.clear_ibuf [dreg:s8], $0x2FFFF;
	_ =	strace $0x9FFFFFFF  }
0xc4: {  	(tm) =	ssettm $0x7FFFFFFF  }
0xc5: {  	_ =	shalt  }
tec
execute0_lowered:
.L_overlay_start_1:
0x0: {  	(tag) =	ssettag $0x1  }
0x1: {  	s0 =	rddreg [dreg:$0x0]  }
0x2: {  	s1 =	rddreg [dreg:$0x1];
	s2 =	srdreg.scid  }
0x3: {  	s3 =	stileid.u32;
	s5 =	rddreg [dreg:$0x2];
	s12 =	simm.s32 $0x400  }
0x4: {  	s13 =	simm.s32 $0x20;
	s16 =	simm.s32 $0x80;
	s26 =	simm.s32 $0x3400  }
0x5: {  	s28 =	simm.s32 $0x4400;
	s29 =	simm.s32 $0xEC00;
	s30 =	simm.s32 $0x10C00  }
0x6: {  	s31 =	simm.s32 $0x12C00;
	s14 =	simm.s32 $0x1;
	s15 =	simm.s32 $0x19000  }
0x7: {  	s17 =	simm.s32 $0x18C00;
	s4 =	sand.u32 $0x1, s2;
	s3 =	sshll.u32 s3, $0x1  }
0x8: {  	v0 =	vlaneseq.u32;
	s18 =	simm.s32 $0x2;
	s2 =	simm.s32 $0x0;
	s6 =	sor.u32 s4, s3  }
0x9: {  	v0 =	vmul.u32 $0x10, v0;
	[smem:$0x7FF] =	sst s2;
	s8 =	ssub.s32 $0x2, s4;
	s4 =	sadd.s32 $0xF42E00, s5  }
0xa: {  	s19 =	simm.s32 $0x0;
	s3 =	smul.u32 $0x500, s6;
	_ =	strace $0x80000047  }
0xb: {  	s9 =	sshll.u32 s6, $0xB;
	s10 =	sshrl.u32 s8, $0x1;
	s6 =	sshll.u32 s6, $0x6;
	v1 =	vor.u32 $0x1, v0;
	v2 =	vor.u32 $0x2, v0;
	v3 =	vor.u32 $0x3, v0  }
0xc: {  	v4 =	vor.u32 $0x4, v0;
	v5 =	vor.u32 $0x5, v0;
	v6 =	vor.u32 $0x6, v0;
	s9 =	sadd.s32 s9, s5;
	s10 =	ssub.s32 s8, s10;
	s7 =	sadd.s32 s3, s5  }
0xd: {  	v7 =	vor.u32 $0x7, v0;
	v8 =	vor.u32 $0x8, v0;
	v9 =	vor.u32 $0x9, v0;
	s3 =	sadd.s32 $0x16E4200, s5;
	s5 =	sadd.s32 s0, s6;
	s6 =	sadd.s32 s1, s6  }
0xe: {  	v10 =	vor.u32 $0xA, v0;
	v11 =	vor.u32 $0xB, v0;
	v12 =	vor.u32 $0xC, v0;
	s8 =	sadd.s32 $0xA800, s9;
	s9 =	smax.u32 s10, $0x1;
	s10 =	simm.s32 $0x3  }
0xf: {  	v13 =	vor.u32 $0xD, v0;
	v14 =	vor.u32 $0xE, v0;
	v15 =	vor.u32 $0xF, v0;
	s1 =	simm.s32 $0x14C00;
	s0 =	simm.s32 $0x16C00;
	s7 =	sadd.s32 $0x800, s7  }
.LBB2_1:
0x10: {  	[tilespmem:s2], [sflag:$0x3] =	stream.linear.gather [hbm4b:s5+s2], $0x200, $0x38;
	[tilespmem:$0x19100] =	vst v63  }
0x11: {  	_ =	swait.ge [sflag:s10], $0x200  }
0x12: {  	[sflag:s10] =	ssyncset.done $0x0  }
0x13: {  	s11 =	simm.s32 $0x200;
	[sflag:s10] =	ssyncadd.s32 $0xFFFFFE00  }
0x14: {  	[tilespmem:s11], [sflag:$0x3] =	stream.linear.gather [hbm4b:s6+s2], $0x200, $0x38;
	[tilespmem:$0x19100] =	vst v63  }
0x15: {  	_ =	swait.ge [sflag:s10], $0x200  }
0x16: {  	[sflag:s10] =	ssyncset.done $0x0  }
0x17: {  	[sflag:s10] =	ssyncadd.s32 $0xFFFFFE00  }
0x18: {  	[tilespmem:s12], [sflag:$0x3] =	stream.linear.gather [hbm4b:s7+s2], $0x2800, $0x38;
	[tilespmem:$0x19100] =	vst v63  }
0x19: {  	_ =	swait.ge [sflag:s10], $0x2800  }
0x1a: {  	[sflag:s10] =	ssyncset.done $0x0  }
0x1b: {  	s20 =	simm.s32 $0x2C00;
	[sflag:s10] =	ssyncadd.s32 $0xFFFFD800  }
0x1c: {  	[tilespmem:s20], [sflag:$0x1] =	stream.indirect.gather [hbm4b:s3+s13], $0x40, s2, s13, $0xb8;
	[tilespmem:$0x19100] =	vst v63  }
0x1d: {  	s22 =	simm.s32 $0x3C00  }
0x1e: {  	[tilespmem:s22], [sflag:$0x1] =	stream.indirect.gather [hbm4b:s4+s13], $0x40, s11, s13, $0xb8;
	[tilespmem:$0x19100] =	vst v63  }
0x1f: {  	s23 =	simm.s32 $0x4C00  }
0x20: {  	[tilespmem:s23], [sflag:$0x1] =	stream.indirect.gather [hbm4b:s4+s16], $0x40, s12, s16, $0xb8;
	[tilespmem:$0x19100] =	vst v63  }
0x21: {  	s24 =	simm.s32 $0x480;
	s25 =	simm.s32 $0x6C00  }
0x22: {  	[tilespmem:s25], [sflag:$0x1] =	stream.indirect.gather [hbm4b:s4+s16], $0x40, s24, s16, $0xb8;
	[tilespmem:$0x19100] =	vst v63  }
0x23: {  	s21 =	simm.s32 $0x8C00;
	s20 =	simm.s32 $0x500  }
0x24: {  	[tilespmem:s21], [sflag:$0x1] =	stream.indirect.gather [hbm4b:s4+s16], $0x40, s20, s16, $0xb8;
	[tilespmem:$0x19100] =	vst v63  }
0x25: {  	s22 =	simm.s32 $0x580;
	s23 =	simm.s32 $0xAC00  }
0x26: {  	[tilespmem:s23], [sflag:$0x1] =	stream.indirect.gather [hbm4b:s4+s16], $0x40, s22, s16, $0xb8;
	[tilespmem:$0x19100] =	vst v63  }
0x27: {  	s24 =	simm.s32 $0x600;
	s25 =	simm.s32 $0xCC00;
	s20 =	simm.s32 $0x0  }
0x28: {  	[tilespmem:s25], [sflag:$0x1] =	stream.indirect.gather [hbm4b:s4+s16], $0x40, s24, s16, $0xb8;
	[tilespmem:$0x19100] =	vst v63  }
.LBB2_2:
0x29: {  	s21 =	sshllo.u32 s20, $0x1  }
0x2a: {  	s22 =	sshll.u32 s21, $0x5  }
0x2b: {  	[tilespmem:s26], [sflag:$0x2] =	stream.indirect.gather [hbm4b:s3+s13], $0x40, s22, s13, $0xb8;
	[tilespmem:$0x19100] =	vst v63  }
0x2c: {  	s23 =	smul.u32 $0xA00, s21;
	s22 =	sadd.s32 $0x200, s22  }
0x2d: {  	[tilespmem:s28], [sflag:$0x2] =	stream.indirect.gather [hbm4b:s4+s13], $0x40, s22, s13, $0xb8;
	[tilespmem:$0x19100] =	vst v63  }
0x2e: {  	s22 =	sshra.s32 s23, $0x2  }
0x2f: {  	s23 =	sadd.s32 $0x400, s22  }
0x30: {  	[tilespmem:s29], [sflag:$0x2] =	stream.indirect.gather [hbm4b:s4+s16], $0x40, s23, s16, $0xb8;
	[tilespmem:$0x19100] =	vst v63  }
0x31: {  	s11 =	sadd.s32 $0x480, s22  }
0x32: {  	[tilespmem:s30], [sflag:$0x2] =	stream.indirect.gather [hbm4b:s4+s16], $0x40, s11, s16, $0xb8;
	[tilespmem:$0x19100] =	vst v63  }
0x33: {  	s24 =	sadd.s32 $0x500, s22  }
0x34: {  	[tilespmem:s31], [sflag:$0x2] =	stream.indirect.gather [hbm4b:s4+s16], $0x40, s24, s16, $0xb8;
	[tilespmem:$0x19100] =	vst v63  }
0x35: {  	s25 =	sadd.s32 $0x580, s22  }
0x36: {  	[tilespmem:s1], [sflag:$0x2] =	stream.indirect.gather [hbm4b:s4+s16], $0x40, s25, s16, $0xb8;
	[tilespmem:$0x19100] =	vst v63  }
0x37: {  	s22 =	sadd.s32 $0x600, s22  }
0x38: {  	[tilespmem:s0], [sflag:$0x2] =	stream.indirect.gather [hbm4b:s4+s16], $0x40, s22, s16, $0xb8;
	[tilespmem:$0x19100] =	vst v63  }
0x39: {  	_ =	swait.ge [sflag:s14], $0x800  }
0x3a: {  	[sflag:s14] =	ssyncset.done $0x0  }
0x3b: {  	[sflag:s14] =	ssyncadd.s32 $0xFFFFF800  }
0x3c: {  	_ =	swait.ge [sflag:s14], $0x800  }
0x3d: {  	[sflag:s14] =	ssyncset.done $0x0  }
0x3e: {  	[sflag:s14] =	ssyncadd.s32 $0xFFFFF800  }
0x3f: {  	_ =	swait.ge [sflag:s14], $0x2000  }
0x40: {  	[sflag:s14] =	ssyncset.done $0x0  }
0x41: {  	[sflag:s14] =	ssyncadd.s32 $0xFFFFE000  }
0x42: {  	_ =	swait.ge [sflag:s14], $0x2000  }
0x43: {  	[sflag:s14] =	ssyncset.done $0x0  }
0x44: {  	[sflag:s14] =	ssyncadd.s32 $0xFFFFE000  }
0x45: {  	_ =	swait.ge [sflag:s14], $0x2000  }
0x46: {  	[sflag:s14] =	ssyncset.done $0x0  }
0x47: {  	[sflag:s14] =	ssyncadd.s32 $0xFFFFE000  }
0x48: {  	_ =	swait.ge [sflag:s14], $0x2000  }
0x49: {  	[sflag:s14] =	ssyncset.done $0x0  }
0x4a: {  	[sflag:s14] =	ssyncadd.s32 $0xFFFFE000  }
0x4b: {  	_ =	swait.ge [sflag:s14], $0x2000  }
0x4c: {  	s23 =	simm.s32 $0x0;
	s24 =	simm.s32 $0x18C10;
	[sflag:s14] =	ssyncset.done $0x0  }
0x4d: {  	s25 =	simm.s32 $0x4E80;
	s22 =	sshll.u32 s20, $0x1;
	[sflag:s14] =	ssyncadd.s32 $0xFFFFE000  }
.LBB2_3:
0x4e: {  	s11 =	sshra.s32 s23, $0x2  }
0x4f: {  	v16 =	vld [tilespmem:s11+$0x2C00]  }
0x50: {  	v17 =	vld [tilespmem:s11+$0x2C10]  }
0x51: {  	v18 =	vld [tilespmem:s11+$0x2C20]  }
0x52: {  	v19 =	vld [tilespmem:s11+$0x2C30]  }
0x53: {  	v20 =	vld [tilespmem:s11+$0x3C00]  }
0x54: {  	v21 =	vld [tilespmem:s11+$0x3C10]  }
0x55: {  	v22 =	vld [tilespmem:s11+$0x3C20]  }
0x56: {  	v23 =	vld [tilespmem:s11+$0x3C30];
	_ =	sdelay $0x3  }
0x57: {  	v20 =	vmul.f32 v20, v16;
	v21 =	vmul.f32 v21, v17  }
0x58: {  	v22 =	vmul.f32 v22, v18;
	v23 =	vmul.f32 v23, v19;
	_ =	sdelay $0x1  }
0x59: {  	v20 =	vadd.f32 v21, v20;
	v39 =	vadd.f32 v23, v22;
	_ =	sdelay $0x1  }
0x5a: {  	v20 =	vadd.f32 v39, v20;
	_ =	sdelay $0x1  }
0x5b: {  	[tilespmem:$0x19000] =	vst v20  }
0x5c: {  	v20 =	vld [tilespmem:s25+$0xFFFFFD80]  }
0x5d: {  	v40 =	vld [tilespmem:s25+$0xFFFFFD90]  }
0x5e: {  	v41 =	vld [tilespmem:s25+$0xFFFFFDA0]  }
0x5f: {  	v42 =	vld [tilespmem:s25+$0xFFFFFDB0];
	_ =	sdelay $0x3  }
0x60: {  	v20 =	vmul.f32 v20, v16;
	v21 =	vmul.f32 v40, v17  }
0x61: {  	v22 =	vmul.f32 v41, v18;
	v23 =	vmul.f32 v42, v19;
	_ =	sdelay $0x1  }
0x62: {  	v20 =	vadd.f32 v21, v20;
	v43 =	vadd.f32 v23, v22;
	_ =	sdelay $0x1  }
0x63: {  	v20 =	vadd.f32 v43, v20;
	_ =	sdelay $0x1  }
0x64: {  	[tilespmem:$0x19010] =	vst v20  }
0x65: {  	v20 =	vld [tilespmem:s25+$0xFFFFFDC0]  }
0x66: {  	v44 =	vld [tilespmem:s25+$0xFFFFFDD0]  }
0x67: {  	v45 =	vld [tilespmem:s25+$0xFFFFFDE0]  }
0x68: {  	v46 =	vld [tilespmem:s25+$0xFFFFFDF0];
	_ =	sdelay $0x3  }
0x69: {  	v20 =	vmul.f32 v20, v16;
	v21 =	vmul.f32 v44, v17  }
0x6a: {  	v22 =	vmul.f32 v45, v18;
	v23 =	vmul.f32 v46, v19;
	_ =	sdelay $0x1  }
0x6b: {  	v20 =	vadd.f32 v21, v20;
	v47 =	vadd.f32 v23, v22;
	_ =	sdelay $0x1  }
0x6c: {  	v20 =	vadd.f32 v47, v20;
	_ =	sdelay $0x1  }
0x6d: {  	[tilespmem:$0x19020] =	vst v20  }
0x6e: {  	v20 =	vld [tilespmem:s25+$0xFFFFFE00]  }
0x6f: {  	v48 =	vld [tilespmem:s25+$0xFFFFFE10]  }
0x70: {  	v49 =	vld [tilespmem:s25+$0xFFFFFE20]  }
0x71: {  	v50 =	vld [tilespmem:s25+$0xFFFFFE30];
	_ =	sdelay $0x3  }
0x72: {  	v20 =	vmul.f32 v20, v16;
	v21 =	vmul.f32 v48, v17  }
0x73: {  	v22 =	vmul.f32 v49, v18;
	v23 =	vmul.f32 v50, v19;
	_ =	sdelay $0x1  }
0x74: {  	v20 =	vadd.f32 v21, v20;
	v51 =	vadd.f32 v23, v22;
	_ =	sdelay $0x1  }
0x75: {  	v20 =	vadd.f32 v51, v20;
	_ =	sdelay $0x1  }
0x76: {  	[tilespmem:$0x19030] =	vst v20  }
0x77: {  	v20 =	vld [tilespmem:s25+$0xFFFFFE40]  }
0x78: {  	v52 =	vld [tilespmem:s25+$0xFFFFFE50]  }
0x79: {  	v53 =	vld [tilespmem:s25+$0xFFFFFE60]  }
0x7a: {  	v54 =	vld [tilespmem:s25+$0xFFFFFE70];
	_ =	sdelay $0x3  }
0x7b: {  	v20 =	vmul.f32 v20, v16;
	v21 =	vmul.f32 v52, v17  }
0x7c: {  	v22 =	vmul.f32 v53, v18;
	v23 =	vmul.f32 v54, v19;
	_ =	sdelay $0x1  }
0x7d: {  	v20 =	vadd.f32 v21, v20;
	v55 =	vadd.f32 v23, v22;
	_ =	sdelay $0x1  }
0x7e: {  	v20 =	vadd.f32 v55, v20;
	_ =	sdelay $0x1  }
0x7f: {  	[tilespmem:$0x19040] =	vst v20  }
0x80: {  	v20 =	vld [tilespmem:s25+$0xFFFFFE80]  }
0x81: {  	v56 =	vld [tilespmem:s25+$0xFFFFFE90]  }
0x82: {  	v57 =	vld [tilespmem:s25+$0xFFFFFEA0]  }
0x83: {  	v58 =	vld [tilespmem:s25+$0xFFFFFEB0];
	_ =	sdelay $0x3  }
0x84: {  	v20 =	vmul.f32 v20, v16;
	v21 =	vmul.f32 v56, v17  }
0x85: {  	v22 =	vmul.f32 v57, v18;
	v23 =	vmul.f32 v58, v19;
	_ =	sdelay $0x1  }
0x86: {  	v20 =	vadd.f32 v21, v20;
	v59 =	vadd.f32 v23, v22;
	_ =	sdelay $0x1  }
0x87: {  	v20 =	vadd.f32 v59, v20;
	_ =	sdelay $0x1  }
0x88: {  	[tilespmem:$0x19050] =	vst v20  }
0x89: {  	v20 =	vld [tilespmem:s25+$0xFFFFFEC0]  }
0x8a: {  	v60 =	vld [tilespmem:s25+$0xFFFFFED0]  }
0x8b: {  	v61 =	vld [tilespmem:s25+$0xFFFFFEE0]  }
0x8c: {  	v62 =	vld [tilespmem:s25+$0xFFFFFEF0];
	_ =	sdelay $0x3  }
0x8d: {  	v20 =	vmul.f32 v20, v16;
	v21 =	vmul.f32 v60, v17  }
0x8e: {  	v22 =	vmul.f32 v61, v18;
	v23 =	vmul.f32 v62, v19;
	_ =	sdelay $0x1  }
0x8f: {  	v20 =	vadd.f32 v21, v20;
	v63 =	vadd.f32 v23, v22;
	_ =	sdelay $0x1  }
0x90: {  	v20 =	vadd.f32 v63, v20;
	_ =	sdelay $0x1  }
0x91: {  	[tilespmem:$0x19060] =	vst v20  }
0x92: {  	v20 =	vld [tilespmem:s25+$0xFFFFFF00]  }
0x93: {  	v24 =	vld [tilespmem:s25+$0xFFFFFF10]  }
0x94: {  	v25 =	vld [tilespmem:s25+$0xFFFFFF20]  }
0x95: {  	v26 =	vld [tilespmem:s25+$0xFFFFFF30];
	_ =	sdelay $0x3  }
0x96: {  	v20 =	vmul.f32 v20, v16;
	v21 =	vmul.f32 v24, v17  }
0x97: {  	v22 =	vmul.f32 v25, v18;
	v23 =	vmul.f32 v26, v19;
	_ =	sdelay $0x1  }
0x98: {  	v20 =	vadd.f32 v21, v20;
	v27 =	vadd.f32 v23, v22;
	_ =	sdelay $0x1  }
0x99: {  	v20 =	vadd.f32 v27, v20;
	_ =	sdelay $0x1  }
0x9a: {  	[tilespmem:$0x19070] =	vst v20  }
0x9b: {  	v20 =	vld [tilespmem:s25+$0xFFFFFF40]  }
0x9c: {  	v28 =	vld [tilespmem:s25+$0xFFFFFF50]  }
0x9d: {  	v29 =	vld [tilespmem:s25+$0xFFFFFF60]  }
0x9e: {  	v30 =	vld [tilespmem:s25+$0xFFFFFF70];
	_ =	sdelay $0x3  }
0x9f: {  	v20 =	vmul.f32 v20, v16;
	v21 =	vmul.f32 v28, v17  }
0xa0: {  	v22 =	vmul.f32 v29, v18;
	v23 =	vmul.f32 v30, v19;
	_ =	sdelay $0x1  }
0xa1: {  	v20 =	vadd.f32 v21, v20;
	v31 =	vadd.f32 v23, v22;
	_ =	sdelay $0x1  }
0xa2: {  	v20 =	vadd.f32 v31, v20;
	_ =	sdelay $0x1  }
0xa3: {  	[tilespmem:$0x19080] =	vst v20  }
0xa4: {  	v20 =	vld [tilespmem:s25+$0xFFFFFF80]  }
0xa5: {  	v32 =	vld [tilespmem:s25+$0xFFFFFF90]  }
0xa6: {  	v33 =	vld [tilespmem:s25+$0xFFFFFFA0]  }
0xa7: {  	v34 =	vld [tilespmem:s25+$0xFFFFFFB0];
	_ =	sdelay $0x3  }
0xa8: {  	v20 =	vmul.f32 v20, v16;
	v21 =	vmul.f32 v32, v17  }
0xa9: {  	v22 =	vmul.f32 v33, v18;
	v23 =	vmul.f32 v34, v19;
	_ =	sdelay $0x1  }
0xaa: {  	v20 =	vadd.f32 v21, v20;
	v35 =	vadd.f32 v23, v22;
	_ =	sdelay $0x1  }
0xab: {  	v20 =	vadd.f32 v35, v20;
	_ =	sdelay $0x1  }
0xac: {  	[tilespmem:$0x19090] =	vst v20  }
0xad: {  	v20 =	vld [tilespmem:s25+$0xFFFFFFC0]  }
0xae: {  	v36 =	vld [tilespmem:s25+$0xFFFFFFD0]  }
0xaf: {  	v37 =	vld [tilespmem:s25+$0xFFFFFFE0]  }
0xb0: {  	v38 =	vld [tilespmem:s25+$0xFFFFFFF0];
	_ =	sdelay $0x3  }
0xb1: {  	v20 =	vmul.f32 v20, v16;
	v21 =	vmul.f32 v36, v17  }
0xb2: {  	v22 =	vmul.f32 v37, v18;
	v23 =	vmul.f32 v38, v19;
	_ =	sdelay $0x1  }
0xb3: {  	v20 =	vadd.f32 v21, v20;
	v39 =	vadd.f32 v23, v22;
	_ =	sdelay $0x1  }
0xb4: {  	v20 =	vadd.f32 v39, v20;
	_ =	sdelay $0x1  }
0xb5: {  	[tilespmem:$0x190A0] =	vst v20  }
0xb6: {  	v20 =	vld [tilespmem:s25+$0x0]  }
0xb7: {  	v40 =	vld [tilespmem:s25+$0x10]  }
0xb8: {  	v41 =	vld [tilespmem:s25+$0x20]  }
0xb9: {  	v42 =	vld [tilespmem:s25+$0x30];
	_ =	sdelay $0x3  }
0xba: {  	v20 =	vmul.f32 v20, v16;
	v21 =	vmul.f32 v40, v17  }
0xbb: {  	v22 =	vmul.f32 v41, v18;
	v23 =	vmul.f32 v42, v19;
	_ =	sdelay $0x1  }
0xbc: {  	v20 =	vadd.f32 v21, v20;
	v43 =	vadd.f32 v23, v22;
	_ =	sdelay $0x1  }
0xbd: {  	v20 =	vadd.f32 v43, v20;
	_ =	sdelay $0x1  }
0xbe: {  	[tilespmem:$0x190B0] =	vst v20  }
0xbf: {  	v20 =	vld [tilespmem:s25+$0x40]  }
0xc0: {  	v44 =	vld [tilespmem:s25+$0x50]  }
0xc1: {  	v45 =	vld [tilespmem:s25+$0x60]  }
0xc2: {  	v46 =	vld [tilespmem:s25+$0x70];
	_ =	sdelay $0x3  }
0xc3: {  	v20 =	vmul.f32 v20, v16;
	v21 =	vmul.f32 v44, v17  }
0xc4: {  	v22 =	vmul.f32 v45, v18;
	v23 =	vmul.f32 v46, v19;
	_ =	sdelay $0x1  }
0xc5: {  	v20 =	vadd.f32 v21, v20;
	v47 =	vadd.f32 v23, v22;
	_ =	sdelay $0x1  }
0xc6: {  	v20 =	vadd.f32 v47, v20;
	_ =	sdelay $0x1  }
0xc7: {  	[tilespmem:$0x190C0] =	vst v20  }
0xc8: {  	v20 =	vld [tilespmem:s25+$0x80]  }
0xc9: {  	v48 =	vld [tilespmem:s25+$0x90]  }
0xca: {  	v49 =	vld [tilespmem:s25+$0xA0]  }
0xcb: {  	v50 =	vld [tilespmem:s25+$0xB0];
	_ =	sdelay $0x3  }
0xcc: {  	v20 =	vmul.f32 v20, v16;
	v21 =	vmul.f32 v48, v17  }
0xcd: {  	v22 =	vmul.f32 v49, v18;
	v23 =	vmul.f32 v50, v19;
	_ =	sdelay $0x1  }
0xce: {  	v20 =	vadd.f32 v21, v20;
	v51 =	vadd.f32 v23, v22;
	_ =	sdelay $0x1  }
0xcf: {  	v20 =	vadd.f32 v51, v20;
	_ =	sdelay $0x1  }
0xd0: {  	[tilespmem:$0x190D0] =	vst v20  }
0xd1: {  	v20 =	vld [tilespmem:s25+$0xC0]  }
0xd2: {  	v52 =	vld [tilespmem:s25+$0xD0]  }
0xd3: {  	v53 =	vld [tilespmem:s25+$0xE0]  }
0xd4: {  	v54 =	vld [tilespmem:s25+$0xF0];
	_ =	sdelay $0x3  }
0xd5: {  	v20 =	vmul.f32 v20, v16;
	v21 =	vmul.f32 v52, v17  }
0xd6: {  	v22 =	vmul.f32 v53, v18;
	v23 =	vmul.f32 v54, v19;
	_ =	sdelay $0x1  }
0xd7: {  	v20 =	vadd.f32 v21, v20;
	v55 =	vadd.f32 v23, v22;
	_ =	sdelay $0x1  }
0xd8: {  	v20 =	vadd.f32 v55, v20;
	_ =	sdelay $0x1  }
0xd9: {  	[tilespmem:$0x190E0] =	vst v20  }
0xda: {  	v20 =	vld [tilespmem:s25+$0x100]  }
0xdb: {  	v56 =	vld [tilespmem:s25+$0x110]  }
0xdc: {  	v57 =	vld [tilespmem:s25+$0x120]  }
0xdd: {  	v58 =	vld [tilespmem:s25+$0x130];
	_ =	sdelay $0x3  }
0xde: {  	v20 =	vmul.f32 v20, v16;
	v21 =	vmul.f32 v56, v17  }
0xdf: {  	v22 =	vmul.f32 v57, v18;
	v23 =	vmul.f32 v58, v19;
	_ =	sdelay $0x1  }
0xe0: {  	v20 =	vadd.f32 v21, v20;
	v59 =	vadd.f32 v23, v22;
	_ =	sdelay $0x1  }
0xe1: {  	v20 =	vadd.f32 v59, v20;
	_ =	sdelay $0x1  }
0xe2: {  	[tilespmem:$0x190F0] =	vst v20  }
0xe3: {  	v20 =	vld.idx.msk [tilespmem:v0+s15+$0x0], $0xffff  }
0xe4: {  	v60 =	vld.idx.msk [tilespmem:v1+s15+$0x0], $0xffff;
	_ =	sdelay $0x1  }
0xe5: {  	v61 =	vld.idx.msk [tilespmem:v2+s15+$0x0], $0xffff;
	_ =	sdelay $0x1  }
0xe6: {  	v62 =	vld.idx.msk [tilespmem:v3+s15+$0x0], $0xffff  }
0xe7: {  	v20 =	vadd.f32 v60, v20  }
0xe8: {  	v63 =	vld.idx.msk [tilespmem:v4+s15+$0x0], $0xffff  }
0xe9: {  	v20 =	vadd.f32 v61, v20  }
0xea: {  	v24 =	vld.idx.msk [tilespmem:v5+s15+$0x0], $0xffff  }
0xeb: {  	v20 =	vadd.f32 v62, v20  }
0xec: {  	v25 =	vld.idx.msk [tilespmem:v6+s15+$0x0], $0xffff  }
0xed: {  	v20 =	vadd.f32 v63, v20  }
0xee: {  	v26 =	vld.idx.msk [tilespmem:v7+s15+$0x0], $0xffff  }
0xef: {  	v20 =	vadd.f32 v24, v20  }
0xf0: {  	v27 =	vld.idx.msk [tilespmem:v8+s15+$0x0], $0xffff  }
0xf1: {  	v20 =	vadd.f32 v25, v20  }
0xf2: {  	v28 =	vld.idx.msk [tilespmem:v9+s15+$0x0], $0xffff  }
0xf3: {  	v20 =	vadd.f32 v26, v20  }
0xf4: {  	v29 =	vld.idx.msk [tilespmem:v10+s15+$0x0], $0xffff  }
0xf5: {  	v20 =	vadd.f32 v27, v20  }
0xf6: {  	v30 =	vld.idx.msk [tilespmem:v11+s15+$0x0], $0xffff  }
0xf7: {  	v20 =	vadd.f32 v28, v20  }
0xf8: {  	v31 =	vld.idx.msk [tilespmem:v12+s15+$0x0], $0xffff  }
0xf9: {  	v20 =	vadd.f32 v29, v20  }
0xfa: {  	v32 =	vld.idx.msk [tilespmem:v13+s15+$0x0], $0xffff  }
0xfb: {  	v20 =	vadd.f32 v30, v20  }
0xfc: {  	v33 =	vld.idx.msk [tilespmem:v14+s15+$0x0], $0xffff  }
0xfd: {  	v20 =	vadd.f32 v31, v20  }
0xfe: {  	v34 =	vld.idx.msk [tilespmem:v15+s15+$0x0], $0xffff  }
0xff: {  	v20 =	vadd.f32 v32, v20;
	_ =	sdelay $0x1  }
0x100: {  	v20 =	vadd.f32 v33, v20;
	_ =	sdelay $0x1  }
0x101: {  	v20 =	vadd.f32 v34, v20;
	_ =	sdelay $0x1  }
0x102: {  	[tilespmem:s24+$0xFFFFFFF0] =	vst v20  }
0x103: {  	v20 =	vld [tilespmem:s25+$0x140]  }
0x104: {  	v35 =	vld [tilespmem:s25+$0x150]  }
0x105: {  	v36 =	vld [tilespmem:s25+$0x160]  }
0x106: {  	v37 =	vld [tilespmem:s25+$0x170];
	_ =	sdelay $0x3  }
0x107: {  	v20 =	vmul.f32 v20, v16;
	v21 =	vmul.f32 v35, v17  }
0x108: {  	v22 =	vmul.f32 v36, v18;
	v23 =	vmul.f32 v37, v19;
	_ =	sdelay $0x1  }
0x109: {  	v20 =	vadd.f32 v21, v20;
	v38 =	vadd.f32 v23, v22;
	_ =	sdelay $0x1  }
0x10a: {  	v20 =	vadd.f32 v38, v20;
	_ =	sdelay $0x1  }
0x10b: {  	[tilespmem:$0x19000] =	vst v20  }
0x10c: {  	v20 =	vld [tilespmem:s25+$0x180]  }
0x10d: {  	v39 =	vld [tilespmem:s25+$0x190]  }
0x10e: {  	v40 =	vld [tilespmem:s25+$0x1A0]  }
0x10f: {  	v41 =	vld [tilespmem:s25+$0x1B0];
	_ =	sdelay $0x3  }
0x110: {  	v20 =	vmul.f32 v20, v16;
	v21 =	vmul.f32 v39, v17  }
0x111: {  	v22 =	vmul.f32 v40, v18;
	v23 =	vmul.f32 v41, v19;
	_ =	sdelay $0x1  }
0x112: {  	v20 =	vadd.f32 v21, v20;
	v42 =	vadd.f32 v23, v22;
	_ =	sdelay $0x1  }
0x113: {  	v20 =	vadd.f32 v42, v20;
	_ =	sdelay $0x1  }
0x114: {  	[tilespmem:$0x19010] =	vst v20  }
0x115: {  	v20 =	vld [tilespmem:s25+$0x1C0]  }
0x116: {  	v43 =	vld [tilespmem:s25+$0x1D0]  }
0x117: {  	v44 =	vld [tilespmem:s25+$0x1E0]  }
0x118: {  	v45 =	vld [tilespmem:s25+$0x1F0];
	_ =	sdelay $0x3  }
0x119: {  	v20 =	vmul.f32 v20, v16;
	v21 =	vmul.f32 v43, v17  }
0x11a: {  	v22 =	vmul.f32 v44, v18;
	v23 =	vmul.f32 v45, v19;
	_ =	sdelay $0x1  }
0x11b: {  	v20 =	vadd.f32 v21, v20;
	v46 =	vadd.f32 v23, v22;
	_ =	sdelay $0x1  }
0x11c: {  	v20 =	vadd.f32 v46, v20;
	_ =	sdelay $0x1  }
0x11d: {  	[tilespmem:$0x19020] =	vst v20  }
0x11e: {  	v20 =	vld [tilespmem:s25+$0x200]  }
0x11f: {  	v47 =	vld [tilespmem:s25+$0x210]  }
0x120: {  	v48 =	vld [tilespmem:s25+$0x220]  }
0x121: {  	v49 =	vld [tilespmem:s25+$0x230];
	_ =	sdelay $0x3  }
0x122: {  	v20 =	vmul.f32 v20, v16;
	v21 =	vmul.f32 v47, v17  }
0x123: {  	v22 =	vmul.f32 v48, v18;
	v23 =	vmul.f32 v49, v19;
	_ =	sdelay $0x1  }
0x124: {  	v20 =	vadd.f32 v21, v20;
	v50 =	vadd.f32 v23, v22;
	_ =	sdelay $0x1  }
0x125: {  	v20 =	vadd.f32 v50, v20;
	_ =	sdelay $0x1  }
0x126: {  	[tilespmem:$0x19030] =	vst v20  }
0x127: {  	v20 =	vld [tilespmem:s25+$0x240]  }
0x128: {  	v51 =	vld [tilespmem:s25+$0x250]  }
0x129: {  	v52 =	vld [tilespmem:s25+$0x260]  }
0x12a: {  	v53 =	vld [tilespmem:s25+$0x270];
	_ =	sdelay $0x3  }
0x12b: {  	v16 =	vmul.f32 v20, v16;
	v17 =	vmul.f32 v51, v17  }
0x12c: {  	v18 =	vmul.f32 v52, v18;
	v19 =	vmul.f32 v53, v19;
	_ =	sdelay $0x1  }
0x12d: {  	v16 =	vadd.f32 v17, v16;
	v17 =	vadd.f32 v19, v18;
	_ =	sdelay $0x1  }
0x12e: {  	v16 =	vadd.f32 v17, v16;
	_ =	sdelay $0x1  }
0x12f: {  	[tilespmem:$0x19040] =	vst v16  }
0x130: {  	v16 =	vld.idx.msk [tilespmem:v0+s15+$0x0], $0xffff  }
0x131: {  	v17 =	vld.idx.msk [tilespmem:v1+s15+$0x0], $0xffff;
	_ =	sdelay $0x1  }
0x132: {  	v54 =	vld.idx.msk [tilespmem:v2+s15+$0x0], $0xffff;
	_ =	sdelay $0x1  }
0x133: {  	v55 =	vld.idx.msk [tilespmem:v3+s15+$0x0], $0xffff  }
0x134: {  	v16 =	vadd.f32 v17, v16  }
0x135: {  	v17 =	vld.idx.msk [tilespmem:v4+s15+$0x0], $0xffff  }
0x136: {  	v16 =	vadd.f32 v54, v16  }
0x137: {  	v56 =	vld.idx.msk [tilespmem:v5+s15+$0x0], $0xffff  }
0x138: {  	v16 =	vadd.f32 v55, v16  }
0x139: {  	v57 =	vld.idx.msk [tilespmem:v6+s15+$0x0], $0xffff  }
0x13a: {  	v16 =	vadd.f32 v17, v16  }
0x13b: {  	v17 =	vld.idx.msk [tilespmem:v7+s15+$0x0], $0xffff  }
0x13c: {  	v16 =	vadd.f32 v56, v16  }
0x13d: {  	v58 =	vld.idx.msk [tilespmem:v8+s15+$0x0], $0xffff  }
0x13e: {  	v16 =	vadd.f32 v57, v16  }
0x13f: {  	v59 =	vld.idx.msk [tilespmem:v9+s15+$0x0], $0xffff  }
0x140: {  	v16 =	vadd.f32 v17, v16  }
0x141: {  	v17 =	vld.idx.msk [tilespmem:v10+s15+$0x0], $0xffff  }
0x142: {  	v16 =	vadd.f32 v58, v16  }
0x143: {  	v60 =	vld.idx.msk [tilespmem:v11+s15+$0x0], $0xffff  }
0x144: {  	v16 =	vadd.f32 v59, v16  }
0x145: {  	v61 =	vld.idx.msk [tilespmem:v12+s15+$0x0], $0xffff  }
0x146: {  	v16 =	vadd.f32 v17, v16  }
0x147: {  	v17 =	vld.idx.msk [tilespmem:v13+s15+$0x0], $0xffff  }
0x148: {  	v16 =	vadd.f32 v60, v16  }
0x149: {  	v62 =	vld.idx.msk [tilespmem:v14+s15+$0x0], $0xffff  }
0x14a: {  	v16 =	vadd.f32 v61, v16  }
0x14b: {  	v63 =	vld.idx.msk [tilespmem:v15+s15+$0x0], $0xffff  }
0x14c: {  	v16 =	vadd.f32 v17, v16  }
0x14d: {  	p0 =	sne.s32 s23, $0x1F00  }
.Ltmp0:
0x14e: {  	v16 =	vadd.f32 v62, v16;
	(pc) =	sbr.rel @p0 .LBB2_3-.Ltmp0, $3  }
0x14f: {  	_ = 	snop  }
0x150: {  	v16 =	vadd.f32 v63, v16;
	_ =	sdelay $0x1  }
0x151: {  	s23 =	sadd.s32 $0x100, s23;
	s25 =	sadd.s32 $0x500, s25;
	[tilespmem:s24+$0x0] =	vst v16;
	s24 =	sadd.s32 $0x20, s24  }
0x152: {  	s11 =	sshll.u32 s20, $0x8  }
0x153: {  	p0 =	seq.s32 s20, $0x7;
	s11 =	sadd.s32 s11, s8  }
0x154: {  	[hbm4b:s11+s2] =	stream.linear.scatter [tilespmem:s17], [sflag:$0x3], $0x400, $0x38;
	[tilespmem:$0x19100] =	vst v63  }
0x155: {  	s23 =	simm.s32 @!p0 $0x20;
	_ =	swait.ge [sflag:s10], $0x400  }
0x156: {  	s24 =	simm.s32 @!p0 $0x2C00;
	s11 =	sadd.s32 @!p0 $0x2, s22;
	[sflag:s10] =	ssyncset.done $0x0  }
0x157: {  	s22 =	sshll.u32 @!p0 s11, $0x5;
	s11 =	smul.u32 @!p0 $0xA00, s11;
	[sflag:s10] =	ssyncadd.s32 $0xFFFFFC00  }
0x158: {  	[tilespmem:s24], [sflag:$0x1] =	stream.indirect.gather @!p0 [hbm4b:s3+s23], $0x40, s22, s23, $0xb8;
	[tilespmem:$0x19100] =	vst v63  }
0x159: {  	s11 =	sshra.s32 @!p0 s11, $0x2;
	s22 =	sadd.s32 @!p0 $0x200, s22;
	s24 =	simm.s32 @!p0 $0x3C00  }
0x15a: {  	[tilespmem:s24], [sflag:$0x1] =	stream.indirect.gather @!p0 [hbm4b:s4+s23], $0x40, s22, s23, $0xb8;
	[tilespmem:$0x19100] =	vst v63  }
0x15b: {  	s22 =	sadd.s32 @!p0 $0x400, s11;
	s23 =	simm.s32 @!p0 $0x80;
	s24 =	simm.s32 @!p0 $0x4C00  }
0x15c: {  	[tilespmem:s24], [sflag:$0x1] =	stream.indirect.gather @!p0 [hbm4b:s4+s23], $0x40, s22, s23, $0xb8;
	[tilespmem:$0x19100] =	vst v63  }
0x15d: {  	s22 =	sadd.s32 @!p0 $0x480, s11;
	s24 =	simm.s32 @!p0 $0x6C00  }
0x15e: {  	[tilespmem:s24], [sflag:$0x1] =	stream.indirect.gather @!p0 [hbm4b:s4+s23], $0x40, s22, s23, $0xb8;
	[tilespmem:$0x19100] =	vst v63  }
0x15f: {  	s22 =	sadd.s32 @!p0 $0x500, s11;
	s24 =	simm.s32 @!p0 $0x8C00  }
0x160: {  	[tilespmem:s24], [sflag:$0x1] =	stream.indirect.gather @!p0 [hbm4b:s4+s23], $0x40, s22, s23, $0xb8;
	[tilespmem:$0x19100] =	vst v63  }
0x161: {  	s22 =	sadd.s32 @!p0 $0x580, s11;
	s24 =	simm.s32 @!p0 $0xAC00  }
0x162: {  	[tilespmem:s24], [sflag:$0x1] =	stream.indirect.gather @!p0 [hbm4b:s4+s23], $0x40, s22, s23, $0xb8;
	[tilespmem:$0x19100] =	vst v63  }
0x163: {  	s11 =	sadd.s32 @!p0 $0x600, s11;
	s22 =	simm.s32 @!p0 $0xCC00  }
0x164: {  	[tilespmem:s22], [sflag:$0x1] =	stream.indirect.gather @!p0 [hbm4b:s4+s23], $0x40, s11, s23, $0xb8;
	[tilespmem:$0x19100] =	vst v63  }
0x165: {  	_ =	swait.ge [sflag:s18], $0x800  }
0x166: {  	[sflag:s18] =	ssyncset.done $0x0  }
0x167: {  	[sflag:s18] =	ssyncadd.s32 $0xFFFFF800  }
0x168: {  	_ =	swait.ge [sflag:s18], $0x800  }
0x169: {  	[sflag:s18] =	ssyncset.done $0x0  }
0x16a: {  	[sflag:s18] =	ssyncadd.s32 $0xFFFFF800  }
0x16b: {  	_ =	swait.ge [sflag:s18], $0x2000  }
0x16c: {  	[sflag:s18] =	ssyncset.done $0x0  }
0x16d: {  	[sflag:s18] =	ssyncadd.s32 $0xFFFFE000  }
0x16e: {  	_ =	swait.ge [sflag:s18], $0x2000  }
0x16f: {  	[sflag:s18] =	ssyncset.done $0x0  }
0x170: {  	[sflag:s18] =	ssyncadd.s32 $0xFFFFE000  }
0x171: {  	_ =	swait.ge [sflag:s18], $0x2000  }
0x172: {  	[sflag:s18] =	ssyncset.done $0x0  }
0x173: {  	[sflag:s18] =	ssyncadd.s32 $0xFFFFE000  }
0x174: {  	_ =	swait.ge [sflag:s18], $0x2000  }
0x175: {  	[sflag:s18] =	ssyncset.done $0x0  }
0x176: {  	[sflag:s18] =	ssyncadd.s32 $0xFFFFE000  }
0x177: {  	_ =	swait.ge [sflag:s18], $0x2000  }
0x178: {  	s24 =	simm.s32 $0xEE80;
	[sflag:s18] =	ssyncset.done $0x0  }
0x179: {  	s22 =	simm.s32 $0x0;
	s23 =	simm.s32 $0x18C10;
	[sflag:s18] =	ssyncadd.s32 $0xFFFFE000  }
.LBB2_5:
0x17a: {  	s11 =	sshra.s32 s22, $0x2  }
0x17b: {  	v16 =	vld [tilespmem:s11+$0x3400]  }
0x17c: {  	v17 =	vld [tilespmem:s11+$0x3410]  }
0x17d: {  	v18 =	vld [tilespmem:s11+$0x3420]  }
0x17e: {  	v19 =	vld [tilespmem:s11+$0x3430]  }
0x17f: {  	v20 =	vld [tilespmem:s11+$0x4400]  }
0x180: {  	v21 =	vld [tilespmem:s11+$0x4410]  }
0x181: {  	v22 =	vld [tilespmem:s11+$0x4420]  }
0x182: {  	v23 =	vld [tilespmem:s11+$0x4430];
	_ =	sdelay $0x3  }
0x183: {  	v20 =	vmul.f32 v20, v16;
	v21 =	vmul.f32 v21, v17  }
0x184: {  	v22 =	vmul.f32 v22, v18;
	v23 =	vmul.f32 v23, v19;
	_ =	sdelay $0x1  }
0x185: {  	v20 =	vadd.f32 v21, v20;
	v39 =	vadd.f32 v23, v22;
	_ =	sdelay $0x1  }
0x186: {  	v20 =	vadd.f32 v39, v20;
	_ =	sdelay $0x1  }
0x187: {  	[tilespmem:$0x19000] =	vst v20  }
0x188: {  	v20 =	vld [tilespmem:s24+$0xFFFFFD80]  }
0x189: {  	v40 =	vld [tilespmem:s24+$0xFFFFFD90]  }
0x18a: {  	v41 =	vld [tilespmem:s24+$0xFFFFFDA0]  }
0x18b: {  	v42 =	vld [tilespmem:s24+$0xFFFFFDB0];
	_ =	sdelay $0x3  }
0x18c: {  	v20 =	vmul.f32 v20, v16;
	v21 =	vmul.f32 v40, v17  }
0x18d: {  	v22 =	vmul.f32 v41, v18;
	v23 =	vmul.f32 v42, v19;
	_ =	sdelay $0x1  }
0x18e: {  	v20 =	vadd.f32 v21, v20;
	v43 =	vadd.f32 v23, v22;
	_ =	sdelay $0x1  }
0x18f: {  	v20 =	vadd.f32 v43, v20;
	_ =	sdelay $0x1  }
0x190: {  	[tilespmem:$0x19010] =	vst v20  }
0x191: {  	v20 =	vld [tilespmem:s24+$0xFFFFFDC0]  }
0x192: {  	v44 =	vld [tilespmem:s24+$0xFFFFFDD0]  }
0x193: {  	v45 =	vld [tilespmem:s24+$0xFFFFFDE0]  }
0x194: {  	v46 =	vld [tilespmem:s24+$0xFFFFFDF0];
	_ =	sdelay $0x3  }
0x195: {  	v20 =	vmul.f32 v20, v16;
	v21 =	vmul.f32 v44, v17  }
0x196: {  	v22 =	vmul.f32 v45, v18;
	v23 =	vmul.f32 v46, v19;
	_ =	sdelay $0x1  }
0x197: {  	v20 =	vadd.f32 v21, v20;
	v47 =	vadd.f32 v23, v22;
	_ =	sdelay $0x1  }
0x198: {  	v20 =	vadd.f32 v47, v20;
	_ =	sdelay $0x1  }
0x199: {  	[tilespmem:$0x19020] =	vst v20  }
0x19a: {  	v20 =	vld [tilespmem:s24+$0xFFFFFE00]  }
0x19b: {  	v48 =	vld [tilespmem:s24+$0xFFFFFE10]  }
0x19c: {  	v49 =	vld [tilespmem:s24+$0xFFFFFE20]  }
0x19d: {  	v50 =	vld [tilespmem:s24+$0xFFFFFE30];
	_ =	sdelay $0x3  }
0x19e: {  	v20 =	vmul.f32 v20, v16;
	v21 =	vmul.f32 v48, v17  }
0x19f: {  	v22 =	vmul.f32 v49, v18;
	v23 =	vmul.f32 v50, v19;
	_ =	sdelay $0x1  }
0x1a0: {  	v20 =	vadd.f32 v21, v20;
	v51 =	vadd.f32 v23, v22;
	_ =	sdelay $0x1  }
0x1a1: {  	v20 =	vadd.f32 v51, v20;
	_ =	sdelay $0x1  }
0x1a2: {  	[tilespmem:$0x19030] =	vst v20  }
0x1a3: {  	v20 =	vld [tilespmem:s24+$0xFFFFFE40]  }
0x1a4: {  	v52 =	vld [tilespmem:s24+$0xFFFFFE50]  }
0x1a5: {  	v53 =	vld [tilespmem:s24+$0xFFFFFE60]  }
0x1a6: {  	v54 =	vld [tilespmem:s24+$0xFFFFFE70];
	_ =	sdelay $0x3  }
0x1a7: {  	v20 =	vmul.f32 v20, v16;
	v21 =	vmul.f32 v52, v17  }
0x1a8: {  	v22 =	vmul.f32 v53, v18;
	v23 =	vmul.f32 v54, v19;
	_ =	sdelay $0x1  }
0x1a9: {  	v20 =	vadd.f32 v21, v20;
	v55 =	vadd.f32 v23, v22;
	_ =	sdelay $0x1  }
0x1aa: {  	v20 =	vadd.f32 v55, v20;
	_ =	sdelay $0x1  }
0x1ab: {  	[tilespmem:$0x19040] =	vst v20  }
0x1ac: {  	v20 =	vld [tilespmem:s24+$0xFFFFFE80]  }
0x1ad: {  	v56 =	vld [tilespmem:s24+$0xFFFFFE90]  }
0x1ae: {  	v57 =	vld [tilespmem:s24+$0xFFFFFEA0]  }
0x1af: {  	v58 =	vld [tilespmem:s24+$0xFFFFFEB0];
	_ =	sdelay $0x3  }
0x1b0: {  	v20 =	vmul.f32 v20, v16;
	v21 =	vmul.f32 v56, v17  }
0x1b1: {  	v22 =	vmul.f32 v57, v18;
	v23 =	vmul.f32 v58, v19;
	_ =	sdelay $0x1  }
0x1b2: {  	v20 =	vadd.f32 v21, v20;
	v59 =	vadd.f32 v23, v22;
	_ =	sdelay $0x1  }
0x1b3: {  	v20 =	vadd.f32 v59, v20;
	_ =	sdelay $0x1  }
0x1b4: {  	[tilespmem:$0x19050] =	vst v20  }
0x1b5: {  	v20 =	vld [tilespmem:s24+$0xFFFFFEC0]  }
0x1b6: {  	v60 =	vld [tilespmem:s24+$0xFFFFFED0]  }
0x1b7: {  	v61 =	vld [tilespmem:s24+$0xFFFFFEE0]  }
0x1b8: {  	v62 =	vld [tilespmem:s24+$0xFFFFFEF0];
	_ =	sdelay $0x3  }
0x1b9: {  	v20 =	vmul.f32 v20, v16;
	v21 =	vmul.f32 v60, v17  }
0x1ba: {  	v22 =	vmul.f32 v61, v18;
	v23 =	vmul.f32 v62, v19;
	_ =	sdelay $0x1  }
0x1bb: {  	v20 =	vadd.f32 v21, v20;
	v63 =	vadd.f32 v23, v22;
	_ =	sdelay $0x1  }
0x1bc: {  	v20 =	vadd.f32 v63, v20;
	_ =	sdelay $0x1  }
0x1bd: {  	[tilespmem:$0x19060] =	vst v20  }
0x1be: {  	v20 =	vld [tilespmem:s24+$0xFFFFFF00]  }
0x1bf: {  	v24 =	vld [tilespmem:s24+$0xFFFFFF10]  }
0x1c0: {  	v25 =	vld [tilespmem:s24+$0xFFFFFF20]  }
0x1c1: {  	v26 =	vld [tilespmem:s24+$0xFFFFFF30];
	_ =	sdelay $0x3  }
0x1c2: {  	v20 =	vmul.f32 v20, v16;
	v21 =	vmul.f32 v24, v17  }
0x1c3: {  	v22 =	vmul.f32 v25, v18;
	v23 =	vmul.f32 v26, v19;
	_ =	sdelay $0x1  }
0x1c4: {  	v20 =	vadd.f32 v21, v20;
	v27 =	vadd.f32 v23, v22;
	_ =	sdelay $0x1  }
0x1c5: {  	v20 =	vadd.f32 v27, v20;
	_ =	sdelay $0x1  }
0x1c6: {  	[tilespmem:$0x19070] =	vst v20  }
0x1c7: {  	v20 =	vld [tilespmem:s24+$0xFFFFFF40]  }
0x1c8: {  	v28 =	vld [tilespmem:s24+$0xFFFFFF50]  }
0x1c9: {  	v29 =	vld [tilespmem:s24+$0xFFFFFF60]  }
0x1ca: {  	v30 =	vld [tilespmem:s24+$0xFFFFFF70];
	_ =	sdelay $0x3  }
0x1cb: {  	v20 =	vmul.f32 v20, v16;
	v21 =	vmul.f32 v28, v17  }
0x1cc: {  	v22 =	vmul.f32 v29, v18;
	v23 =	vmul.f32 v30, v19;
	_ =	sdelay $0x1  }
0x1cd: {  	v20 =	vadd.f32 v21, v20;
	v31 =	vadd.f32 v23, v22;
	_ =	sdelay $0x1  }
0x1ce: {  	v20 =	vadd.f32 v31, v20;
	_ =	sdelay $0x1  }
0x1cf: {  	[tilespmem:$0x19080] =	vst v20  }
0x1d0: {  	v20 =	vld [tilespmem:s24+$0xFFFFFF80]  }
0x1d1: {  	v32 =	vld [tilespmem:s24+$0xFFFFFF90]  }
0x1d2: {  	v33 =	vld [tilespmem:s24+$0xFFFFFFA0]  }
0x1d3: {  	v34 =	vld [tilespmem:s24+$0xFFFFFFB0];
	_ =	sdelay $0x3  }
0x1d4: {  	v20 =	vmul.f32 v20, v16;
	v21 =	vmul.f32 v32, v17  }
0x1d5: {  	v22 =	vmul.f32 v33, v18;
	v23 =	vmul.f32 v34, v19;
	_ =	sdelay $0x1  }
0x1d6: {  	v20 =	vadd.f32 v21, v20;
	v35 =	vadd.f32 v23, v22;
	_ =	sdelay $0x1  }
0x1d7: {  	v20 =	vadd.f32 v35, v20;
	_ =	sdelay $0x1  }
0x1d8: {  	[tilespmem:$0x19090] =	vst v20  }
0x1d9: {  	v20 =	vld [tilespmem:s24+$0xFFFFFFC0]  }
0x1da: {  	v36 =	vld [tilespmem:s24+$0xFFFFFFD0]  }
0x1db: {  	v37 =	vld [tilespmem:s24+$0xFFFFFFE0]  }
0x1dc: {  	v38 =	vld [tilespmem:s24+$0xFFFFFFF0];
	_ =	sdelay $0x3  }
0x1dd: {  	v20 =	vmul.f32 v20, v16;
	v21 =	vmul.f32 v36, v17  }
0x1de: {  	v22 =	vmul.f32 v37, v18;
	v23 =	vmul.f32 v38, v19;
	_ =	sdelay $0x1  }
0x1df: {  	v20 =	vadd.f32 v21, v20;
	v39 =	vadd.f32 v23, v22;
	_ =	sdelay $0x1  }
0x1e0: {  	v20 =	vadd.f32 v39, v20;
	_ =	sdelay $0x1  }
0x1e1: {  	[tilespmem:$0x190A0] =	vst v20  }
0x1e2: {  	v20 =	vld [tilespmem:s24+$0x0]  }
0x1e3: {  	v40 =	vld [tilespmem:s24+$0x10]  }
0x1e4: {  	v41 =	vld [tilespmem:s24+$0x20]  }
0x1e5: {  	v42 =	vld [tilespmem:s24+$0x30];
	_ =	sdelay $0x3  }
0x1e6: {  	v20 =	vmul.f32 v20, v16;
	v21 =	vmul.f32 v40, v17  }
0x1e7: {  	v22 =	vmul.f32 v41, v18;
	v23 =	vmul.f32 v42, v19;
	_ =	sdelay $0x1  }
0x1e8: {  	v20 =	vadd.f32 v21, v20;
	v43 =	vadd.f32 v23, v22;
	_ =	sdelay $0x1  }
0x1e9: {  	v20 =	vadd.f32 v43, v20;
	_ =	sdelay $0x1  }
0x1ea: {  	[tilespmem:$0x190B0] =	vst v20  }
0x1eb: {  	v20 =	vld [tilespmem:s24+$0x40]  }
0x1ec: {  	v44 =	vld [tilespmem:s24+$0x50]  }
0x1ed: {  	v45 =	vld [tilespmem:s24+$0x60]  }
0x1ee: {  	v46 =	vld [tilespmem:s24+$0x70];
	_ =	sdelay $0x3  }
0x1ef: {  	v20 =	vmul.f32 v20, v16;
	v21 =	vmul.f32 v44, v17  }
0x1f0: {  	v22 =	vmul.f32 v45, v18;
	v23 =	vmul.f32 v46, v19;
	_ =	sdelay $0x1  }
0x1f1: {  	v20 =	vadd.f32 v21, v20;
	v47 =	vadd.f32 v23, v22;
	_ =	sdelay $0x1  }
0x1f2: {  	v20 =	vadd.f32 v47, v20;
	_ =	sdelay $0x1  }
0x1f3: {  	[tilespmem:$0x190C0] =	vst v20  }
0x1f4: {  	v20 =	vld [tilespmem:s24+$0x80]  }
0x1f5: {  	v48 =	vld [tilespmem:s24+$0x90]  }
0x1f6: {  	v49 =	vld [tilespmem:s24+$0xA0]  }
0x1f7: {  	v50 =	vld [tilespmem:s24+$0xB0];
	_ =	sdelay $0x3  }
0x1f8: {  	v20 =	vmul.f32 v20, v16;
	v21 =	vmul.f32 v48, v17  }
0x1f9: {  	v22 =	vmul.f32 v49, v18;
	v23 =	vmul.f32 v50, v19;
	_ =	sdelay $0x1  }
0x1fa: {  	v20 =	vadd.f32 v21, v20;
	v51 =	vadd.f32 v23, v22;
	_ =	sdelay $0x1  }
0x1fb: {  	v20 =	vadd.f32 v51, v20;
	_ =	sdelay $0x1  }
0x1fc: {  	[tilespmem:$0x190D0] =	vst v20  }
0x1fd: {  	v20 =	vld [tilespmem:s24+$0xC0]  }
0x1fe: {  	v52 =	vld [tilespmem:s24+$0xD0]  }
0x1ff: {  	v53 =	vld [tilespmem:s24+$0xE0]  }
0x200: {  	v54 =	vld [tilespmem:s24+$0xF0];
	_ =	sdelay $0x3  }
0x201: {  	v20 =	vmul.f32 v20, v16;
	v21 =	vmul.f32 v52, v17  }
0x202: {  	v22 =	vmul.f32 v53, v18;
	v23 =	vmul.f32 v54, v19;
	_ =	sdelay $0x1  }
0x203: {  	v20 =	vadd.f32 v21, v20;
	v55 =	vadd.f32 v23, v22;
	_ =	sdelay $0x1  }
0x204: {  	v20 =	vadd.f32 v55, v20;
	_ =	sdelay $0x1  }
0x205: {  	[tilespmem:$0x190E0] =	vst v20  }
0x206: {  	v20 =	vld [tilespmem:s24+$0x100]  }
0x207: {  	v56 =	vld [tilespmem:s24+$0x110]  }
0x208: {  	v57 =	vld [tilespmem:s24+$0x120]  }
0x209: {  	v58 =	vld [tilespmem:s24+$0x130];
	_ =	sdelay $0x3  }
0x20a: {  	v20 =	vmul.f32 v20, v16;
	v21 =	vmul.f32 v56, v17  }
0x20b: {  	v22 =	vmul.f32 v57, v18;
	v23 =	vmul.f32 v58, v19;
	_ =	sdelay $0x1  }
0x20c: {  	v20 =	vadd.f32 v21, v20;
	v59 =	vadd.f32 v23, v22;
	_ =	sdelay $0x1  }
0x20d: {  	v20 =	vadd.f32 v59, v20;
	_ =	sdelay $0x1  }
0x20e: {  	[tilespmem:$0x190F0] =	vst v20  }
0x20f: {  	v20 =	vld.idx.msk [tilespmem:v0+s15+$0x0], $0xffff  }
0x210: {  	v60 =	vld.idx.msk [tilespmem:v1+s15+$0x0], $0xffff;
	_ =	sdelay $0x1  }
0x211: {  	v61 =	vld.idx.msk [tilespmem:v2+s15+$0x0], $0xffff;
	_ =	sdelay $0x1  }
0x212: {  	v62 =	vld.idx.msk [tilespmem:v3+s15+$0x0], $0xffff  }
0x213: {  	v20 =	vadd.f32 v60, v20  }
0x214: {  	v63 =	vld.idx.msk [tilespmem:v4+s15+$0x0], $0xffff  }
0x215: {  	v20 =	vadd.f32 v61, v20  }
0x216: {  	v24 =	vld.idx.msk [tilespmem:v5+s15+$0x0], $0xffff  }
0x217: {  	v20 =	vadd.f32 v62, v20  }
0x218: {  	v25 =	vld.idx.msk [tilespmem:v6+s15+$0x0], $0xffff  }
0x219: {  	v20 =	vadd.f32 v63, v20  }
0x21a: {  	v26 =	vld.idx.msk [tilespmem:v7+s15+$0x0], $0xffff  }
0x21b: {  	v20 =	vadd.f32 v24, v20  }
0x21c: {  	v27 =	vld.idx.msk [tilespmem:v8+s15+$0x0], $0xffff  }
0x21d: {  	v20 =	vadd.f32 v25, v20  }
0x21e: {  	v28 =	vld.idx.msk [tilespmem:v9+s15+$0x0], $0xffff  }
0x21f: {  	v20 =	vadd.f32 v26, v20  }
0x220: {  	v29 =	vld.idx.msk [tilespmem:v10+s15+$0x0], $0xffff  }
0x221: {  	v20 =	vadd.f32 v27, v20  }
0x222: {  	v30 =	vld.idx.msk [tilespmem:v11+s15+$0x0], $0xffff  }
0x223: {  	v20 =	vadd.f32 v28, v20  }
0x224: {  	v31 =	vld.idx.msk [tilespmem:v12+s15+$0x0], $0xffff  }
0x225: {  	v20 =	vadd.f32 v29, v20  }
0x226: {  	v32 =	vld.idx.msk [tilespmem:v13+s15+$0x0], $0xffff  }
0x227: {  	v20 =	vadd.f32 v30, v20  }
0x228: {  	v33 =	vld.idx.msk [tilespmem:v14+s15+$0x0], $0xffff  }
0x229: {  	v20 =	vadd.f32 v31, v20  }
0x22a: {  	v34 =	vld.idx.msk [tilespmem:v15+s15+$0x0], $0xffff  }
0x22b: {  	v20 =	vadd.f32 v32, v20;
	_ =	sdelay $0x1  }
0x22c: {  	v20 =	vadd.f32 v33, v20;
	_ =	sdelay $0x1  }
0x22d: {  	v20 =	vadd.f32 v34, v20;
	_ =	sdelay $0x1  }
0x22e: {  	[tilespmem:s23+$0xFFFFFFF0] =	vst v20  }
0x22f: {  	v20 =	vld [tilespmem:s24+$0x140]  }
0x230: {  	v35 =	vld [tilespmem:s24+$0x150]  }
0x231: {  	v36 =	vld [tilespmem:s24+$0x160]  }
0x232: {  	v37 =	vld [tilespmem:s24+$0x170];
	_ =	sdelay $0x3  }
0x233: {  	v20 =	vmul.f32 v20, v16;
	v21 =	vmul.f32 v35, v17  }
0x234: {  	v22 =	vmul.f32 v36, v18;
	v23 =	vmul.f32 v37, v19;
	_ =	sdelay $0x1  }
0x235: {  	v20 =	vadd.f32 v21, v20;
	v38 =	vadd.f32 v23, v22;
	_ =	sdelay $0x1  }
0x236: {  	v20 =	vadd.f32 v38, v20;
	_ =	sdelay $0x1  }
0x237: {  	[tilespmem:$0x19000] =	vst v20  }
0x238: {  	v20 =	vld [tilespmem:s24+$0x180]  }
0x239: {  	v39 =	vld [tilespmem:s24+$0x190]  }
0x23a: {  	v40 =	vld [tilespmem:s24+$0x1A0]  }
0x23b: {  	v41 =	vld [tilespmem:s24+$0x1B0];
	_ =	sdelay $0x3  }
0x23c: {  	v20 =	vmul.f32 v20, v16;
	v21 =	vmul.f32 v39, v17  }
0x23d: {  	v22 =	vmul.f32 v40, v18;
	v23 =	vmul.f32 v41, v19;
	_ =	sdelay $0x1  }
0x23e: {  	v20 =	vadd.f32 v21, v20;
	v42 =	vadd.f32 v23, v22;
	_ =	sdelay $0x1  }
0x23f: {  	v20 =	vadd.f32 v42, v20;
	_ =	sdelay $0x1  }
0x240: {  	[tilespmem:$0x19010] =	vst v20  }
0x241: {  	v20 =	vld [tilespmem:s24+$0x1C0]  }
0x242: {  	v43 =	vld [tilespmem:s24+$0x1D0]  }
0x243: {  	v44 =	vld [tilespmem:s24+$0x1E0]  }
0x244: {  	v45 =	vld [tilespmem:s24+$0x1F0];
	_ =	sdelay $0x3  }
0x245: {  	v20 =	vmul.f32 v20, v16;
	v21 =	vmul.f32 v43, v17  }
0x246: {  	v22 =	vmul.f32 v44, v18;
	v23 =	vmul.f32 v45, v19;
	_ =	sdelay $0x1  }
0x247: {  	v20 =	vadd.f32 v21, v20;
	v46 =	vadd.f32 v23, v22;
	_ =	sdelay $0x1  }
0x248: {  	v20 =	vadd.f32 v46, v20;
	_ =	sdelay $0x1  }
0x249: {  	[tilespmem:$0x19020] =	vst v20  }
0x24a: {  	v20 =	vld [tilespmem:s24+$0x200]  }
0x24b: {  	v47 =	vld [tilespmem:s24+$0x210]  }
0x24c: {  	v48 =	vld [tilespmem:s24+$0x220]  }
0x24d: {  	v49 =	vld [tilespmem:s24+$0x230];
	_ =	sdelay $0x3  }
0x24e: {  	v20 =	vmul.f32 v20, v16;
	v21 =	vmul.f32 v47, v17  }
0x24f: {  	v22 =	vmul.f32 v48, v18;
	v23 =	vmul.f32 v49, v19;
	_ =	sdelay $0x1  }
0x250: {  	v20 =	vadd.f32 v21, v20;
	v50 =	vadd.f32 v23, v22;
	_ =	sdelay $0x1  }
0x251: {  	v20 =	vadd.f32 v50, v20;
	_ =	sdelay $0x1  }
0x252: {  	[tilespmem:$0x19030] =	vst v20  }
0x253: {  	v20 =	vld [tilespmem:s24+$0x240]  }
0x254: {  	v51 =	vld [tilespmem:s24+$0x250]  }
0x255: {  	v52 =	vld [tilespmem:s24+$0x260]  }
0x256: {  	v53 =	vld [tilespmem:s24+$0x270];
	_ =	sdelay $0x3  }
0x257: {  	v16 =	vmul.f32 v20, v16;
	v17 =	vmul.f32 v51, v17  }
0x258: {  	v18 =	vmul.f32 v52, v18;
	v19 =	vmul.f32 v53, v19;
	_ =	sdelay $0x1  }
0x259: {  	v16 =	vadd.f32 v17, v16;
	v17 =	vadd.f32 v19, v18;
	_ =	sdelay $0x1  }
0x25a: {  	v16 =	vadd.f32 v17, v16;
	_ =	sdelay $0x1  }
0x25b: {  	[tilespmem:$0x19040] =	vst v16  }
0x25c: {  	v16 =	vld.idx.msk [tilespmem:v0+s15+$0x0], $0xffff  }
0x25d: {  	v17 =	vld.idx.msk [tilespmem:v1+s15+$0x0], $0xffff;
	_ =	sdelay $0x1  }
0x25e: {  	v54 =	vld.idx.msk [tilespmem:v2+s15+$0x0], $0xffff;
	_ =	sdelay $0x1  }
0x25f: {  	v55 =	vld.idx.msk [tilespmem:v3+s15+$0x0], $0xffff  }
0x260: {  	v16 =	vadd.f32 v17, v16  }
0x261: {  	v17 =	vld.idx.msk [tilespmem:v4+s15+$0x0], $0xffff  }
0x262: {  	v16 =	vadd.f32 v54, v16  }
0x263: {  	v56 =	vld.idx.msk [tilespmem:v5+s15+$0x0], $0xffff  }
0x264: {  	v16 =	vadd.f32 v55, v16  }
0x265: {  	v57 =	vld.idx.msk [tilespmem:v6+s15+$0x0], $0xffff  }
0x266: {  	v16 =	vadd.f32 v17, v16  }
0x267: {  	v17 =	vld.idx.msk [tilespmem:v7+s15+$0x0], $0xffff  }
0x268: {  	v16 =	vadd.f32 v56, v16  }
0x269: {  	v58 =	vld.idx.msk [tilespmem:v8+s15+$0x0], $0xffff  }
0x26a: {  	v16 =	vadd.f32 v57, v16  }
0x26b: {  	v59 =	vld.idx.msk [tilespmem:v9+s15+$0x0], $0xffff  }
0x26c: {  	v16 =	vadd.f32 v17, v16  }
0x26d: {  	v17 =	vld.idx.msk [tilespmem:v10+s15+$0x0], $0xffff  }
0x26e: {  	v16 =	vadd.f32 v58, v16  }
0x26f: {  	v60 =	vld.idx.msk [tilespmem:v11+s15+$0x0], $0xffff  }
0x270: {  	v16 =	vadd.f32 v59, v16  }
0x271: {  	v61 =	vld.idx.msk [tilespmem:v12+s15+$0x0], $0xffff  }
0x272: {  	v16 =	vadd.f32 v17, v16  }
0x273: {  	v17 =	vld.idx.msk [tilespmem:v13+s15+$0x0], $0xffff  }
0x274: {  	v16 =	vadd.f32 v60, v16  }
0x275: {  	v62 =	vld.idx.msk [tilespmem:v14+s15+$0x0], $0xffff  }
0x276: {  	v16 =	vadd.f32 v61, v16  }
0x277: {  	v63 =	vld.idx.msk [tilespmem:v15+s15+$0x0], $0xffff  }
0x278: {  	v16 =	vadd.f32 v17, v16  }
0x279: {  	p0 =	sne.s32 s22, $0x1F00  }
.Ltmp1:
0x27a: {  	v16 =	vadd.f32 v62, v16;
	(pc) =	sbr.rel @p0 .LBB2_5-.Ltmp1, $3  }
0x27b: {  	_ = 	snop  }
0x27c: {  	v16 =	vadd.f32 v63, v16;
	_ =	sdelay $0x1  }
0x27d: {  	s22 =	sadd.s32 $0x100, s22;
	s24 =	sadd.s32 $0x500, s24;
	[tilespmem:s23+$0x0] =	vst v16;
	s23 =	sadd.s32 $0x20, s23  }
0x27e: {  	s20 =	sadd.s32 $0x1, s20  }
0x27f: {  	s11 =	sshll.u32 s21, $0x7;
	p0 =	sne.s32 s20, $0x8  }
.Ltmp2:
0x280: {  	s11 =	sadd.s32 s11, s8;
	(pc) =	sbr.rel @p0 .LBB2_2-.Ltmp2, $4  }
0x281: {  	[hbm4b:s11+s2] =	stream.linear.scatter [tilespmem:s17], [sflag:$0x3], $0x400, $0x38;
	[tilespmem:$0x19100] =	vst v63  }
0x282: {  	_ =	swait.ge [sflag:s10], $0x400  }
0x283: {  	[sflag:s10] =	ssyncset.done $0x0  }
0x284: {  	[sflag:s10] =	ssyncadd.s32 $0xFFFFFC00  }
0x285: {  	s19 =	sadd.s32 $0x1, s19  }
0x286: {  	p0 =	sne.s32 s19, s9  }
.Ltmp3:
0x287: {  	_ = 	snop;
	(pc) =	sbr.rel @p0 .LBB2_1-.Ltmp3, $1  }
0x288: {  	_ =	sdelay $0x3  }
0x289: {  	_ =	sfence.sel $0x180000  }
0x28a: {  	[bflag:$0x0] =	sbarrier.arrive $0xFFFF  }
0x28b: {  	_ =	strace $0x90000047  }
0x28c: {  	s0 =	stileid.u32;
	[bflag:$0x2] =	sbarrier.arrive $0xFFFF  }
0x28d: {  	p0 =	sne.s32 s0, $0x0;
	s0 =	rddreg [dreg:$0x3]  }
0x28e: {  	s0 =	sadd.s32 @!p0 $0x100000, s0  }
0x28f: {  	[sflag:s0] =	ssyncadd.tile.s32 @!p0 $0x1;
	_ =	shalt  }
.Lfunc_end2:
_tile_overlayer_lowered:
.L_overlay_start_2:
0x290: {  	(tag) =	ssettag $0x2  }
0x291: {  	s0 =	rddreg [dreg:$0x0];
	s2 =	stileid.u32  }
0x292: {  	s1 =	rddreg [dreg:$0x1];
	p0 =	sne.s32 s2, $0x0  }
0x293: {  	s3 =	rddreg [dreg:$0x2];
	[bflag:$0x3] =	sbarrier.arrive $0xFFFF;
	s2 =	simm.s32 @!p0 $0x1C03  }
0x294: {  	[timem:s3], [sflag:s2] =	dma.local @!p0 [hbm:s0], s1  }
0x295: {  	s0 =	simm.s32 @!p0 $0x3  }
0x296: {  	_ =	swait.ge @!p0 [sflag:s0], s1  }
0x297: {  	s1 =	ssub.s32 @!p0 $0x0, s1;
	[sflag:s0] =	ssyncset.done @!p0 $0x0  }
0x298: {  	[sflag:s0] =	ssyncadd.s32 @!p0 s1  }
0x299: {  	[bflag:$0x3] =	sbarrier.arrive $0xFFFF  }
0x29a: {  	_ =	shalt  }

</sc_bundles>
